<compile_context>
chip_gen: v7x
topology: tpu7x:2x2x1
jax: 0.10.2.dev20260603
libtpu: 0.0.44.dev20260713+nightly
codegen_flags: <defaults>
</compile_context>

<pallas_src>
import functools

import jax
import jax.numpy as jnp
from jax import lax
from jax.experimental import pallas as pl
from jax.experimental.pallas import tpu as pltpu
from jax.experimental.pallas import tpu_sc as plsc

_PARTS = 12
_NB = 2
_LAG = 1


def kernel(features):
    F, B, C, H, W = features.shape
    R = C * H
    rows = R // _PARTS
    x4 = jnp.reshape(features, (F, B, R, W))

    info = plsc.get_sparse_core_info()
    nw = info.num_cores * info.num_subcores
    n_chunks = F * B * _PARTS
    per_w = n_chunks // nw

    mesh = plsc.VectorSubcoreMesh(core_axis_name="c", subcore_axis_name="s")

    @functools.partial(
        pl.kernel,
        out_type=jax.ShapeDtypeStruct((B, F, R, W), features.dtype),
        mesh=mesh,
        scratch_types=[
            pltpu.VMEM((_NB, rows, W), features.dtype),
            pltpu.SemaphoreType.DMA((_NB,)),
            pltpu.SemaphoreType.DMA((_NB,)),
        ],
    )
    def sc_copy(x_hbm, o_hbm, buf, in_sem, out_sem):
        wid = lax.axis_index("s") * info.num_cores + lax.axis_index("c")

        def refs(t, s):
            g = wid * per_w + t
            j = g // (F * _PARTS)
            i = (g // _PARTS) % F
            p = g % _PARTS
            src = x_hbm.at[i, j, pl.ds(p * rows, rows)]
            dst = o_hbm.at[j, i, pl.ds(p * rows, rows)]
            return (
                pltpu.make_async_copy(src, buf.at[s], in_sem.at[s]),
                pltpu.make_async_copy(buf.at[s], dst, out_sem.at[s]),
            )

        for t in range(min(_NB, per_w)):
            refs(t, t % _NB)[0].start()
        waited = [False] * per_w
        for t in range(per_w):
            s = t % _NB
            cin, cout = refs(t, s)
            cin.wait()
            cout.start()
            m = t + _NB - _LAG
            if _NB <= m < per_w:
                refs(m - _NB, m % _NB)[1].wait()
                waited[m - _NB] = True
                refs(m, m % _NB)[0].start()
        for t in range(per_w):
            if not waited[t]:
                refs(t, t % _NB)[1].wait()

    out = sc_copy(x4)
    return jnp.reshape(out, (B, F * C * H, W))

# --- scband reference (transcript-rebuilt; emitter-appended) ---
"""Pipeline reference for scband-ssdlayer-21320217657904 (READ-ONLY COPY).

The authoritative reference and input builder live on the scoring server;
editing this copy changes nothing except your own understanding.
"""

import jax, jax.numpy as jnp
import numpy as np


def setup_inputs(seed: int = 0) -> dict:
    key = jax.random.key(seed)
    # 'features' is iterated in forward; a [3, B, C, H, W] tensor yields 3 feature maps
    features = jax.random.normal(key, (3, 8, 96, 64, 64), dtype=jnp.float32)
    return {"features": features}


def reference(features):
    # p = torch.cat([f.view(B, C*H, -1) for f in features], dim=1)
    # (original code's double -1 view is interpreted as (B, C*H, -1), the only valid reading)
    parts = []
    for i in range(features.shape[0]):
        f = features[i]
        parts.append(jnp.reshape(f, (f.shape[0], f.shape[1] * f.shape[2], -1)))
    p = jnp.concatenate(parts, axis=1)
    # target is None branch: return the concatenated prior/prediction tensor
    return p

if __name__ == "__main__":
    import jax
    _d = setup_inputs()
    print(jax.jit(kernel)(*tuple(_d.values())))

</pallas_src>

<mosaic_0001>
#map = affine_map<(d0, d1) -> (0, 0, 0, 0)>
module attributes {stable_mosaic.version = 14 : i64} {
  func.func @sc_copy(%arg0: i32, %arg1: i32, %arg2: memref<3x8x6144x64xf32, #tpu.memory_space<hbm>>, %arg3: memref<8x3x6144x64xf32, #tpu.memory_space<hbm>>, %arg4: memref<2x512x64xf32, #tpu.memory_space<vmem>>, %arg5: memref<2x!tpu.dma_semaphore, #tpu.memory_space<semaphore_mem>>, %arg6: memref<2x!tpu.dma_semaphore, #tpu.memory_space<semaphore_mem>>) attributes {dimension_semantics = [#tpu.dimension_semantics<core_parallel>, #tpu.dimension_semantics<subcore_parallel>], iteration_bounds = array<i64: 2, 16>, scalar_prefetch = 0 : i64, scratch_operands = 3 : i64, tpu.core_type = #tpu.core_type<sc_vector_subcore>, window_params = [{transform_indices = #map}, {transform_indices = #map}]} {
    %mul3A = arith.constant 2 : i32
    %mul3A_0 = arith.muli %arg1, %mul3A : i32
    %add3A = arith.addi %mul3A_0, %arg0 : i32
    %mul3A_1 = arith.constant 9 : i32
    %mul3A_2 = arith.muli %add3A, %mul3A_1 : i32
    %add3A_3 = arith.constant 0 : i32
    %add3A_4 = arith.addi %mul3A_2, %add3A_3 : i32
    %jit3A = arith.constant 36 : i32
    %div3A = arith.divsi %add3A_4, %jit3A : i32
    %sign3A = arith.constant 0 : i32
    %sign3A_5 = arith.cmpi sgt, %add3A_4, %sign3A : i32
    %sign3A_6 = arith.extui %sign3A_5 : i1 to i32
    %sign3A_7 = arith.constant 0 : i32
    %sign3A_8 = arith.cmpi slt, %add3A_4, %sign3A_7 : i32
    %sign3A_9 = arith.extui %sign3A_8 : i1 to i32
    %sign3A_10 = arith.subi %sign3A_6, %sign3A_9 : i32
    %sign3A_11 = arith.constant 0 : i32
    %sign3A_12 = arith.cmpi sgt, %jit3A, %sign3A_11 : i32
    %sign3A_13 = arith.extui %sign3A_12 : i1 to i32
    %sign3A_14 = arith.constant 0 : i32
    %sign3A_15 = arith.cmpi slt, %jit3A, %sign3A_14 : i32
    %sign3A_16 = arith.extui %sign3A_15 : i1 to i32
    %sign3A_17 = arith.subi %sign3A_13, %sign3A_16 : i32
    %ne3A = arith.cmpi ne, %sign3A_10, %sign3A_17 : i32
    %rem3A = arith.remsi %add3A_4, %jit3A : i32
    %ne3A_18 = arith.constant 0 : i32
    %ne3A_19 = arith.cmpi ne, %rem3A, %ne3A_18 : i32
    %and3A = arith.andi %ne3A, %ne3A_19 : i1
    %sub3A = arith.constant 1 : i32
    %sub3A_20 = arith.subi %div3A, %sub3A : i32
    %select_n3A = arith.select %and3A, %sub3A_20, %div3A : i32
    %jit3A_21 = arith.constant 12 : i32
    %div3A_22 = arith.divsi %add3A_4, %jit3A_21 : i32
    %sign3A_23 = arith.constant 0 : i32
    %sign3A_24 = arith.cmpi sgt, %add3A_4, %sign3A_23 : i32
    %sign3A_25 = arith.extui %sign3A_24 : i1 to i32
    %sign3A_26 = arith.constant 0 : i32
    %sign3A_27 = arith.cmpi slt, %add3A_4, %sign3A_26 : i32
    %sign3A_28 = arith.extui %sign3A_27 : i1 to i32
    %sign3A_29 = arith.subi %sign3A_25, %sign3A_28 : i32
    %sign3A_30 = arith.constant 0 : i32
    %sign3A_31 = arith.cmpi sgt, %jit3A_21, %sign3A_30 : i32
    %sign3A_32 = arith.extui %sign3A_31 : i1 to i32
    %sign3A_33 = arith.constant 0 : i32
    %sign3A_34 = arith.cmpi slt, %jit3A_21, %sign3A_33 : i32
    %sign3A_35 = arith.extui %sign3A_34 : i1 to i32
    %sign3A_36 = arith.subi %sign3A_32, %sign3A_35 : i32
    %ne3A_37 = arith.cmpi ne, %sign3A_29, %sign3A_36 : i32
    %rem3A_38 = arith.remsi %add3A_4, %jit3A_21 : i32
    %ne3A_39 = arith.constant 0 : i32
    %ne3A_40 = arith.cmpi ne, %rem3A_38, %ne3A_39 : i32
    %and3A_41 = arith.andi %ne3A_37, %ne3A_40 : i1
    %sub3A_42 = arith.constant 1 : i32
    %sub3A_43 = arith.subi %div3A_22, %sub3A_42 : i32
    %select_n3A_44 = arith.select %and3A_41, %sub3A_43, %div3A_22 : i32
    %jit3A_45 = arith.constant 3 : i32
    %eq3A = arith.constant 0 : i32
    %eq3A_46 = arith.cmpi eq, %jit3A_45, %eq3A : i32
    %jit3A_47 = arith.constant 1 : i32
    %select_n3A_48 = arith.select %eq3A_46, %jit3A_47, %jit3A_45 : i32
    %rem3A_49 = arith.remsi %select_n3A_44, %select_n3A_48 : i32
    %ne3A_50 = arith.constant 0 : i32
    %ne3A_51 = arith.cmpi ne, %rem3A_49, %ne3A_50 : i32
    %lt3A = arith.constant 0 : i32
    %lt3A_52 = arith.cmpi slt, %rem3A_49, %lt3A : i32
    %lt3A_53 = arith.constant 0 : i32
    %lt3A_54 = arith.cmpi slt, %select_n3A_48, %lt3A_53 : i32
    %ne3A_55 = arith.xori %lt3A_52, %lt3A_54 : i1
    %and3A_56 = arith.andi %ne3A_55, %ne3A_51 : i1
    %add3A_57 = arith.addi %rem3A_49, %select_n3A_48 : i32
    %select_n3A_58 = arith.select %and3A_56, %add3A_57, %rem3A_49 : i32
    %jit3A_59 = arith.constant 12 : i32
    %eq3A_60 = arith.constant 0 : i32
    %eq3A_61 = arith.cmpi eq, %jit3A_59, %eq3A_60 : i32
    %jit3A_62 = arith.constant 1 : i32
    %select_n3A_63 = arith.select %eq3A_61, %jit3A_62, %jit3A_59 : i32
    %rem3A_64 = arith.remsi %add3A_4, %select_n3A_63 : i32
    %ne3A_65 = arith.constant 0 : i32
    %ne3A_66 = arith.cmpi ne, %rem3A_64, %ne3A_65 : i32
    %lt3A_67 = arith.constant 0 : i32
    %lt3A_68 = arith.cmpi slt, %rem3A_64, %lt3A_67 : i32
    %lt3A_69 = arith.constant 0 : i32
    %lt3A_70 = arith.cmpi slt, %select_n3A_63, %lt3A_69 : i32
    %ne3A_71 = arith.xori %lt3A_68, %lt3A_70 : i1
    %and3A_72 = arith.andi %ne3A_71, %ne3A_66 : i1
    %add3A_73 = arith.addi %rem3A_64, %select_n3A_63 : i32
    %select_n3A_74 = arith.select %and3A_72, %add3A_73, %rem3A_64 : i32
    %mul3A_75 = arith.constant 512 : i32
    %mul3A_76 = arith.muli %select_n3A_74, %mul3A_75 : i32
    %mul3A_77 = arith.constant 512 : i32
    %mul3A_78 = arith.muli %select_n3A_74, %mul3A_77 : i32
    %dma_start3A = arith.constant 0 : i32
    %dma_start3A_79 = arith.constant 0 : i32
    %dma_start3A_80 = arith.constant 0 : i32
    %dma_start3A_81 = arith.constant 0 : i32
    %dma_start3A_82 = tpu.memref_slice %arg4[%dma_start3A, %dma_start3A_80, %dma_start3A_81] : memref<2x512x64xf32, #tpu.memory_space<vmem>> -> memref<1x512x64xf32, #tpu.memory_space<vmem>>
    %dma_start3A_83 = tpu.memref_squeeze %dma_start3A_82 : memref<1x512x64xf32, #tpu.memory_space<vmem>> -> memref<512x64xf32, #tpu.memory_space<vmem>>
    %dma_start3A_84 = arith.constant 0 : i32
    %dma_start3A_85 = tpu.memref_slice %arg2[%select_n3A_58, %select_n3A, %mul3A_76, %dma_start3A_84] : memref<3x8x6144x64xf32, #tpu.memory_space<hbm>> -> memref<1x1x512x64xf32, #tpu.memory_space<hbm>>
    %dma_start3A_86 = tpu.memref_squeeze %dma_start3A_85 : memref<1x1x512x64xf32, #tpu.memory_space<hbm>> -> memref<512x64xf32, #tpu.memory_space<hbm>>
    %dma_start3A_87 = tpu.memref_slice %arg5[%dma_start3A_79] : memref<2x!tpu.dma_semaphore, #tpu.memory_space<semaphore_mem>> -> memref<1x!tpu.dma_semaphore, #tpu.memory_space<semaphore_mem>>
    %dma_start3A_88 = tpu.memref_squeeze %dma_start3A_87 : memref<1x!tpu.dma_semaphore, #tpu.memory_space<semaphore_mem>> -> memref<!tpu.dma_semaphore, #tpu.memory_space<semaphore_mem>>
    %dma_start3A_89 = arith.constant 0 : i32
    %dma_start3A_90 = arith.constant 0 : i32
    %dma_start3A_91 = tpu.memref_slice %arg4[%dma_start3A, %dma_start3A_89, %dma_start3A_90] : memref<2x512x64xf32, #tpu.memory_space<vmem>> -> memref<1x512x64xf32, #tpu.memory_space<vmem>>
    %dma_start3A_92 = tpu.memref_squeeze %dma_start3A_91 : memref<1x512x64xf32, #tpu.memory_space<vmem>> -> memref<512x64xf32, #tpu.memory_space<vmem>>
    %dma_start3A_93 = arith.constant 0 : i32
    %dma_start3A_94 = tpu.memref_slice %arg2[%select_n3A_58, %select_n3A, %mul3A_76, %dma_start3A_93] : memref<3x8x6144x64xf32, #tpu.memory_space<hbm>> -> memref<1x1x512x64xf32, #tpu.memory_space<hbm>>
    %dma_start3A_95 = tpu.memref_squeeze %dma_start3A_94 : memref<1x1x512x64xf32, #tpu.memory_space<hbm>> -> memref<512x64xf32, #tpu.memory_space<hbm>>
    tpu.enqueue_dma source(%dma_start3A_95 : memref<512x64xf32, #tpu.memory_space<hbm>>) target(%dma_start3A_92 : memref<512x64xf32, #tpu.memory_space<vmem>>) target_semaphore(%dma_start3A_88 : memref<!tpu.dma_semaphore, #tpu.memory_space<semaphore_mem>>)
    %mul3A_96 = arith.constant 9 : i32
    %mul3A_97 = arith.muli %add3A, %mul3A_96 : i32
    %add3A_98 = arith.constant 1 : i32
    %add3A_99 = arith.addi %mul3A_97, %add3A_98 : i32
    %jit3A_100 = arith.constant 36 : i32
    %div3A_101 = arith.divsi %add3A_99, %jit3A_100 : i32
    %sign3A_102 = arith.constant 0 : i32
    %sign3A_103 = arith.cmpi sgt, %add3A_99, %sign3A_102 : i32
    %sign3A_104 = arith.extui %sign3A_103 : i1 to i32
    %sign3A_105 = arith.constant 0 : i32
    %sign3A_106 = arith.cmpi slt, %add3A_99, %sign3A_105 : i32
    %sign3A_107 = arith.extui %sign3A_106 : i1 to i32
    %sign3A_108 = arith.subi %sign3A_104, %sign3A_107 : i32
    %sign3A_109 = arith.constant 0 : i32
    %sign3A_110 = arith.cmpi sgt, %jit3A_100, %sign3A_109 : i32
    %sign3A_111 = arith.extui %sign3A_110 : i1 to i32
    %sign3A_112 = arith.constant 0 : i32
    %sign3A_113 = arith.cmpi slt, %jit3A_100, %sign3A_112 : i32
    %sign3A_114 = arith.extui %sign3A_113 : i1 to i32
    %sign3A_115 = arith.subi %sign3A_111, %sign3A_114 : i32
    %ne3A_116 = arith.cmpi ne, %sign3A_108, %sign3A_115 : i32
    %rem3A_117 = arith.remsi %add3A_99, %jit3A_100 : i32
    %ne3A_118 = arith.constant 0 : i32
    %ne3A_119 = arith.cmpi ne, %rem3A_117, %ne3A_118 : i32
    %and3A_120 = arith.andi %ne3A_116, %ne3A_119 : i1
    %sub3A_121 = arith.constant 1 : i32
    %sub3A_122 = arith.subi %div3A_101, %sub3A_121 : i32
    %select_n3A_123 = arith.select %and3A_120, %sub3A_122, %div3A_101 : i32
    %jit3A_124 = arith.constant 12 : i32
    %div3A_125 = arith.divsi %add3A_99, %jit3A_124 : i32
    %sign3A_126 = arith.constant 0 : i32
    %sign3A_127 = arith.cmpi sgt, %add3A_99, %sign3A_126 : i32
    %sign3A_128 = arith.extui %sign3A_127 : i1 to i32
    %sign3A_129 = arith.constant 0 : i32
    %sign3A_130 = arith.cmpi slt, %add3A_99, %sign3A_129 : i32
    %sign3A_131 = arith.extui %sign3A_130 : i1 to i32
    %sign3A_132 = arith.subi %sign3A_128, %sign3A_131 : i32
    %sign3A_133 = arith.constant 0 : i32
    %sign3A_134 = arith.cmpi sgt, %jit3A_124, %sign3A_133 : i32
    %sign3A_135 = arith.extui %sign3A_134 : i1 to i32
    %sign3A_136 = arith.constant 0 : i32
    %sign3A_137 = arith.cmpi slt, %jit3A_124, %sign3A_136 : i32
    %sign3A_138 = arith.extui %sign3A_137 : i1 to i32
    %sign3A_139 = arith.subi %sign3A_135, %sign3A_138 : i32
    %ne3A_140 = arith.cmpi ne, %sign3A_132, %sign3A_139 : i32
    %rem3A_141 = arith.remsi %add3A_99, %jit3A_124 : i32
    %ne3A_142 = arith.constant 0 : i32
    %ne3A_143 = arith.cmpi ne, %rem3A_141, %ne3A_142 : i32
    %and3A_144 = arith.andi %ne3A_140, %ne3A_143 : i1
    %sub3A_145 = arith.constant 1 : i32
    %sub3A_146 = arith.subi %div3A_125, %sub3A_145 : i32
    %select_n3A_147 = arith.select %and3A_144, %sub3A_146, %div3A_125 : i32
    %jit3A_148 = arith.constant 3 : i32
    %eq3A_149 = arith.constant 0 : i32
    %eq3A_150 = arith.cmpi eq, %jit3A_148, %eq3A_149 : i32
    %jit3A_151 = arith.constant 1 : i32
    %select_n3A_152 = arith.select %eq3A_150, %jit3A_151, %jit3A_148 : i32
    %rem3A_153 = arith.remsi %select_n3A_147, %select_n3A_152 : i32
    %ne3A_154 = arith.constant 0 : i32
    %ne3A_155 = arith.cmpi ne, %rem3A_153, %ne3A_154 : i32
    %lt3A_156 = arith.constant 0 : i32
    %lt3A_157 = arith.cmpi slt, %rem3A_153, %lt3A_156 : i32
    %lt3A_158 = arith.constant 0 : i32
    %lt3A_159 = arith.cmpi slt, %select_n3A_152, %lt3A_158 : i32
    %ne3A_160 = arith.xori %lt3A_157, %lt3A_159 : i1
    %and3A_161 = arith.andi %ne3A_160, %ne3A_155 : i1
    %add3A_162 = arith.addi %rem3A_153, %select_n3A_152 : i32
    %select_n3A_163 = arith.select %and3A_161, %add3A_162, %rem3A_153 : i32
    %jit3A_164 = arith.constant 12 : i32
    %eq3A_165 = arith.constant 0 : i32
    %eq3A_166 = arith.cmpi eq, %jit3A_164, %eq3A_165 : i32
    %jit3A_167 = arith.constant 1 : i32
    %select_n3A_168 = arith.select %eq3A_166, %jit3A_167, %jit3A_164 : i32
    %rem3A_169 = arith.remsi %add3A_99, %select_n3A_168 : i32
    %ne3A_170 = arith.constant 0 : i32
    %ne3A_171 = arith.cmpi ne, %rem3A_169, %ne3A_170 : i32
    %lt3A_172 = arith.constant 0 : i32
    %lt3A_173 = arith.cmpi slt, %rem3A_169, %lt3A_172 : i32
    %lt3A_174 = arith.constant 0 : i32
    %lt3A_175 = arith.cmpi slt, %select_n3A_168, %lt3A_174 : i32
    %ne3A_176 = arith.xori %lt3A_173, %lt3A_175 : i1
    %and3A_177 = arith.andi %ne3A_176, %ne3A_171 : i1
    %add3A_178 = arith.addi %rem3A_169, %select_n3A_168 : i32
    %select_n3A_179 = arith.select %and3A_177, %add3A_178, %rem3A_169 : i32
    %mul3A_180 = arith.constant 512 : i32
    %mul3A_181 = arith.muli %select_n3A_179, %mul3A_180 : i32
    %mul3A_182 = arith.constant 512 : i32
    %mul3A_183 = arith.muli %select_n3A_179, %mul3A_182 : i32
    %dma_start3A_184 = arith.constant 1 : i32
    %dma_start3A_185 = arith.constant 1 : i32
    %dma_start3A_186 = arith.constant 0 : i32
    %dma_start3A_187 = arith.constant 0 : i32
    %dma_start3A_188 = tpu.memref_slice %arg4[%dma_start3A_184, %dma_start3A_186, %dma_start3A_187] : memref<2x512x64xf32, #tpu.memory_space<vmem>> -> memref<1x512x64xf32, #tpu.memory_space<vmem>>
    %dma_start3A_189 = tpu.memref_squeeze %dma_start3A_188 : memref<1x512x64xf32, #tpu.memory_space<vmem>> -> memref<512x64xf32, #tpu.memory_space<vmem>>
    %dma_start3A_190 = arith.constant 0 : i32
    %dma_start3A_191 = tpu.memref_slice %arg2[%select_n3A_163, %select_n3A_123, %mul3A_181, %dma_start3A_190] : memref<3x8x6144x64xf32, #tpu.memory_space<hbm>> -> memref<1x1x512x64xf32, #tpu.memory_space<hbm>>
    %dma_start3A_192 = tpu.memref_squeeze %dma_start3A_191 : memref<1x1x512x64xf32, #tpu.memory_space<hbm>> -> memref<512x64xf32, #tpu.memory_space<hbm>>
    %dma_start3A_193 = tpu.memref_slice %arg5[%dma_start3A_185] : memref<2x!tpu.dma_semaphore, #tpu.memory_space<semaphore_mem>> -> memref<1x!tpu.dma_semaphore, #tpu.memory_space<semaphore_mem>>
    %dma_start3A_194 = tpu.memref_squeeze %dma_start3A_193 : memref<1x!tpu.dma_semaphore, #tpu.memory_space<semaphore_mem>> -> memref<!tpu.dma_semaphore, #tpu.memory_space<semaphore_mem>>
    %dma_start3A_195 = arith.constant 0 : i32
    %dma_start3A_196 = arith.constant 0 : i32
    %dma_start3A_197 = tpu.memref_slice %arg4[%dma_start3A_184, %dma_start3A_195, %dma_start3A_196] : memref<2x512x64xf32, #tpu.memory_space<vmem>> -> memref<1x512x64xf32, #tpu.memory_space<vmem>>
    %dma_start3A_198 = tpu.memref_squeeze %dma_start3A_197 : memref<1x512x64xf32, #tpu.memory_space<vmem>> -> memref<512x64xf32, #tpu.memory_space<vmem>>
    %dma_start3A_199 = arith.constant 0 : i32
    %dma_start3A_200 = tpu.memref_slice %arg2[%select_n3A_163, %select_n3A_123, %mul3A_181, %dma_start3A_199] : memref<3x8x6144x64xf32, #tpu.memory_space<hbm>> -> memref<1x1x512x64xf32, #tpu.memory_space<hbm>>
    %dma_start3A_201 = tpu.memref_squeeze %dma_start3A_200 : memref<1x1x512x64xf32, #tpu.memory_space<hbm>> -> memref<512x64xf32, #tpu.memory_space<hbm>>
    tpu.enqueue_dma source(%dma_start3A_201 : memref<512x64xf32, #tpu.memory_space<hbm>>) target(%dma_start3A_198 : memref<512x64xf32, #tpu.memory_space<vmem>>) target_semaphore(%dma_start3A_194 : memref<!tpu.dma_semaphore, #tpu.memory_space<semaphore_mem>>)
    %mul3A_202 = arith.constant 9 : i32
    %mul3A_203 = arith.muli %add3A, %mul3A_202 : i32
    %add3A_204 = arith.constant 0 : i32
    %add3A_205 = arith.addi %mul3A_203, %add3A_204 : i32
    %jit3A_206 = arith.constant 36 : i32
    %div3A_207 = arith.divsi %add3A_205, %jit3A_206 : i32
    %sign3A_208 = arith.constant 0 : i32
    %sign3A_209 = arith.cmpi sgt, %add3A_205, %sign3A_208 : i32
    %sign3A_210 = arith.extui %sign3A_209 : i1 to i32
    %sign3A_211 = arith.constant 0 : i32
    %sign3A_212 = arith.cmpi slt, %add3A_205, %sign3A_211 : i32
    %sign3A_213 = arith.extui %sign3A_212 : i1 to i32
    %sign3A_214 = arith.subi %sign3A_210, %sign3A_213 : i32
    %sign3A_215 = arith.constant 0 : i32
    %sign3A_216 = arith.cmpi sgt, %jit3A_206, %sign3A_215 : i32
    %sign3A_217 = arith.extui %sign3A_216 : i1 to i32
    %sign3A_218 = arith.constant 0 : i32
    %sign3A_219 = arith.cmpi slt, %jit3A_206, %sign3A_218 : i32
    %sign3A_220 = arith.extui %sign3A_219 : i1 to i32
    %sign3A_221 = arith.subi %sign3A_217, %sign3A_220 : i32
    %ne3A_222 = arith.cmpi ne, %sign3A_214, %sign3A_221 : i32
    %rem3A_223 = arith.remsi %add3A_205, %jit3A_206 : i32
    %ne3A_224 = arith.constant 0 : i32
    %ne3A_225 = arith.cmpi ne, %rem3A_223, %ne3A_224 : i32
    %and3A_226 = arith.andi %ne3A_222, %ne3A_225 : i1
    %sub3A_227 = arith.constant 1 : i32
    %sub3A_228 = arith.subi %div3A_207, %sub3A_227 : i32
    %select_n3A_229 = arith.select %and3A_226, %sub3A_228, %div3A_207 : i32
    %jit3A_230 = arith.constant 12 : i32
    %div3A_231 = arith.divsi %add3A_205, %jit3A_230 : i32
    %sign3A_232 = arith.constant 0 : i32
    %sign3A_233 = arith.cmpi sgt, %add3A_205, %sign3A_232 : i32
    %sign3A_234 = arith.extui %sign3A_233 : i1 to i32
    %sign3A_235 = arith.constant 0 : i32
    %sign3A_236 = arith.cmpi slt, %add3A_205, %sign3A_235 : i32
    %sign3A_237 = arith.extui %sign3A_236 : i1 to i32
    %sign3A_238 = arith.subi %sign3A_234, %sign3A_237 : i32
    %sign3A_239 = arith.constant 0 : i32
    %sign3A_240 = arith.cmpi sgt, %jit3A_230, %sign3A_239 : i32
    %sign3A_241 = arith.extui %sign3A_240 : i1 to i32
    %sign3A_242 = arith.constant 0 : i32
    %sign3A_243 = arith.cmpi slt, %jit3A_230, %sign3A_242 : i32
    %sign3A_244 = arith.extui %sign3A_243 : i1 to i32
    %sign3A_245 = arith.subi %sign3A_241, %sign3A_244 : i32
    %ne3A_246 = arith.cmpi ne, %sign3A_238, %sign3A_245 : i32
    %rem3A_247 = arith.remsi %add3A_205, %jit3A_230 : i32
    %ne3A_248 = arith.constant 0 : i32
    %ne3A_249 = arith.cmpi ne, %rem3A_247, %ne3A_248 : i32
    %and3A_250 = arith.andi %ne3A_246, %ne3A_249 : i1
    %sub3A_251 = arith.constant 1 : i32
    %sub3A_252 = arith.subi %div3A_231, %sub3A_251 : i32
    %select_n3A_253 = arith.select %and3A_250, %sub3A_252, %div3A_231 : i32
    %jit3A_254 = arith.constant 3 : i32
    %eq3A_255 = arith.constant 0 : i32
    %eq3A_256 = arith.cmpi eq, %jit3A_254, %eq3A_255 : i32
    %jit3A_257 = arith.constant 1 : i32
    %select_n3A_258 = arith.select %eq3A_256, %jit3A_257, %jit3A_254 : i32
    %rem3A_259 = arith.remsi %select_n3A_253, %select_n3A_258 : i32
    %ne3A_260 = arith.constant 0 : i32
    %ne3A_261 = arith.cmpi ne, %rem3A_259, %ne3A_260 : i32
    %lt3A_262 = arith.constant 0 : i32
    %lt3A_263 = arith.cmpi slt, %rem3A_259, %lt3A_262 : i32
    %lt3A_264 = arith.constant 0 : i32
    %lt3A_265 = arith.cmpi slt, %select_n3A_258, %lt3A_264 : i32
    %ne3A_266 = arith.xori %lt3A_263, %lt3A_265 : i1
    %and3A_267 = arith.andi %ne3A_266, %ne3A_261 : i1
    %add3A_268 = arith.addi %rem3A_259, %select_n3A_258 : i32
    %select_n3A_269 = arith.select %and3A_267, %add3A_268, %rem3A_259 : i32
    %jit3A_270 = arith.constant 12 : i32
    %eq3A_271 = arith.constant 0 : i32
    %eq3A_272 = arith.cmpi eq, %jit3A_270, %eq3A_271 : i32
    %jit3A_273 = arith.constant 1 : i32
    %select_n3A_274 = arith.select %eq3A_272, %jit3A_273, %jit3A_270 : i32
    %rem3A_275 = arith.remsi %add3A_205, %select_n3A_274 : i32
    %ne3A_276 = arith.constant 0 : i32
    %ne3A_277 = arith.cmpi ne, %rem3A_275, %ne3A_276 : i32
    %lt3A_278 = arith.constant 0 : i32
    %lt3A_279 = arith.cmpi slt, %rem3A_275, %lt3A_278 : i32
    %lt3A_280 = arith.constant 0 : i32
    %lt3A_281 = arith.cmpi slt, %select_n3A_274, %lt3A_280 : i32
    %ne3A_282 = arith.xori %lt3A_279, %lt3A_281 : i1
    %and3A_283 = arith.andi %ne3A_282, %ne3A_277 : i1
    %add3A_284 = arith.addi %rem3A_275, %select_n3A_274 : i32
    %select_n3A_285 = arith.select %and3A_283, %add3A_284, %rem3A_275 : i32
    %mul3A_286 = arith.constant 512 : i32
    %mul3A_287 = arith.muli %select_n3A_285, %mul3A_286 : i32
    %mul3A_288 = arith.constant 512 : i32
    %mul3A_289 = arith.muli %select_n3A_285, %mul3A_288 : i32
    %dma_wait3A = arith.constant 0 : i32
    %dma_wait3A_290 = arith.constant 0 : i32
    %dma_wait3A_291 = arith.constant 0 : i32
    %dma_wait3A_292 = arith.constant 0 : i32
    %dma_wait3A_293 = tpu.memref_slice %arg4[%dma_wait3A, %dma_wait3A_291, %dma_wait3A_292] : memref<2x512x64xf32, #tpu.memory_space<vmem>> -> memref<1x512x64xf32, #tpu.memory_space<vmem>>
    %dma_wait3A_294 = tpu.memref_squeeze %dma_wait3A_293 : memref<1x512x64xf32, #tpu.memory_space<vmem>> -> memref<512x64xf32, #tpu.memory_space<vmem>>
    %dma_wait3A_295 = arith.constant 0 : i32
    %dma_wait3A_296 = tpu.memref_slice %arg2[%select_n3A_269, %select_n3A_229, %mul3A_287, %dma_wait3A_295] : memref<3x8x6144x64xf32, #tpu.memory_space<hbm>> -> memref<1x1x512x64xf32, #tpu.memory_space<hbm>>
    %dma_wait3A_297 = tpu.memref_squeeze %dma_wait3A_296 : memref<1x1x512x64xf32, #tpu.memory_space<hbm>> -> memref<512x64xf32, #tpu.memory_space<hbm>>
    %dma_wait3A_298 = tpu.memref_slice %arg5[%dma_wait3A_290] : memref<2x!tpu.dma_semaphore, #tpu.memory_space<semaphore_mem>> -> memref<1x!tpu.dma_semaphore, #tpu.memory_space<semaphore_mem>>
    %dma_wait3A_299 = tpu.memref_squeeze %dma_wait3A_298 : memref<1x!tpu.dma_semaphore, #tpu.memory_space<semaphore_mem>> -> memref<!tpu.dma_semaphore, #tpu.memory_space<semaphore_mem>>
    %dma_wait3A_300 = arith.constant 0 : i32
    %dma_wait3A_301 = arith.constant 0 : i32
    %dma_wait3A_302 = tpu.memref_slice %arg4[%dma_wait3A, %dma_wait3A_300, %dma_wait3A_301] : memref<2x512x64xf32, #tpu.memory_space<vmem>> -> memref<1x512x64xf32, #tpu.memory_space<vmem>>
    %dma_wait3A_303 = tpu.memref_squeeze %dma_wait3A_302 : memref<1x512x64xf32, #tpu.memory_space<vmem>> -> memref<512x64xf32, #tpu.memory_space<vmem>>
    %dma_wait3A_304 = arith.constant 0 : i32
    %dma_wait3A_305 = tpu.memref_slice %arg2[%select_n3A_269, %select_n3A_229, %mul3A_287, %dma_wait3A_304] : memref<3x8x6144x64xf32, #tpu.memory_space<hbm>> -> memref<1x1x512x64xf32, #tpu.memory_space<hbm>>
    %dma_wait3A_306 = tpu.memref_squeeze %dma_wait3A_305 : memref<1x1x512x64xf32, #tpu.memory_space<hbm>> -> memref<512x64xf32, #tpu.memory_space<hbm>>
    tpu.wait_dma2 semaphore(%dma_wait3A_299 : memref<!tpu.dma_semaphore, #tpu.memory_space<semaphore_mem>>) src(%dma_wait3A_306 : memref<512x64xf32, #tpu.memory_space<hbm>>) dst(%dma_wait3A_303 : memref<512x64xf32, #tpu.memory_space<vmem>>)
    %dma_start3A_307 = arith.constant 0 : i32
    %dma_start3A_308 = arith.constant 0 : i32
    %dma_start3A_309 = arith.constant 0 : i32
    %dma_start3A_310 = arith.constant 0 : i32
    %dma_start3A_311 = tpu.memref_slice %arg4[%dma_start3A_307, %dma_start3A_309, %dma_start3A_310] : memref<2x512x64xf32, #tpu.memory_space<vmem>> -> memref<1x512x64xf32, #tpu.memory_space<vmem>>
    %dma_start3A_312 = tpu.memref_squeeze %dma_start3A_311 : memref<1x512x64xf32, #tpu.memory_space<vmem>> -> memref<512x64xf32, #tpu.memory_space<vmem>>
    %dma_start3A_313 = arith.constant 0 : i32
    %dma_start3A_314 = tpu.memref_slice %arg3[%select_n3A_229, %select_n3A_269, %mul3A_289, %dma_start3A_313] : memref<8x3x6144x64xf32, #tpu.memory_space<hbm>> -> memref<1x1x512x64xf32, #tpu.memory_space<hbm>>
    %dma_start3A_315 = tpu.memref_squeeze %dma_start3A_314 : memref<1x1x512x64xf32, #tpu.memory_space<hbm>> -> memref<512x64xf32, #tpu.memory_space<hbm>>
    %dma_start3A_316 = tpu.memref_slice %arg6[%dma_start3A_308] : memref<2x!tpu.dma_semaphore, #tpu.memory_space<semaphore_mem>> -> memref<1x!tpu.dma_semaphore, #tpu.memory_space<semaphore_mem>>
    %dma_start3A_317 = tpu.memref_squeeze %dma_start3A_316 : memref<1x!tpu.dma_semaphore, #tpu.memory_space<semaphore_mem>> -> memref<!tpu.dma_semaphore, #tpu.memory_space<semaphore_mem>>
    %dma_start3A_318 = arith.constant 0 : i32
    %dma_start3A_319 = tpu.memref_slice %arg3[%select_n3A_229, %select_n3A_269, %mul3A_289, %dma_start3A_318] : memref<8x3x6144x64xf32, #tpu.memory_space<hbm>> -> memref<1x1x512x64xf32, #tpu.memory_space<hbm>>
    %dma_start3A_320 = tpu.memref_squeeze %dma_start3A_319 : memref<1x1x512x64xf32, #tpu.memory_space<hbm>> -> memref<512x64xf32, #tpu.memory_space<hbm>>
    %dma_start3A_321 = arith.constant 0 : i32
    %dma_start3A_322 = arith.constant 0 : i32
    %dma_start3A_323 = tpu.memref_slice %arg4[%dma_start3A_307, %dma_start3A_321, %dma_start3A_322] : memref<2x512x64xf32, #tpu.memory_space<vmem>> -> memref<1x512x64xf32, #tpu.memory_space<vmem>>
    %dma_start3A_324 = tpu.memref_squeeze %dma_start3A_323 : memref<1x512x64xf32, #tpu.memory_space<vmem>> -> memref<512x64xf32, #tpu.memory_space<vmem>>
    tpu.enqueue_dma source(%dma_start3A_324 : memref<512x64xf32, #tpu.memory_space<vmem>>) target(%dma_start3A_320 : memref<512x64xf32, #tpu.memory_space<hbm>>) target_semaphore(%dma_start3A_317 : memref<!tpu.dma_semaphore, #tpu.memory_space<semaphore_mem>>)
    %mul3A_325 = arith.constant 9 : i32
    %mul3A_326 = arith.muli %add3A, %mul3A_325 : i32
    %add3A_327 = arith.constant 1 : i32
    %add3A_328 = arith.addi %mul3A_326, %add3A_327 : i32
    %jit3A_329 = arith.constant 36 : i32
    %div3A_330 = arith.divsi %add3A_328, %jit3A_329 : i32
    %sign3A_331 = arith.constant 0 : i32
    %sign3A_332 = arith.cmpi sgt, %add3A_328, %sign3A_331 : i32
    %sign3A_333 = arith.extui %sign3A_332 : i1 to i32
    %sign3A_334 = arith.constant 0 : i32
    %sign3A_335 = arith.cmpi slt, %add3A_328, %sign3A_334 : i32
    %sign3A_336 = arith.extui %sign3A_335 : i1 to i32
    %sign3A_337 = arith.subi %sign3A_333, %sign3A_336 : i32
    %sign3A_338 = arith.constant 0 : i32
    %sign3A_339 = arith.cmpi sgt, %jit3A_329, %sign3A_338 : i32
    %sign3A_340 = arith.extui %sign3A_339 : i1 to i32
    %sign3A_341 = arith.constant 0 : i32
    %sign3A_342 = arith.cmpi slt, %jit3A_329, %sign3A_341 : i32
    %sign3A_343 = arith.extui %sign3A_342 : i1 to i32
    %sign3A_344 = arith.subi %sign3A_340, %sign3A_343 : i32
    %ne3A_345 = arith.cmpi ne, %sign3A_337, %sign3A_344 : i32
    %rem3A_346 = arith.remsi %add3A_328, %jit3A_329 : i32
    %ne3A_347 = arith.constant 0 : i32
    %ne3A_348 = arith.cmpi ne, %rem3A_346, %ne3A_347 : i32
    %and3A_349 = arith.andi %ne3A_345, %ne3A_348 : i1
    %sub3A_350 = arith.constant 1 : i32
    %sub3A_351 = arith.subi %div3A_330, %sub3A_350 : i32
    %select_n3A_352 = arith.select %and3A_349, %sub3A_351, %div3A_330 : i32
    %jit3A_353 = arith.constant 12 : i32
    %div3A_354 = arith.divsi %add3A_328, %jit3A_353 : i32
    %sign3A_355 = arith.constant 0 : i32
    %sign3A_356 = arith.cmpi sgt, %add3A_328, %sign3A_355 : i32
    %sign3A_357 = arith.extui %sign3A_356 : i1 to i32
    %sign3A_358 = arith.constant 0 : i32
    %sign3A_359 = arith.cmpi slt, %add3A_328, %sign3A_358 : i32
    %sign3A_360 = arith.extui %sign3A_359 : i1 to i32
    %sign3A_361 = arith.subi %sign3A_357, %sign3A_360 : i32
    %sign3A_362 = arith.constant 0 : i32
    %sign3A_363 = arith.cmpi sgt, %jit3A_353, %sign3A_362 : i32
    %sign3A_364 = arith.extui %sign3A_363 : i1 to i32
    %sign3A_365 = arith.constant 0 : i32
    %sign3A_366 = arith.cmpi slt, %jit3A_353, %sign3A_365 : i32
    %sign3A_367 = arith.extui %sign3A_366 : i1 to i32
    %sign3A_368 = arith.subi %sign3A_364, %sign3A_367 : i32
    %ne3A_369 = arith.cmpi ne, %sign3A_361, %sign3A_368 : i32
    %rem3A_370 = arith.remsi %add3A_328, %jit3A_353 : i32
    %ne3A_371 = arith.constant 0 : i32
    %ne3A_372 = arith.cmpi ne, %rem3A_370, %ne3A_371 : i32
    %and3A_373 = arith.andi %ne3A_369, %ne3A_372 : i1
    %sub3A_374 = arith.constant 1 : i32
    %sub3A_375 = arith.subi %div3A_354, %sub3A_374 : i32
    %select_n3A_376 = arith.select %and3A_373, %sub3A_375, %div3A_354 : i32
    %jit3A_377 = arith.constant 3 : i32
    %eq3A_378 = arith.constant 0 : i32
    %eq3A_379 = arith.cmpi eq, %jit3A_377, %eq3A_378 : i32
    %jit3A_380 = arith.constant 1 : i32
    %select_n3A_381 = arith.select %eq3A_379, %jit3A_380, %jit3A_377 : i32
    %rem3A_382 = arith.remsi %select_n3A_376, %select_n3A_381 : i32
    %ne3A_383 = arith.constant 0 : i32
    %ne3A_384 = arith.cmpi ne, %rem3A_382, %ne3A_383 : i32
    %lt3A_385 = arith.constant 0 : i32
    %lt3A_386 = arith.cmpi slt, %rem3A_382, %lt3A_385 : i32
    %lt3A_387 = arith.constant 0 : i32
    %lt3A_388 = arith.cmpi slt, %select_n3A_381, %lt3A_387 : i32
    %ne3A_389 = arith.xori %lt3A_386, %lt3A_388 : i1
    %and3A_390 = arith.andi %ne3A_389, %ne3A_384 : i1
    %add3A_391 = arith.addi %rem3A_382, %select_n3A_381 : i32
    %select_n3A_392 = arith.select %and3A_390, %add3A_391, %rem3A_382 : i32
    %jit3A_393 = arith.constant 12 : i32
    %eq3A_394 = arith.constant 0 : i32
    %eq3A_395 = arith.cmpi eq, %jit3A_393, %eq3A_394 : i32
    %jit3A_396 = arith.constant 1 : i32
    %select_n3A_397 = arith.select %eq3A_395, %jit3A_396, %jit3A_393 : i32
    %rem3A_398 = arith.remsi %add3A_328, %select_n3A_397 : i32
    %ne3A_399 = arith.constant 0 : i32
    %ne3A_400 = arith.cmpi ne, %rem3A_398, %ne3A_399 : i32
    %lt3A_401 = arith.constant 0 : i32
    %lt3A_402 = arith.cmpi slt, %rem3A_398, %lt3A_401 : i32
    %lt3A_403 = arith.constant 0 : i32
    %lt3A_404 = arith.cmpi slt, %select_n3A_397, %lt3A_403 : i32
    %ne3A_405 = arith.xori %lt3A_402, %lt3A_404 : i1
    %and3A_406 = arith.andi %ne3A_405, %ne3A_400 : i1
    %add3A_407 = arith.addi %rem3A_398, %select_n3A_397 : i32
    %select_n3A_408 = arith.select %and3A_406, %add3A_407, %rem3A_398 : i32
    %mul3A_409 = arith.constant 512 : i32
    %mul3A_410 = arith.muli %select_n3A_408, %mul3A_409 : i32
    %mul3A_411 = arith.constant 512 : i32
    %mul3A_412 = arith.muli %select_n3A_408, %mul3A_411 : i32
    %dma_wait3A_413 = arith.constant 1 : i32
    %dma_wait3A_414 = arith.constant 1 : i32
    %dma_wait3A_415 = arith.constant 0 : i32
    %dma_wait3A_416 = arith.constant 0 : i32
    %dma_wait3A_417 = tpu.memref_slice %arg4[%dma_wait3A_413, %dma_wait3A_415, %dma_wait3A_416] : memref<2x512x64xf32, #tpu.memory_space<vmem>> -> memref<1x512x64xf32, #tpu.memory_space<vmem>>
    %dma_wait3A_418 = tpu.memref_squeeze %dma_wait3A_417 : memref<1x512x64xf32, #tpu.memory_space<vmem>> -> memref<512x64xf32, #tpu.memory_space<vmem>>
    %dma_wait3A_419 = arith.constant 0 : i32
    %dma_wait3A_420 = tpu.memref_slice %arg2[%select_n3A_392, %select_n3A_352, %mul3A_410, %dma_wait3A_419] : memref<3x8x6144x64xf32, #tpu.memory_space<hbm>> -> memref<1x1x512x64xf32, #tpu.memory_space<hbm>>
    %dma_wait3A_421 = tpu.memref_squeeze %dma_wait3A_420 : memref<1x1x512x64xf32, #tpu.memory_space<hbm>> -> memref<512x64xf32, #tpu.memory_space<hbm>>
    %dma_wait3A_422 = tpu.memref_slice %arg5[%dma_wait3A_414] : memref<2x!tpu.dma_semaphore, #tpu.memory_space<semaphore_mem>> -> memref<1x!tpu.dma_semaphore, #tpu.memory_space<semaphore_mem>>
    %dma_wait3A_423 = tpu.memref_squeeze %dma_wait3A_422 : memref<1x!tpu.dma_semaphore, #tpu.memory_space<semaphore_mem>> -> memref<!tpu.dma_semaphore, #tpu.memory_space<semaphore_mem>>
    %dma_wait3A_424 = arith.constant 0 : i32
    %dma_wait3A_425 = arith.constant 0 : i32
    %dma_wait3A_426 = tpu.memref_slice %arg4[%dma_wait3A_413, %dma_wait3A_424, %dma_wait3A_425] : memref<2x512x64xf32, #tpu.memory_space<vmem>> -> memref<1x512x64xf32, #tpu.memory_space<vmem>>
    %dma_wait3A_427 = tpu.memref_squeeze %dma_wait3A_426 : memref<1x512x64xf32, #tpu.memory_space<vmem>> -> memref<512x64xf32, #tpu.memory_space<vmem>>
    %dma_wait3A_428 = arith.constant 0 : i32
    %dma_wait3A_429 = tpu.memref_slice %arg2[%select_n3A_392, %select_n3A_352, %mul3A_410, %dma_wait3A_428] : memref<3x8x6144x64xf32, #tpu.memory_space<hbm>> -> memref<1x1x512x64xf32, #tpu.memory_space<hbm>>
    %dma_wait3A_430 = tpu.memref_squeeze %dma_wait3A_429 : memref<1x1x512x64xf32, #tpu.memory_space<hbm>> -> memref<512x64xf32, #tpu.memory_space<hbm>>
    tpu.wait_dma2 semaphore(%dma_wait3A_423 : memref<!tpu.dma_semaphore, #tpu.memory_space<semaphore_mem>>) src(%dma_wait3A_430 : memref<512x64xf32, #tpu.memory_space<hbm>>) dst(%dma_wait3A_427 : memref<512x64xf32, #tpu.memory_space<vmem>>)
    %dma_start3A_431 = arith.constant 1 : i32
    %dma_start3A_432 = arith.constant 1 : i32
    %dma_start3A_433 = arith.constant 0 : i32
    %dma_start3A_434 = arith.constant 0 : i32
    %dma_start3A_435 = tpu.memref_slice %arg4[%dma_start3A_431, %dma_start3A_433, %dma_start3A_434] : memref<2x512x64xf32, #tpu.memory_space<vmem>> -> memref<1x512x64xf32, #tpu.memory_space<vmem>>
    %dma_start3A_436 = tpu.memref_squeeze %dma_start3A_435 : memref<1x512x64xf32, #tpu.memory_space<vmem>> -> memref<512x64xf32, #tpu.memory_space<vmem>>
    %dma_start3A_437 = arith.constant 0 : i32
    %dma_start3A_438 = tpu.memref_slice %arg3[%select_n3A_352, %select_n3A_392, %mul3A_412, %dma_start3A_437] : memref<8x3x6144x64xf32, #tpu.memory_space<hbm>> -> memref<1x1x512x64xf32, #tpu.memory_space<hbm>>
    %dma_start3A_439 = tpu.memref_squeeze %dma_start3A_438 : memref<1x1x512x64xf32, #tpu.memory_space<hbm>> -> memref<512x64xf32, #tpu.memory_space<hbm>>
    %dma_start3A_440 = tpu.memref_slice %arg6[%dma_start3A_432] : memref<2x!tpu.dma_semaphore, #tpu.memory_space<semaphore_mem>> -> memref<1x!tpu.dma_semaphore, #tpu.memory_space<semaphore_mem>>
    %dma_start3A_441 = tpu.memref_squeeze %dma_start3A_440 : memref<1x!tpu.dma_semaphore, #tpu.memory_space<semaphore_mem>> -> memref<!tpu.dma_semaphore, #tpu.memory_space<semaphore_mem>>
    %dma_start3A_442 = arith.constant 0 : i32
    %dma_start3A_443 = tpu.memref_slice %arg3[%select_n3A_352, %select_n3A_392, %mul3A_412, %dma_start3A_442] : memref<8x3x6144x64xf32, #tpu.memory_space<hbm>> -> memref<1x1x512x64xf32, #tpu.memory_space<hbm>>
    %dma_start3A_444 = tpu.memref_squeeze %dma_start3A_443 : memref<1x1x512x64xf32, #tpu.memory_space<hbm>> -> memref<512x64xf32, #tpu.memory_space<hbm>>
    %dma_start3A_445 = arith.constant 0 : i32
    %dma_start3A_446 = arith.constant 0 : i32
    %dma_start3A_447 = tpu.memref_slice %arg4[%dma_start3A_431, %dma_start3A_445, %dma_start3A_446] : memref<2x512x64xf32, #tpu.memory_space<vmem>> -> memref<1x512x64xf32, #tpu.memory_space<vmem>>
    %dma_start3A_448 = tpu.memref_squeeze %dma_start3A_447 : memref<1x512x64xf32, #tpu.memory_space<vmem>> -> memref<512x64xf32, #tpu.memory_space<vmem>>
    tpu.enqueue_dma source(%dma_start3A_448 : memref<512x64xf32, #tpu.memory_space<vmem>>) target(%dma_start3A_444 : memref<512x64xf32, #tpu.memory_space<hbm>>) target_semaphore(%dma_start3A_441 : memref<!tpu.dma_semaphore, #tpu.memory_space<semaphore_mem>>)
    %mul3A_449 = arith.constant 9 : i32
    %mul3A_450 = arith.muli %add3A, %mul3A_449 : i32
    %add3A_451 = arith.constant 0 : i32
    %add3A_452 = arith.addi %mul3A_450, %add3A_451 : i32
    %jit3A_453 = arith.constant 36 : i32
    %div3A_454 = arith.divsi %add3A_452, %jit3A_453 : i32
    %sign3A_455 = arith.constant 0 : i32
    %sign3A_456 = arith.cmpi sgt, %add3A_452, %sign3A_455 : i32
    %sign3A_457 = arith.extui %sign3A_456 : i1 to i32
    %sign3A_458 = arith.constant 0 : i32
    %sign3A_459 = arith.cmpi slt, %add3A_452, %sign3A_458 : i32
    %sign3A_460 = arith.extui %sign3A_459 : i1 to i32
    %sign3A_461 = arith.subi %sign3A_457, %sign3A_460 : i32
    %sign3A_462 = arith.constant 0 : i32
    %sign3A_463 = arith.cmpi sgt, %jit3A_453, %sign3A_462 : i32
    %sign3A_464 = arith.extui %sign3A_463 : i1 to i32
    %sign3A_465 = arith.constant 0 : i32
    %sign3A_466 = arith.cmpi slt, %jit3A_453, %sign3A_465 : i32
    %sign3A_467 = arith.extui %sign3A_466 : i1 to i32
    %sign3A_468 = arith.subi %sign3A_464, %sign3A_467 : i32
    %ne3A_469 = arith.cmpi ne, %sign3A_461, %sign3A_468 : i32
    %rem3A_470 = arith.remsi %add3A_452, %jit3A_453 : i32
    %ne3A_471 = arith.constant 0 : i32
    %ne3A_472 = arith.cmpi ne, %rem3A_470, %ne3A_471 : i32
    %and3A_473 = arith.andi %ne3A_469, %ne3A_472 : i1
    %sub3A_474 = arith.constant 1 : i32
    %sub3A_475 = arith.subi %div3A_454, %sub3A_474 : i32
    %select_n3A_476 = arith.select %and3A_473, %sub3A_475, %div3A_454 : i32
    %jit3A_477 = arith.constant 12 : i32
    %div3A_478 = arith.divsi %add3A_452, %jit3A_477 : i32
    %sign3A_479 = arith.constant 0 : i32
    %sign3A_480 = arith.cmpi sgt, %add3A_452, %sign3A_479 : i32
    %sign3A_481 = arith.extui %sign3A_480 : i1 to i32
    %sign3A_482 = arith.constant 0 : i32
    %sign3A_483 = arith.cmpi slt, %add3A_452, %sign3A_482 : i32
    %sign3A_484 = arith.extui %sign3A_483 : i1 to i32
    %sign3A_485 = arith.subi %sign3A_481, %sign3A_484 : i32
    %sign3A_486 = arith.constant 0 : i32
    %sign3A_487 = arith.cmpi sgt, %jit3A_477, %sign3A_486 : i32
    %sign3A_488 = arith.extui %sign3A_487 : i1 to i32
    %sign3A_489 = arith.constant 0 : i32
    %sign3A_490 = arith.cmpi slt, %jit3A_477, %sign3A_489 : i32
    %sign3A_491 = arith.extui %sign3A_490 : i1 to i32
    %sign3A_492 = arith.subi %sign3A_488, %sign3A_491 : i32
    %ne3A_493 = arith.cmpi ne, %sign3A_485, %sign3A_492 : i32
    %rem3A_494 = arith.remsi %add3A_452, %jit3A_477 : i32
    %ne3A_495 = arith.constant 0 : i32
    %ne3A_496 = arith.cmpi ne, %rem3A_494, %ne3A_495 : i32
    %and3A_497 = arith.andi %ne3A_493, %ne3A_496 : i1
    %sub3A_498 = arith.constant 1 : i32
    %sub3A_499 = arith.subi %div3A_478, %sub3A_498 : i32
    %select_n3A_500 = arith.select %and3A_497, %sub3A_499, %div3A_478 : i32
    %jit3A_501 = arith.constant 3 : i32
    %eq3A_502 = arith.constant 0 : i32
    %eq3A_503 = arith.cmpi eq, %jit3A_501, %eq3A_502 : i32
    %jit3A_504 = arith.constant 1 : i32
    %select_n3A_505 = arith.select %eq3A_503, %jit3A_504, %jit3A_501 : i32
    %rem3A_506 = arith.remsi %select_n3A_500, %select_n3A_505 : i32
    %ne3A_507 = arith.constant 0 : i32
    %ne3A_508 = arith.cmpi ne, %rem3A_506, %ne3A_507 : i32
    %lt3A_509 = arith.constant 0 : i32
    %lt3A_510 = arith.cmpi slt, %rem3A_506, %lt3A_509 : i32
    %lt3A_511 = arith.constant 0 : i32
    %lt3A_512 = arith.cmpi slt, %select_n3A_505, %lt3A_511 : i32
    %ne3A_513 = arith.xori %lt3A_510, %lt3A_512 : i1
    %and3A_514 = arith.andi %ne3A_513, %ne3A_508 : i1
    %add3A_515 = arith.addi %rem3A_506, %select_n3A_505 : i32
    %select_n3A_516 = arith.select %and3A_514, %add3A_515, %rem3A_506 : i32
    %jit3A_517 = arith.constant 12 : i32
    %eq3A_518 = arith.constant 0 : i32
    %eq3A_519 = arith.cmpi eq, %jit3A_517, %eq3A_518 : i32
    %jit3A_520 = arith.constant 1 : i32
    %select_n3A_521 = arith.select %eq3A_519, %jit3A_520, %jit3A_517 : i32
    %rem3A_522 = arith.remsi %add3A_452, %select_n3A_521 : i32
    %ne3A_523 = arith.constant 0 : i32
    %ne3A_524 = arith.cmpi ne, %rem3A_522, %ne3A_523 : i32
    %lt3A_525 = arith.constant 0 : i32
    %lt3A_526 = arith.cmpi slt, %rem3A_522, %lt3A_525 : i32
    %lt3A_527 = arith.constant 0 : i32
    %lt3A_528 = arith.cmpi slt, %select_n3A_521, %lt3A_527 : i32
    %ne3A_529 = arith.xori %lt3A_526, %lt3A_528 : i1
    %and3A_530 = arith.andi %ne3A_529, %ne3A_524 : i1
    %add3A_531 = arith.addi %rem3A_522, %select_n3A_521 : i32
    %select_n3A_532 = arith.select %and3A_530, %add3A_531, %rem3A_522 : i32
    %mul3A_533 = arith.constant 512 : i32
    %mul3A_534 = arith.muli %select_n3A_532, %mul3A_533 : i32
    %mul3A_535 = arith.constant 512 : i32
    %mul3A_536 = arith.muli %select_n3A_532, %mul3A_535 : i32
    %dma_wait3A_537 = arith.constant 0 : i32
    %dma_wait3A_538 = arith.constant 0 : i32
    %dma_wait3A_539 = arith.constant 0 : i32
    %dma_wait3A_540 = arith.constant 0 : i32
    %dma_wait3A_541 = tpu.memref_slice %arg4[%dma_wait3A_537, %dma_wait3A_539, %dma_wait3A_540] : memref<2x512x64xf32, #tpu.memory_space<vmem>> -> memref<1x512x64xf32, #tpu.memory_space<vmem>>
    %dma_wait3A_542 = tpu.memref_squeeze %dma_wait3A_541 : memref<1x512x64xf32, #tpu.memory_space<vmem>> -> memref<512x64xf32, #tpu.memory_space<vmem>>
    %dma_wait3A_543 = arith.constant 0 : i32
    %dma_wait3A_544 = tpu.memref_slice %arg3[%select_n3A_476, %select_n3A_516, %mul3A_536, %dma_wait3A_543] : memref<8x3x6144x64xf32, #tpu.memory_space<hbm>> -> memref<1x1x512x64xf32, #tpu.memory_space<hbm>>
    %dma_wait3A_545 = tpu.memref_squeeze %dma_wait3A_544 : memref<1x1x512x64xf32, #tpu.memory_space<hbm>> -> memref<512x64xf32, #tpu.memory_space<hbm>>
    %dma_wait3A_546 = tpu.memref_slice %arg6[%dma_wait3A_538] : memref<2x!tpu.dma_semaphore, #tpu.memory_space<semaphore_mem>> -> memref<1x!tpu.dma_semaphore, #tpu.memory_space<semaphore_mem>>
    %dma_wait3A_547 = tpu.memref_squeeze %dma_wait3A_546 : memref<1x!tpu.dma_semaphore, #tpu.memory_space<semaphore_mem>> -> memref<!tpu.dma_semaphore, #tpu.memory_space<semaphore_mem>>
    %dma_wait3A_548 = arith.constant 0 : i32
    %dma_wait3A_549 = tpu.memref_slice %arg3[%select_n3A_476, %select_n3A_516, %mul3A_536, %dma_wait3A_548] : memref<8x3x6144x64xf32, #tpu.memory_space<hbm>> -> memref<1x1x512x64xf32, #tpu.memory_space<hbm>>
    %dma_wait3A_550 = tpu.memref_squeeze %dma_wait3A_549 : memref<1x1x512x64xf32, #tpu.memory_space<hbm>> -> memref<512x64xf32, #tpu.memory_space<hbm>>
    %dma_wait3A_551 = arith.constant 0 : i32
    %dma_wait3A_552 = arith.constant 0 : i32
    %dma_wait3A_553 = tpu.memref_slice %arg4[%dma_wait3A_537, %dma_wait3A_551, %dma_wait3A_552] : memref<2x512x64xf32, #tpu.memory_space<vmem>> -> memref<1x512x64xf32, #tpu.memory_space<vmem>>
    %dma_wait3A_554 = tpu.memref_squeeze %dma_wait3A_553 : memref<1x512x64xf32, #tpu.memory_space<vmem>> -> memref<512x64xf32, #tpu.memory_space<vmem>>
    tpu.wait_dma2 semaphore(%dma_wait3A_547 : memref<!tpu.dma_semaphore, #tpu.memory_space<semaphore_mem>>) src(%dma_wait3A_554 : memref<512x64xf32, #tpu.memory_space<vmem>>) dst(%dma_wait3A_550 : memref<512x64xf32, #tpu.memory_space<hbm>>)
    %mul3A_555 = arith.constant 9 : i32
    %mul3A_556 = arith.muli %add3A, %mul3A_555 : i32
    %add3A_557 = arith.constant 2 : i32
    %add3A_558 = arith.addi %mul3A_556, %add3A_557 : i32
    %jit3A_559 = arith.constant 36 : i32
    %div3A_560 = arith.divsi %add3A_558, %jit3A_559 : i32
    %sign3A_561 = arith.constant 0 : i32
    %sign3A_562 = arith.cmpi sgt, %add3A_558, %sign3A_561 : i32
    %sign3A_563 = arith.extui %sign3A_562 : i1 to i32
    %sign3A_564 = arith.constant 0 : i32
    %sign3A_565 = arith.cmpi slt, %add3A_558, %sign3A_564 : i32
    %sign3A_566 = arith.extui %sign3A_565 : i1 to i32
    %sign3A_567 = arith.subi %sign3A_563, %sign3A_566 : i32
    %sign3A_568 = arith.constant 0 : i32
    %sign3A_569 = arith.cmpi sgt, %jit3A_559, %sign3A_568 : i32
    %sign3A_570 = arith.extui %sign3A_569 : i1 to i32
    %sign3A_571 = arith.constant 0 : i32
    %sign3A_572 = arith.cmpi slt, %jit3A_559, %sign3A_571 : i32
    %sign3A_573 = arith.extui %sign3A_572 : i1 to i32
    %sign3A_574 = arith.subi %sign3A_570, %sign3A_573 : i32
    %ne3A_575 = arith.cmpi ne, %sign3A_567, %sign3A_574 : i32
    %rem3A_576 = arith.remsi %add3A_558, %jit3A_559 : i32
    %ne3A_577 = arith.constant 0 : i32
    %ne3A_578 = arith.cmpi ne, %rem3A_576, %ne3A_577 : i32
    %and3A_579 = arith.andi %ne3A_575, %ne3A_578 : i1
    %sub3A_580 = arith.constant 1 : i32
    %sub3A_581 = arith.subi %div3A_560, %sub3A_580 : i32
    %select_n3A_582 = arith.select %and3A_579, %sub3A_581, %div3A_560 : i32
    %jit3A_583 = arith.constant 12 : i32
    %div3A_584 = arith.divsi %add3A_558, %jit3A_583 : i32
    %sign3A_585 = arith.constant 0 : i32
    %sign3A_586 = arith.cmpi sgt, %add3A_558, %sign3A_585 : i32
    %sign3A_587 = arith.extui %sign3A_586 : i1 to i32
    %sign3A_588 = arith.constant 0 : i32
    %sign3A_589 = arith.cmpi slt, %add3A_558, %sign3A_588 : i32
    %sign3A_590 = arith.extui %sign3A_589 : i1 to i32
    %sign3A_591 = arith.subi %sign3A_587, %sign3A_590 : i32
    %sign3A_592 = arith.constant 0 : i32
    %sign3A_593 = arith.cmpi sgt, %jit3A_583, %sign3A_592 : i32
    %sign3A_594 = arith.extui %sign3A_593 : i1 to i32
    %sign3A_595 = arith.constant 0 : i32
    %sign3A_596 = arith.cmpi slt, %jit3A_583, %sign3A_595 : i32
    %sign3A_597 = arith.extui %sign3A_596 : i1 to i32
    %sign3A_598 = arith.subi %sign3A_594, %sign3A_597 : i32
    %ne3A_599 = arith.cmpi ne, %sign3A_591, %sign3A_598 : i32
    %rem3A_600 = arith.remsi %add3A_558, %jit3A_583 : i32
    %ne3A_601 = arith.constant 0 : i32
    %ne3A_602 = arith.cmpi ne, %rem3A_600, %ne3A_601 : i32
    %and3A_603 = arith.andi %ne3A_599, %ne3A_602 : i1
    %sub3A_604 = arith.constant 1 : i32
    %sub3A_605 = arith.subi %div3A_584, %sub3A_604 : i32
    %select_n3A_606 = arith.select %and3A_603, %sub3A_605, %div3A_584 : i32
    %jit3A_607 = arith.constant 3 : i32
    %eq3A_608 = arith.constant 0 : i32
    %eq3A_609 = arith.cmpi eq, %jit3A_607, %eq3A_608 : i32
    %jit3A_610 = arith.constant 1 : i32
    %select_n3A_611 = arith.select %eq3A_609, %jit3A_610, %jit3A_607 : i32
    %rem3A_612 = arith.remsi %select_n3A_606, %select_n3A_611 : i32
    %ne3A_613 = arith.constant 0 : i32
    %ne3A_614 = arith.cmpi ne, %rem3A_612, %ne3A_613 : i32
    %lt3A_615 = arith.constant 0 : i32
    %lt3A_616 = arith.cmpi slt, %rem3A_612, %lt3A_615 : i32
    %lt3A_617 = arith.constant 0 : i32
    %lt3A_618 = arith.cmpi slt, %select_n3A_611, %lt3A_617 : i32
    %ne3A_619 = arith.xori %lt3A_616, %lt3A_618 : i1
    %and3A_620 = arith.andi %ne3A_619, %ne3A_614 : i1
    %add3A_621 = arith.addi %rem3A_612, %select_n3A_611 : i32
    %select_n3A_622 = arith.select %and3A_620, %add3A_621, %rem3A_612 : i32
    %jit3A_623 = arith.constant 12 : i32
    %eq3A_624 = arith.constant 0 : i32
    %eq3A_625 = arith.cmpi eq, %jit3A_623, %eq3A_624 : i32
    %jit3A_626 = arith.constant 1 : i32
    %select_n3A_627 = arith.select %eq3A_625, %jit3A_626, %jit3A_623 : i32
    %rem3A_628 = arith.remsi %add3A_558, %select_n3A_627 : i32
    %ne3A_629 = arith.constant 0 : i32
    %ne3A_630 = arith.cmpi ne, %rem3A_628, %ne3A_629 : i32
    %lt3A_631 = arith.constant 0 : i32
    %lt3A_632 = arith.cmpi slt, %rem3A_628, %lt3A_631 : i32
    %lt3A_633 = arith.constant 0 : i32
    %lt3A_634 = arith.cmpi slt, %select_n3A_627, %lt3A_633 : i32
    %ne3A_635 = arith.xori %lt3A_632, %lt3A_634 : i1
    %and3A_636 = arith.andi %ne3A_635, %ne3A_630 : i1
    %add3A_637 = arith.addi %rem3A_628, %select_n3A_627 : i32
    %select_n3A_638 = arith.select %and3A_636, %add3A_637, %rem3A_628 : i32
    %mul3A_639 = arith.constant 512 : i32
    %mul3A_640 = arith.muli %select_n3A_638, %mul3A_639 : i32
    %mul3A_641 = arith.constant 512 : i32
    %mul3A_642 = arith.muli %select_n3A_638, %mul3A_641 : i32
    %dma_start3A_643 = arith.constant 0 : i32
    %dma_start3A_644 = arith.constant 0 : i32
    %dma_start3A_645 = arith.constant 0 : i32
    %dma_start3A_646 = arith.constant 0 : i32
    %dma_start3A_647 = tpu.memref_slice %arg4[%dma_start3A_643, %dma_start3A_645, %dma_start3A_646] : memref<2x512x64xf32, #tpu.memory_space<vmem>> -> memref<1x512x64xf32, #tpu.memory_space<vmem>>
    %dma_start3A_648 = tpu.memref_squeeze %dma_start3A_647 : memref<1x512x64xf32, #tpu.memory_space<vmem>> -> memref<512x64xf32, #tpu.memory_space<vmem>>
    %dma_start3A_649 = arith.constant 0 : i32
    %dma_start3A_650 = tpu.memref_slice %arg2[%select_n3A_622, %select_n3A_582, %mul3A_640, %dma_start3A_649] : memref<3x8x6144x64xf32, #tpu.memory_space<hbm>> -> memref<1x1x512x64xf32, #tpu.memory_space<hbm>>
    %dma_start3A_651 = tpu.memref_squeeze %dma_start3A_650 : memref<1x1x512x64xf32, #tpu.memory_space<hbm>> -> memref<512x64xf32, #tpu.memory_space<hbm>>
    %dma_start3A_652 = tpu.memref_slice %arg5[%dma_start3A_644] : memref<2x!tpu.dma_semaphore, #tpu.memory_space<semaphore_mem>> -> memref<1x!tpu.dma_semaphore, #tpu.memory_space<semaphore_mem>>
    %dma_start3A_653 = tpu.memref_squeeze %dma_start3A_652 : memref<1x!tpu.dma_semaphore, #tpu.memory_space<semaphore_mem>> -> memref<!tpu.dma_semaphore, #tpu.memory_space<semaphore_mem>>
    %dma_start3A_654 = arith.constant 0 : i32
    %dma_start3A_655 = arith.constant 0 : i32
    %dma_start3A_656 = tpu.memref_slice %arg4[%dma_start3A_643, %dma_start3A_654, %dma_start3A_655] : memref<2x512x64xf32, #tpu.memory_space<vmem>> -> memref<1x512x64xf32, #tpu.memory_space<vmem>>
    %dma_start3A_657 = tpu.memref_squeeze %dma_start3A_656 : memref<1x512x64xf32, #tpu.memory_space<vmem>> -> memref<512x64xf32, #tpu.memory_space<vmem>>
    %dma_start3A_658 = arith.constant 0 : i32
    %dma_start3A_659 = tpu.memref_slice %arg2[%select_n3A_622, %select_n3A_582, %mul3A_640, %dma_start3A_658] : memref<3x8x6144x64xf32, #tpu.memory_space<hbm>> -> memref<1x1x512x64xf32, #tpu.memory_space<hbm>>
    %dma_start3A_660 = tpu.memref_squeeze %dma_start3A_659 : memref<1x1x512x64xf32, #tpu.memory_space<hbm>> -> memref<512x64xf32, #tpu.memory_space<hbm>>
    tpu.enqueue_dma source(%dma_start3A_660 : memref<512x64xf32, #tpu.memory_space<hbm>>) target(%dma_start3A_657 : memref<512x64xf32, #tpu.memory_space<vmem>>) target_semaphore(%dma_start3A_653 : memref<!tpu.dma_semaphore, #tpu.memory_space<semaphore_mem>>)
    %mul3A_661 = arith.constant 9 : i32
    %mul3A_662 = arith.muli %add3A, %mul3A_661 : i32
    %add3A_663 = arith.constant 2 : i32
    %add3A_664 = arith.addi %mul3A_662, %add3A_663 : i32
    %jit3A_665 = arith.constant 36 : i32
    %div3A_666 = arith.divsi %add3A_664, %jit3A_665 : i32
    %sign3A_667 = arith.constant 0 : i32
    %sign3A_668 = arith.cmpi sgt, %add3A_664, %sign3A_667 : i32
    %sign3A_669 = arith.extui %sign3A_668 : i1 to i32
    %sign3A_670 = arith.constant 0 : i32
    %sign3A_671 = arith.cmpi slt, %add3A_664, %sign3A_670 : i32
    %sign3A_672 = arith.extui %sign3A_671 : i1 to i32
    %sign3A_673 = arith.subi %sign3A_669, %sign3A_672 : i32
    %sign3A_674 = arith.constant 0 : i32
    %sign3A_675 = arith.cmpi sgt, %jit3A_665, %sign3A_674 : i32
    %sign3A_676 = arith.extui %sign3A_675 : i1 to i32
    %sign3A_677 = arith.constant 0 : i32
    %sign3A_678 = arith.cmpi slt, %jit3A_665, %sign3A_677 : i32
    %sign3A_679 = arith.extui %sign3A_678 : i1 to i32
    %sign3A_680 = arith.subi %sign3A_676, %sign3A_679 : i32
    %ne3A_681 = arith.cmpi ne, %sign3A_673, %sign3A_680 : i32
    %rem3A_682 = arith.remsi %add3A_664, %jit3A_665 : i32
    %ne3A_683 = arith.constant 0 : i32
    %ne3A_684 = arith.cmpi ne, %rem3A_682, %ne3A_683 : i32
    %and3A_685 = arith.andi %ne3A_681, %ne3A_684 : i1
    %sub3A_686 = arith.constant 1 : i32
    %sub3A_687 = arith.subi %div3A_666, %sub3A_686 : i32
    %select_n3A_688 = arith.select %and3A_685, %sub3A_687, %div3A_666 : i32
    %jit3A_689 = arith.constant 12 : i32
    %div3A_690 = arith.divsi %add3A_664, %jit3A_689 : i32
    %sign3A_691 = arith.constant 0 : i32
    %sign3A_692 = arith.cmpi sgt, %add3A_664, %sign3A_691 : i32
    %sign3A_693 = arith.extui %sign3A_692 : i1 to i32
    %sign3A_694 = arith.constant 0 : i32
    %sign3A_695 = arith.cmpi slt, %add3A_664, %sign3A_694 : i32
    %sign3A_696 = arith.extui %sign3A_695 : i1 to i32
    %sign3A_697 = arith.subi %sign3A_693, %sign3A_696 : i32
    %sign3A_698 = arith.constant 0 : i32
    %sign3A_699 = arith.cmpi sgt, %jit3A_689, %sign3A_698 : i32
    %sign3A_700 = arith.extui %sign3A_699 : i1 to i32
    %sign3A_701 = arith.constant 0 : i32
    %sign3A_702 = arith.cmpi slt, %jit3A_689, %sign3A_701 : i32
    %sign3A_703 = arith.extui %sign3A_702 : i1 to i32
    %sign3A_704 = arith.subi %sign3A_700, %sign3A_703 : i32
    %ne3A_705 = arith.cmpi ne, %sign3A_697, %sign3A_704 : i32
    %rem3A_706 = arith.remsi %add3A_664, %jit3A_689 : i32
    %ne3A_707 = arith.constant 0 : i32
    %ne3A_708 = arith.cmpi ne, %rem3A_706, %ne3A_707 : i32
    %and3A_709 = arith.andi %ne3A_705, %ne3A_708 : i1
    %sub3A_710 = arith.constant 1 : i32
    %sub3A_711 = arith.subi %div3A_690, %sub3A_710 : i32
    %select_n3A_712 = arith.select %and3A_709, %sub3A_711, %div3A_690 : i32
    %jit3A_713 = arith.constant 3 : i32
    %eq3A_714 = arith.constant 0 : i32
    %eq3A_715 = arith.cmpi eq, %jit3A_713, %eq3A_714 : i32
    %jit3A_716 = arith.constant 1 : i32
    %select_n3A_717 = arith.select %eq3A_715, %jit3A_716, %jit3A_713 : i32
    %rem3A_718 = arith.remsi %select_n3A_712, %select_n3A_717 : i32
    %ne3A_719 = arith.constant 0 : i32
    %ne3A_720 = arith.cmpi ne, %rem3A_718, %ne3A_719 : i32
    %lt3A_721 = arith.constant 0 : i32
    %lt3A_722 = arith.cmpi slt, %rem3A_718, %lt3A_721 : i32
    %lt3A_723 = arith.constant 0 : i32
    %lt3A_724 = arith.cmpi slt, %select_n3A_717, %lt3A_723 : i32
    %ne3A_725 = arith.xori %lt3A_722, %lt3A_724 : i1
    %and3A_726 = arith.andi %ne3A_725, %ne3A_720 : i1
    %add3A_727 = arith.addi %rem3A_718, %select_n3A_717 : i32
    %select_n3A_728 = arith.select %and3A_726, %add3A_727, %rem3A_718 : i32
    %jit3A_729 = arith.constant 12 : i32
    %eq3A_730 = arith.constant 0 : i32
    %eq3A_731 = arith.cmpi eq, %jit3A_729, %eq3A_730 : i32
    %jit3A_732 = arith.constant 1 : i32
    %select_n3A_733 = arith.select %eq3A_731, %jit3A_732, %jit3A_729 : i32
    %rem3A_734 = arith.remsi %add3A_664, %select_n3A_733 : i32
    %ne3A_735 = arith.constant 0 : i32
    %ne3A_736 = arith.cmpi ne, %rem3A_734, %ne3A_735 : i32
    %lt3A_737 = arith.constant 0 : i32
    %lt3A_738 = arith.cmpi slt, %rem3A_734, %lt3A_737 : i32
    %lt3A_739 = arith.constant 0 : i32
    %lt3A_740 = arith.cmpi slt, %select_n3A_733, %lt3A_739 : i32
    %ne3A_741 = arith.xori %lt3A_738, %lt3A_740 : i1
    %and3A_742 = arith.andi %ne3A_741, %ne3A_736 : i1
    %add3A_743 = arith.addi %rem3A_734, %select_n3A_733 : i32
    %select_n3A_744 = arith.select %and3A_742, %add3A_743, %rem3A_734 : i32
    %mul3A_745 = arith.constant 512 : i32
    %mul3A_746 = arith.muli %select_n3A_744, %mul3A_745 : i32
    %mul3A_747 = arith.constant 512 : i32
    %mul3A_748 = arith.muli %select_n3A_744, %mul3A_747 : i32
    %dma_wait3A_749 = arith.constant 0 : i32
    %dma_wait3A_750 = arith.constant 0 : i32
    %dma_wait3A_751 = arith.constant 0 : i32
    %dma_wait3A_752 = arith.constant 0 : i32
    %dma_wait3A_753 = tpu.memref_slice %arg4[%dma_wait3A_749, %dma_wait3A_751, %dma_wait3A_752] : memref<2x512x64xf32, #tpu.memory_space<vmem>> -> memref<1x512x64xf32, #tpu.memory_space<vmem>>
    %dma_wait3A_754 = tpu.memref_squeeze %dma_wait3A_753 : memref<1x512x64xf32, #tpu.memory_space<vmem>> -> memref<512x64xf32, #tpu.memory_space<vmem>>
    %dma_wait3A_755 = arith.constant 0 : i32
    %dma_wait3A_756 = tpu.memref_slice %arg2[%select_n3A_728, %select_n3A_688, %mul3A_746, %dma_wait3A_755] : memref<3x8x6144x64xf32, #tpu.memory_space<hbm>> -> memref<1x1x512x64xf32, #tpu.memory_space<hbm>>
    %dma_wait3A_757 = tpu.memref_squeeze %dma_wait3A_756 : memref<1x1x512x64xf32, #tpu.memory_space<hbm>> -> memref<512x64xf32, #tpu.memory_space<hbm>>
    %dma_wait3A_758 = tpu.memref_slice %arg5[%dma_wait3A_750] : memref<2x!tpu.dma_semaphore, #tpu.memory_space<semaphore_mem>> -> memref<1x!tpu.dma_semaphore, #tpu.memory_space<semaphore_mem>>
    %dma_wait3A_759 = tpu.memref_squeeze %dma_wait3A_758 : memref<1x!tpu.dma_semaphore, #tpu.memory_space<semaphore_mem>> -> memref<!tpu.dma_semaphore, #tpu.memory_space<semaphore_mem>>
    %dma_wait3A_760 = arith.constant 0 : i32
    %dma_wait3A_761 = arith.constant 0 : i32
    %dma_wait3A_762 = tpu.memref_slice %arg4[%dma_wait3A_749, %dma_wait3A_760, %dma_wait3A_761] : memref<2x512x64xf32, #tpu.memory_space<vmem>> -> memref<1x512x64xf32, #tpu.memory_space<vmem>>
    %dma_wait3A_763 = tpu.memref_squeeze %dma_wait3A_762 : memref<1x512x64xf32, #tpu.memory_space<vmem>> -> memref<512x64xf32, #tpu.memory_space<vmem>>
    %dma_wait3A_764 = arith.constant 0 : i32
    %dma_wait3A_765 = tpu.memref_slice %arg2[%select_n3A_728, %select_n3A_688, %mul3A_746, %dma_wait3A_764] : memref<3x8x6144x64xf32, #tpu.memory_space<hbm>> -> memref<1x1x512x64xf32, #tpu.memory_space<hbm>>
    %dma_wait3A_766 = tpu.memref_squeeze %dma_wait3A_765 : memref<1x1x512x64xf32, #tpu.memory_space<hbm>> -> memref<512x64xf32, #tpu.memory_space<hbm>>
    tpu.wait_dma2 semaphore(%dma_wait3A_759 : memref<!tpu.dma_semaphore, #tpu.memory_space<semaphore_mem>>) src(%dma_wait3A_766 : memref<512x64xf32, #tpu.memory_space<hbm>>) dst(%dma_wait3A_763 : memref<512x64xf32, #tpu.memory_space<vmem>>)
    %dma_start3A_767 = arith.constant 0 : i32
    %dma_start3A_768 = arith.constant 0 : i32
    %dma_start3A_769 = arith.constant 0 : i32
    %dma_start3A_770 = arith.constant 0 : i32
    %dma_start3A_771 = tpu.memref_slice %arg4[%dma_start3A_767, %dma_start3A_769, %dma_start3A_770] : memref<2x512x64xf32, #tpu.memory_space<vmem>> -> memref<1x512x64xf32, #tpu.memory_space<vmem>>
    %dma_start3A_772 = tpu.memref_squeeze %dma_start3A_771 : memref<1x512x64xf32, #tpu.memory_space<vmem>> -> memref<512x64xf32, #tpu.memory_space<vmem>>
    %dma_start3A_773 = arith.constant 0 : i32
    %dma_start3A_774 = tpu.memref_slice %arg3[%select_n3A_688, %select_n3A_728, %mul3A_748, %dma_start3A_773] : memref<8x3x6144x64xf32, #tpu.memory_space<hbm>> -> memref<1x1x512x64xf32, #tpu.memory_space<hbm>>
    %dma_start3A_775 = tpu.memref_squeeze %dma_start3A_774 : memref<1x1x512x64xf32, #tpu.memory_space<hbm>> -> memref<512x64xf32, #tpu.memory_space<hbm>>
    %dma_start3A_776 = tpu.memref_slice %arg6[%dma_start3A_768] : memref<2x!tpu.dma_semaphore, #tpu.memory_space<semaphore_mem>> -> memref<1x!tpu.dma_semaphore, #tpu.memory_space<semaphore_mem>>
    %dma_start3A_777 = tpu.memref_squeeze %dma_start3A_776 : memref<1x!tpu.dma_semaphore, #tpu.memory_space<semaphore_mem>> -> memref<!tpu.dma_semaphore, #tpu.memory_space<semaphore_mem>>
    %dma_start3A_778 = arith.constant 0 : i32
    %dma_start3A_779 = tpu.memref_slice %arg3[%select_n3A_688, %select_n3A_728, %mul3A_748, %dma_start3A_778] : memref<8x3x6144x64xf32, #tpu.memory_space<hbm>> -> memref<1x1x512x64xf32, #tpu.memory_space<hbm>>
    %dma_start3A_780 = tpu.memref_squeeze %dma_start3A_779 : memref<1x1x512x64xf32, #tpu.memory_space<hbm>> -> memref<512x64xf32, #tpu.memory_space<hbm>>
    %dma_start3A_781 = arith.constant 0 : i32
    %dma_start3A_782 = arith.constant 0 : i32
    %dma_start3A_783 = tpu.memref_slice %arg4[%dma_start3A_767, %dma_start3A_781, %dma_start3A_782] : memref<2x512x64xf32, #tpu.memory_space<vmem>> -> memref<1x512x64xf32, #tpu.memory_space<vmem>>
    %dma_start3A_784 = tpu.memref_squeeze %dma_start3A_783 : memref<1x512x64xf32, #tpu.memory_space<vmem>> -> memref<512x64xf32, #tpu.memory_space<vmem>>
    tpu.enqueue_dma source(%dma_start3A_784 : memref<512x64xf32, #tpu.memory_space<vmem>>) target(%dma_start3A_780 : memref<512x64xf32, #tpu.memory_space<hbm>>) target_semaphore(%dma_start3A_777 : memref<!tpu.dma_semaphore, #tpu.memory_space<semaphore_mem>>)
    %mul3A_785 = arith.constant 9 : i32
    %mul3A_786 = arith.muli %add3A, %mul3A_785 : i32
    %add3A_787 = arith.constant 1 : i32
    %add3A_788 = arith.addi %mul3A_786, %add3A_787 : i32
    %jit3A_789 = arith.constant 36 : i32
    %div3A_790 = arith.divsi %add3A_788, %jit3A_789 : i32
    %sign3A_791 = arith.constant 0 : i32
    %sign3A_792 = arith.cmpi sgt, %add3A_788, %sign3A_791 : i32
    %sign3A_793 = arith.extui %sign3A_792 : i1 to i32
    %sign3A_794 = arith.constant 0 : i32
    %sign3A_795 = arith.cmpi slt, %add3A_788, %sign3A_794 : i32
    %sign3A_796 = arith.extui %sign3A_795 : i1 to i32
    %sign3A_797 = arith.subi %sign3A_793, %sign3A_796 : i32
    %sign3A_798 = arith.constant 0 : i32
    %sign3A_799 = arith.cmpi sgt, %jit3A_789, %sign3A_798 : i32
    %sign3A_800 = arith.extui %sign3A_799 : i1 to i32
    %sign3A_801 = arith.constant 0 : i32
    %sign3A_802 = arith.cmpi slt, %jit3A_789, %sign3A_801 : i32
    %sign3A_803 = arith.extui %sign3A_802 : i1 to i32
    %sign3A_804 = arith.subi %sign3A_800, %sign3A_803 : i32
    %ne3A_805 = arith.cmpi ne, %sign3A_797, %sign3A_804 : i32
    %rem3A_806 = arith.remsi %add3A_788, %jit3A_789 : i32
    %ne3A_807 = arith.constant 0 : i32
    %ne3A_808 = arith.cmpi ne, %rem3A_806, %ne3A_807 : i32
    %and3A_809 = arith.andi %ne3A_805, %ne3A_808 : i1
    %sub3A_810 = arith.constant 1 : i32
    %sub3A_811 = arith.subi %div3A_790, %sub3A_810 : i32
    %select_n3A_812 = arith.select %and3A_809, %sub3A_811, %div3A_790 : i32
    %jit3A_813 = arith.constant 12 : i32
    %div3A_814 = arith.divsi %add3A_788, %jit3A_813 : i32
    %sign3A_815 = arith.constant 0 : i32
    %sign3A_816 = arith.cmpi sgt, %add3A_788, %sign3A_815 : i32
    %sign3A_817 = arith.extui %sign3A_816 : i1 to i32
    %sign3A_818 = arith.constant 0 : i32
    %sign3A_819 = arith.cmpi slt, %add3A_788, %sign3A_818 : i32
    %sign3A_820 = arith.extui %sign3A_819 : i1 to i32
    %sign3A_821 = arith.subi %sign3A_817, %sign3A_820 : i32
    %sign3A_822 = arith.constant 0 : i32
    %sign3A_823 = arith.cmpi sgt, %jit3A_813, %sign3A_822 : i32
    %sign3A_824 = arith.extui %sign3A_823 : i1 to i32
    %sign3A_825 = arith.constant 0 : i32
    %sign3A_826 = arith.cmpi slt, %jit3A_813, %sign3A_825 : i32
    %sign3A_827 = arith.extui %sign3A_826 : i1 to i32
    %sign3A_828 = arith.subi %sign3A_824, %sign3A_827 : i32
    %ne3A_829 = arith.cmpi ne, %sign3A_821, %sign3A_828 : i32
    %rem3A_830 = arith.remsi %add3A_788, %jit3A_813 : i32
    %ne3A_831 = arith.constant 0 : i32
    %ne3A_832 = arith.cmpi ne, %rem3A_830, %ne3A_831 : i32
    %and3A_833 = arith.andi %ne3A_829, %ne3A_832 : i1
    %sub3A_834 = arith.constant 1 : i32
    %sub3A_835 = arith.subi %div3A_814, %sub3A_834 : i32
    %select_n3A_836 = arith.select %and3A_833, %sub3A_835, %div3A_814 : i32
    %jit3A_837 = arith.constant 3 : i32
    %eq3A_838 = arith.constant 0 : i32
    %eq3A_839 = arith.cmpi eq, %jit3A_837, %eq3A_838 : i32
    %jit3A_840 = arith.constant 1 : i32
    %select_n3A_841 = arith.select %eq3A_839, %jit3A_840, %jit3A_837 : i32
    %rem3A_842 = arith.remsi %select_n3A_836, %select_n3A_841 : i32
    %ne3A_843 = arith.constant 0 : i32
    %ne3A_844 = arith.cmpi ne, %rem3A_842, %ne3A_843 : i32
    %lt3A_845 = arith.constant 0 : i32
    %lt3A_846 = arith.cmpi slt, %rem3A_842, %lt3A_845 : i32
    %lt3A_847 = arith.constant 0 : i32
    %lt3A_848 = arith.cmpi slt, %select_n3A_841, %lt3A_847 : i32
    %ne3A_849 = arith.xori %lt3A_846, %lt3A_848 : i1
    %and3A_850 = arith.andi %ne3A_849, %ne3A_844 : i1
    %add3A_851 = arith.addi %rem3A_842, %select_n3A_841 : i32
    %select_n3A_852 = arith.select %and3A_850, %add3A_851, %rem3A_842 : i32
    %jit3A_853 = arith.constant 12 : i32
    %eq3A_854 = arith.constant 0 : i32
    %eq3A_855 = arith.cmpi eq, %jit3A_853, %eq3A_854 : i32
    %jit3A_856 = arith.constant 1 : i32
    %select_n3A_857 = arith.select %eq3A_855, %jit3A_856, %jit3A_853 : i32
    %rem3A_858 = arith.remsi %add3A_788, %select_n3A_857 : i32
    %ne3A_859 = arith.constant 0 : i32
    %ne3A_860 = arith.cmpi ne, %rem3A_858, %ne3A_859 : i32
    %lt3A_861 = arith.constant 0 : i32
    %lt3A_862 = arith.cmpi slt, %rem3A_858, %lt3A_861 : i32
    %lt3A_863 = arith.constant 0 : i32
    %lt3A_864 = arith.cmpi slt, %select_n3A_857, %lt3A_863 : i32
    %ne3A_865 = arith.xori %lt3A_862, %lt3A_864 : i1
    %and3A_866 = arith.andi %ne3A_865, %ne3A_860 : i1
    %add3A_867 = arith.addi %rem3A_858, %select_n3A_857 : i32
    %select_n3A_868 = arith.select %and3A_866, %add3A_867, %rem3A_858 : i32
    %mul3A_869 = arith.constant 512 : i32
    %mul3A_870 = arith.muli %select_n3A_868, %mul3A_869 : i32
    %mul3A_871 = arith.constant 512 : i32
    %mul3A_872 = arith.muli %select_n3A_868, %mul3A_871 : i32
    %dma_wait3A_873 = arith.constant 1 : i32
    %dma_wait3A_874 = arith.constant 1 : i32
    %dma_wait3A_875 = arith.constant 0 : i32
    %dma_wait3A_876 = arith.constant 0 : i32
    %dma_wait3A_877 = tpu.memref_slice %arg4[%dma_wait3A_873, %dma_wait3A_875, %dma_wait3A_876] : memref<2x512x64xf32, #tpu.memory_space<vmem>> -> memref<1x512x64xf32, #tpu.memory_space<vmem>>
    %dma_wait3A_878 = tpu.memref_squeeze %dma_wait3A_877 : memref<1x512x64xf32, #tpu.memory_space<vmem>> -> memref<512x64xf32, #tpu.memory_space<vmem>>
    %dma_wait3A_879 = arith.constant 0 : i32
    %dma_wait3A_880 = tpu.memref_slice %arg3[%select_n3A_812, %select_n3A_852, %mul3A_872, %dma_wait3A_879] : memref<8x3x6144x64xf32, #tpu.memory_space<hbm>> -> memref<1x1x512x64xf32, #tpu.memory_space<hbm>>
    %dma_wait3A_881 = tpu.memref_squeeze %dma_wait3A_880 : memref<1x1x512x64xf32, #tpu.memory_space<hbm>> -> memref<512x64xf32, #tpu.memory_space<hbm>>
    %dma_wait3A_882 = tpu.memref_slice %arg6[%dma_wait3A_874] : memref<2x!tpu.dma_semaphore, #tpu.memory_space<semaphore_mem>> -> memref<1x!tpu.dma_semaphore, #tpu.memory_space<semaphore_mem>>
    %dma_wait3A_883 = tpu.memref_squeeze %dma_wait3A_882 : memref<1x!tpu.dma_semaphore, #tpu.memory_space<semaphore_mem>> -> memref<!tpu.dma_semaphore, #tpu.memory_space<semaphore_mem>>
    %dma_wait3A_884 = arith.constant 0 : i32
    %dma_wait3A_885 = tpu.memref_slice %arg3[%select_n3A_812, %select_n3A_852, %mul3A_872, %dma_wait3A_884] : memref<8x3x6144x64xf32, #tpu.memory_space<hbm>> -> memref<1x1x512x64xf32, #tpu.memory_space<hbm>>
    %dma_wait3A_886 = tpu.memref_squeeze %dma_wait3A_885 : memref<1x1x512x64xf32, #tpu.memory_space<hbm>> -> memref<512x64xf32, #tpu.memory_space<hbm>>
    %dma_wait3A_887 = arith.constant 0 : i32
    %dma_wait3A_888 = arith.constant 0 : i32
    %dma_wait3A_889 = tpu.memref_slice %arg4[%dma_wait3A_873, %dma_wait3A_887, %dma_wait3A_888] : memref<2x512x64xf32, #tpu.memory_space<vmem>> -> memref<1x512x64xf32, #tpu.memory_space<vmem>>
    %dma_wait3A_890 = tpu.memref_squeeze %dma_wait3A_889 : memref<1x512x64xf32, #tpu.memory_space<vmem>> -> memref<512x64xf32, #tpu.memory_space<vmem>>
    tpu.wait_dma2 semaphore(%dma_wait3A_883 : memref<!tpu.dma_semaphore, #tpu.memory_space<semaphore_mem>>) src(%dma_wait3A_890 : memref<512x64xf32, #tpu.memory_space<vmem>>) dst(%dma_wait3A_886 : memref<512x64xf32, #tpu.memory_space<hbm>>)
    %mul3A_891 = arith.constant 9 : i32
    %mul3A_892 = arith.muli %add3A, %mul3A_891 : i32
    %add3A_893 = arith.constant 3 : i32
    %add3A_894 = arith.addi %mul3A_892, %add3A_893 : i32
    %jit3A_895 = arith.constant 36 : i32
    %div3A_896 = arith.divsi %add3A_894, %jit3A_895 : i32
    %sign3A_897 = arith.constant 0 : i32
    %sign3A_898 = arith.cmpi sgt, %add3A_894, %sign3A_897 : i32
    %sign3A_899 = arith.extui %sign3A_898 : i1 to i32
    %sign3A_900 = arith.constant 0 : i32
    %sign3A_901 = arith.cmpi slt, %add3A_894, %sign3A_900 : i32
    %sign3A_902 = arith.extui %sign3A_901 : i1 to i32
    %sign3A_903 = arith.subi %sign3A_899, %sign3A_902 : i32
    %sign3A_904 = arith.constant 0 : i32
    %sign3A_905 = arith.cmpi sgt, %jit3A_895, %sign3A_904 : i32
    %sign3A_906 = arith.extui %sign3A_905 : i1 to i32
    %sign3A_907 = arith.constant 0 : i32
    %sign3A_908 = arith.cmpi slt, %jit3A_895, %sign3A_907 : i32
    %sign3A_909 = arith.extui %sign3A_908 : i1 to i32
    %sign3A_910 = arith.subi %sign3A_906, %sign3A_909 : i32
    %ne3A_911 = arith.cmpi ne, %sign3A_903, %sign3A_910 : i32
    %rem3A_912 = arith.remsi %add3A_894, %jit3A_895 : i32
    %ne3A_913 = arith.constant 0 : i32
    %ne3A_914 = arith.cmpi ne, %rem3A_912, %ne3A_913 : i32
    %and3A_915 = arith.andi %ne3A_911, %ne3A_914 : i1
    %sub3A_916 = arith.constant 1 : i32
    %sub3A_917 = arith.subi %div3A_896, %sub3A_916 : i32
    %select_n3A_918 = arith.select %and3A_915, %sub3A_917, %div3A_896 : i32
    %jit3A_919 = arith.constant 12 : i32
    %div3A_920 = arith.divsi %add3A_894, %jit3A_919 : i32
    %sign3A_921 = arith.constant 0 : i32
    %sign3A_922 = arith.cmpi sgt, %add3A_894, %sign3A_921 : i32
    %sign3A_923 = arith.extui %sign3A_922 : i1 to i32
    %sign3A_924 = arith.constant 0 : i32
    %sign3A_925 = arith.cmpi slt, %add3A_894, %sign3A_924 : i32
    %sign3A_926 = arith.extui %sign3A_925 : i1 to i32
    %sign3A_927 = arith.subi %sign3A_923, %sign3A_926 : i32
    %sign3A_928 = arith.constant 0 : i32
    %sign3A_929 = arith.cmpi sgt, %jit3A_919, %sign3A_928 : i32
    %sign3A_930 = arith.extui %sign3A_929 : i1 to i32
    %sign3A_931 = arith.constant 0 : i32
    %sign3A_932 = arith.cmpi slt, %jit3A_919, %sign3A_931 : i32
    %sign3A_933 = arith.extui %sign3A_932 : i1 to i32
    %sign3A_934 = arith.subi %sign3A_930, %sign3A_933 : i32
    %ne3A_935 = arith.cmpi ne, %sign3A_927, %sign3A_934 : i32
    %rem3A_936 = arith.remsi %add3A_894, %jit3A_919 : i32
    %ne3A_937 = arith.constant 0 : i32
    %ne3A_938 = arith.cmpi ne, %rem3A_936, %ne3A_937 : i32
    %and3A_939 = arith.andi %ne3A_935, %ne3A_938 : i1
    %sub3A_940 = arith.constant 1 : i32
    %sub3A_941 = arith.subi %div3A_920, %sub3A_940 : i32
    %select_n3A_942 = arith.select %and3A_939, %sub3A_941, %div3A_920 : i32
    %jit3A_943 = arith.constant 3 : i32
    %eq3A_944 = arith.constant 0 : i32
    %eq3A_945 = arith.cmpi eq, %jit3A_943, %eq3A_944 : i32
    %jit3A_946 = arith.constant 1 : i32
    %select_n3A_947 = arith.select %eq3A_945, %jit3A_946, %jit3A_943 : i32
    %rem3A_948 = arith.remsi %select_n3A_942, %select_n3A_947 : i32
    %ne3A_949 = arith.constant 0 : i32
    %ne3A_950 = arith.cmpi ne, %rem3A_948, %ne3A_949 : i32
    %lt3A_951 = arith.constant 0 : i32
    %lt3A_952 = arith.cmpi slt, %rem3A_948, %lt3A_951 : i32
    %lt3A_953 = arith.constant 0 : i32
    %lt3A_954 = arith.cmpi slt, %select_n3A_947, %lt3A_953 : i32
    %ne3A_955 = arith.xori %lt3A_952, %lt3A_954 : i1
    %and3A_956 = arith.andi %ne3A_955, %ne3A_950 : i1
    %add3A_957 = arith.addi %rem3A_948, %select_n3A_947 : i32
    %select_n3A_958 = arith.select %and3A_956, %add3A_957, %rem3A_948 : i32
    %jit3A_959 = arith.constant 12 : i32
    %eq3A_960 = arith.constant 0 : i32
    %eq3A_961 = arith.cmpi eq, %jit3A_959, %eq3A_960 : i32
    %jit3A_962 = arith.constant 1 : i32
    %select_n3A_963 = arith.select %eq3A_961, %jit3A_962, %jit3A_959 : i32
    %rem3A_964 = arith.remsi %add3A_894, %select_n3A_963 : i32
    %ne3A_965 = arith.constant 0 : i32
    %ne3A_966 = arith.cmpi ne, %rem3A_964, %ne3A_965 : i32
    %lt3A_967 = arith.constant 0 : i32
    %lt3A_968 = arith.cmpi slt, %rem3A_964, %lt3A_967 : i32
    %lt3A_969 = arith.constant 0 : i32
    %lt3A_970 = arith.cmpi slt, %select_n3A_963, %lt3A_969 : i32
    %ne3A_971 = arith.xori %lt3A_968, %lt3A_970 : i1
    %and3A_972 = arith.andi %ne3A_971, %ne3A_966 : i1
    %add3A_973 = arith.addi %rem3A_964, %select_n3A_963 : i32
    %select_n3A_974 = arith.select %and3A_972, %add3A_973, %rem3A_964 : i32
    %mul3A_975 = arith.constant 512 : i32
    %mul3A_976 = arith.muli %select_n3A_974, %mul3A_975 : i32
    %mul3A_977 = arith.constant 512 : i32
    %mul3A_978 = arith.muli %select_n3A_974, %mul3A_977 : i32
    %dma_start3A_979 = arith.constant 1 : i32
    %dma_start3A_980 = arith.constant 1 : i32
    %dma_start3A_981 = arith.constant 0 : i32
    %dma_start3A_982 = arith.constant 0 : i32
    %dma_start3A_983 = tpu.memref_slice %arg4[%dma_start3A_979, %dma_start3A_981, %dma_start3A_982] : memref<2x512x64xf32, #tpu.memory_space<vmem>> -> memref<1x512x64xf32, #tpu.memory_space<vmem>>
    %dma_start3A_984 = tpu.memref_squeeze %dma_start3A_983 : memref<1x512x64xf32, #tpu.memory_space<vmem>> -> memref<512x64xf32, #tpu.memory_space<vmem>>
    %dma_start3A_985 = arith.constant 0 : i32
    %dma_start3A_986 = tpu.memref_slice %arg2[%select_n3A_958, %select_n3A_918, %mul3A_976, %dma_start3A_985] : memref<3x8x6144x64xf32, #tpu.memory_space<hbm>> -> memref<1x1x512x64xf32, #tpu.memory_space<hbm>>
    %dma_start3A_987 = tpu.memref_squeeze %dma_start3A_986 : memref<1x1x512x64xf32, #tpu.memory_space<hbm>> -> memref<512x64xf32, #tpu.memory_space<hbm>>
    %dma_start3A_988 = tpu.memref_slice %arg5[%dma_start3A_980] : memref<2x!tpu.dma_semaphore, #tpu.memory_space<semaphore_mem>> -> memref<1x!tpu.dma_semaphore, #tpu.memory_space<semaphore_mem>>
    %dma_start3A_989 = tpu.memref_squeeze %dma_start3A_988 : memref<1x!tpu.dma_semaphore, #tpu.memory_space<semaphore_mem>> -> memref<!tpu.dma_semaphore, #tpu.memory_space<semaphore_mem>>
    %dma_start3A_990 = arith.constant 0 : i32
    %dma_start3A_991 = arith.constant 0 : i32
    %dma_start3A_992 = tpu.memref_slice %arg4[%dma_start3A_979, %dma_start3A_990, %dma_start3A_991] : memref<2x512x64xf32, #tpu.memory_space<vmem>> -> memref<1x512x64xf32, #tpu.memory_space<vmem>>
    %dma_start3A_993 = tpu.memref_squeeze %dma_start3A_992 : memref<1x512x64xf32, #tpu.memory_space<vmem>> -> memref<512x64xf32, #tpu.memory_space<vmem>>
    %dma_start3A_994 = arith.constant 0 : i32
    %dma_start3A_995 = tpu.memref_slice %arg2[%select_n3A_958, %select_n3A_918, %mul3A_976, %dma_start3A_994] : memref<3x8x6144x64xf32, #tpu.memory_space<hbm>> -> memref<1x1x512x64xf32, #tpu.memory_space<hbm>>
    %dma_start3A_996 = tpu.memref_squeeze %dma_start3A_995 : memref<1x1x512x64xf32, #tpu.memory_space<hbm>> -> memref<512x64xf32, #tpu.memory_space<hbm>>
    tpu.enqueue_dma source(%dma_start3A_996 : memref<512x64xf32, #tpu.memory_space<hbm>>) target(%dma_start3A_993 : memref<512x64xf32, #tpu.memory_space<vmem>>) target_semaphore(%dma_start3A_989 : memref<!tpu.dma_semaphore, #tpu.memory_space<semaphore_mem>>)
    %mul3A_997 = arith.constant 9 : i32
    %mul3A_998 = arith.muli %add3A, %mul3A_997 : i32
    %add3A_999 = arith.constant 3 : i32
    %add3A_1000 = arith.addi %mul3A_998, %add3A_999 : i32
    %jit3A_1001 = arith.constant 36 : i32
    %div3A_1002 = arith.divsi %add3A_1000, %jit3A_1001 : i32
    %sign3A_1003 = arith.constant 0 : i32
    %sign3A_1004 = arith.cmpi sgt, %add3A_1000, %sign3A_1003 : i32
    %sign3A_1005 = arith.extui %sign3A_1004 : i1 to i32
    %sign3A_1006 = arith.constant 0 : i32
    %sign3A_1007 = arith.cmpi slt, %add3A_1000, %sign3A_1006 : i32
    %sign3A_1008 = arith.extui %sign3A_1007 : i1 to i32
    %sign3A_1009 = arith.subi %sign3A_1005, %sign3A_1008 : i32
    %sign3A_1010 = arith.constant 0 : i32
    %sign3A_1011 = arith.cmpi sgt, %jit3A_1001, %sign3A_1010 : i32
    %sign3A_1012 = arith.extui %sign3A_1011 : i1 to i32
    %sign3A_1013 = arith.constant 0 : i32
    %sign3A_1014 = arith.cmpi slt, %jit3A_1001, %sign3A_1013 : i32
    %sign3A_1015 = arith.extui %sign3A_1014 : i1 to i32
    %sign3A_1016 = arith.subi %sign3A_1012, %sign3A_1015 : i32
    %ne3A_1017 = arith.cmpi ne, %sign3A_1009, %sign3A_1016 : i32
    %rem3A_1018 = arith.remsi %add3A_1000, %jit3A_1001 : i32
    %ne3A_1019 = arith.constant 0 : i32
    %ne3A_1020 = arith.cmpi ne, %rem3A_1018, %ne3A_1019 : i32
    %and3A_1021 = arith.andi %ne3A_1017, %ne3A_1020 : i1
    %sub3A_1022 = arith.constant 1 : i32
    %sub3A_1023 = arith.subi %div3A_1002, %sub3A_1022 : i32
    %select_n3A_1024 = arith.select %and3A_1021, %sub3A_1023, %div3A_1002 : i32
    %jit3A_1025 = arith.constant 12 : i32
    %div3A_1026 = arith.divsi %add3A_1000, %jit3A_1025 : i32
    %sign3A_1027 = arith.constant 0 : i32
    %sign3A_1028 = arith.cmpi sgt, %add3A_1000, %sign3A_1027 : i32
    %sign3A_1029 = arith.extui %sign3A_1028 : i1 to i32
    %sign3A_1030 = arith.constant 0 : i32
    %sign3A_1031 = arith.cmpi slt, %add3A_1000, %sign3A_1030 : i32
    %sign3A_1032 = arith.extui %sign3A_1031 : i1 to i32
    %sign3A_1033 = arith.subi %sign3A_1029, %sign3A_1032 : i32
    %sign3A_1034 = arith.constant 0 : i32
    %sign3A_1035 = arith.cmpi sgt, %jit3A_1025, %sign3A_1034 : i32
    %sign3A_1036 = arith.extui %sign3A_1035 : i1 to i32
    %sign3A_1037 = arith.constant 0 : i32
    %sign3A_1038 = arith.cmpi slt, %jit3A_1025, %sign3A_1037 : i32
    %sign3A_1039 = arith.extui %sign3A_1038 : i1 to i32
    %sign3A_1040 = arith.subi %sign3A_1036, %sign3A_1039 : i32
    %ne3A_1041 = arith.cmpi ne, %sign3A_1033, %sign3A_1040 : i32
    %rem3A_1042 = arith.remsi %add3A_1000, %jit3A_1025 : i32
    %ne3A_1043 = arith.constant 0 : i32
    %ne3A_1044 = arith.cmpi ne, %rem3A_1042, %ne3A_1043 : i32
    %and3A_1045 = arith.andi %ne3A_1041, %ne3A_1044 : i1
    %sub3A_1046 = arith.constant 1 : i32
    %sub3A_1047 = arith.subi %div3A_1026, %sub3A_1046 : i32
    %select_n3A_1048 = arith.select %and3A_1045, %sub3A_1047, %div3A_1026 : i32
    %jit3A_1049 = arith.constant 3 : i32
    %eq3A_1050 = arith.constant 0 : i32
    %eq3A_1051 = arith.cmpi eq, %jit3A_1049, %eq3A_1050 : i32
    %jit3A_1052 = arith.constant 1 : i32
    %select_n3A_1053 = arith.select %eq3A_1051, %jit3A_1052, %jit3A_1049 : i32
    %rem3A_1054 = arith.remsi %select_n3A_1048, %select_n3A_1053 : i32
    %ne3A_1055 = arith.constant 0 : i32
    %ne3A_1056 = arith.cmpi ne, %rem3A_1054, %ne3A_1055 : i32
    %lt3A_1057 = arith.constant 0 : i32
    %lt3A_1058 = arith.cmpi slt, %rem3A_1054, %lt3A_1057 : i32
    %lt3A_1059 = arith.constant 0 : i32
    %lt3A_1060 = arith.cmpi slt, %select_n3A_1053, %lt3A_1059 : i32
    %ne3A_1061 = arith.xori %lt3A_1058, %lt3A_1060 : i1
    %and3A_1062 = arith.andi %ne3A_1061, %ne3A_1056 : i1
    %add3A_1063 = arith.addi %rem3A_1054, %select_n3A_1053 : i32
    %select_n3A_1064 = arith.select %and3A_1062, %add3A_1063, %rem3A_1054 : i32
    %jit3A_1065 = arith.constant 12 : i32
    %eq3A_1066 = arith.constant 0 : i32
    %eq3A_1067 = arith.cmpi eq, %jit3A_1065, %eq3A_1066 : i32
    %jit3A_1068 = arith.constant 1 : i32
    %select_n3A_1069 = arith.select %eq3A_1067, %jit3A_1068, %jit3A_1065 : i32
    %rem3A_1070 = arith.remsi %add3A_1000, %select_n3A_1069 : i32
    %ne3A_1071 = arith.constant 0 : i32
    %ne3A_1072 = arith.cmpi ne, %rem3A_1070, %ne3A_1071 : i32
    %lt3A_1073 = arith.constant 0 : i32
    %lt3A_1074 = arith.cmpi slt, %rem3A_1070, %lt3A_1073 : i32
    %lt3A_1075 = arith.constant 0 : i32
    %lt3A_1076 = arith.cmpi slt, %select_n3A_1069, %lt3A_1075 : i32
    %ne3A_1077 = arith.xori %lt3A_1074, %lt3A_1076 : i1
    %and3A_1078 = arith.andi %ne3A_1077, %ne3A_1072 : i1
    %add3A_1079 = arith.addi %rem3A_1070, %select_n3A_1069 : i32
    %select_n3A_1080 = arith.select %and3A_1078, %add3A_1079, %rem3A_1070 : i32
    %mul3A_1081 = arith.constant 512 : i32
    %mul3A_1082 = arith.muli %select_n3A_1080, %mul3A_1081 : i32
    %mul3A_1083 = arith.constant 512 : i32
    %mul3A_1084 = arith.muli %select_n3A_1080, %mul3A_1083 : i32
    %dma_wait3A_1085 = arith.constant 1 : i32
    %dma_wait3A_1086 = arith.constant 1 : i32
    %dma_wait3A_1087 = arith.constant 0 : i32
    %dma_wait3A_1088 = arith.constant 0 : i32
    %dma_wait3A_1089 = tpu.memref_slice %arg4[%dma_wait3A_1085, %dma_wait3A_1087, %dma_wait3A_1088] : memref<2x512x64xf32, #tpu.memory_space<vmem>> -> memref<1x512x64xf32, #tpu.memory_space<vmem>>
    %dma_wait3A_1090 = tpu.memref_squeeze %dma_wait3A_1089 : memref<1x512x64xf32, #tpu.memory_space<vmem>> -> memref<512x64xf32, #tpu.memory_space<vmem>>
    %dma_wait3A_1091 = arith.constant 0 : i32
    %dma_wait3A_1092 = tpu.memref_slice %arg2[%select_n3A_1064, %select_n3A_1024, %mul3A_1082, %dma_wait3A_1091] : memref<3x8x6144x64xf32, #tpu.memory_space<hbm>> -> memref<1x1x512x64xf32, #tpu.memory_space<hbm>>
    %dma_wait3A_1093 = tpu.memref_squeeze %dma_wait3A_1092 : memref<1x1x512x64xf32, #tpu.memory_space<hbm>> -> memref<512x64xf32, #tpu.memory_space<hbm>>
    %dma_wait3A_1094 = tpu.memref_slice %arg5[%dma_wait3A_1086] : memref<2x!tpu.dma_semaphore, #tpu.memory_space<semaphore_mem>> -> memref<1x!tpu.dma_semaphore, #tpu.memory_space<semaphore_mem>>
    %dma_wait3A_1095 = tpu.memref_squeeze %dma_wait3A_1094 : memref<1x!tpu.dma_semaphore, #tpu.memory_space<semaphore_mem>> -> memref<!tpu.dma_semaphore, #tpu.memory_space<semaphore_mem>>
    %dma_wait3A_1096 = arith.constant 0 : i32
    %dma_wait3A_1097 = arith.constant 0 : i32
    %dma_wait3A_1098 = tpu.memref_slice %arg4[%dma_wait3A_1085, %dma_wait3A_1096, %dma_wait3A_1097] : memref<2x512x64xf32, #tpu.memory_space<vmem>> -> memref<1x512x64xf32, #tpu.memory_space<vmem>>
    %dma_wait3A_1099 = tpu.memref_squeeze %dma_wait3A_1098 : memref<1x512x64xf32, #tpu.memory_space<vmem>> -> memref<512x64xf32, #tpu.memory_space<vmem>>
    %dma_wait3A_1100 = arith.constant 0 : i32
    %dma_wait3A_1101 = tpu.memref_slice %arg2[%select_n3A_1064, %select_n3A_1024, %mul3A_1082, %dma_wait3A_1100] : memref<3x8x6144x64xf32, #tpu.memory_space<hbm>> -> memref<1x1x512x64xf32, #tpu.memory_space<hbm>>
    %dma_wait3A_1102 = tpu.memref_squeeze %dma_wait3A_1101 : memref<1x1x512x64xf32, #tpu.memory_space<hbm>> -> memref<512x64xf32, #tpu.memory_space<hbm>>
    tpu.wait_dma2 semaphore(%dma_wait3A_1095 : memref<!tpu.dma_semaphore, #tpu.memory_space<semaphore_mem>>) src(%dma_wait3A_1102 : memref<512x64xf32, #tpu.memory_space<hbm>>) dst(%dma_wait3A_1099 : memref<512x64xf32, #tpu.memory_space<vmem>>)
    %dma_start3A_1103 = arith.constant 1 : i32
    %dma_start3A_1104 = arith.constant 1 : i32
    %dma_start3A_1105 = arith.constant 0 : i32
    %dma_start3A_1106 = arith.constant 0 : i32
    %dma_start3A_1107 = tpu.memref_slice %arg4[%dma_start3A_1103, %dma_start3A_1105, %dma_start3A_1106] : memref<2x512x64xf32, #tpu.memory_space<vmem>> -> memref<1x512x64xf32, #tpu.memory_space<vmem>>
    %dma_start3A_1108 = tpu.memref_squeeze %dma_start3A_1107 : memref<1x512x64xf32, #tpu.memory_space<vmem>> -> memref<512x64xf32, #tpu.memory_space<vmem>>
    %dma_start3A_1109 = arith.constant 0 : i32
    %dma_start3A_1110 = tpu.memref_slice %arg3[%select_n3A_1024, %select_n3A_1064, %mul3A_1084, %dma_start3A_1109] : memref<8x3x6144x64xf32, #tpu.memory_space<hbm>> -> memref<1x1x512x64xf32, #tpu.memory_space<hbm>>
    %dma_start3A_1111 = tpu.memref_squeeze %dma_start3A_1110 : memref<1x1x512x64xf32, #tpu.memory_space<hbm>> -> memref<512x64xf32, #tpu.memory_space<hbm>>
    %dma_start3A_1112 = tpu.memref_slice %arg6[%dma_start3A_1104] : memref<2x!tpu.dma_semaphore, #tpu.memory_space<semaphore_mem>> -> memref<1x!tpu.dma_semaphore, #tpu.memory_space<semaphore_mem>>
    %dma_start3A_1113 = tpu.memref_squeeze %dma_start3A_1112 : memref<1x!tpu.dma_semaphore, #tpu.memory_space<semaphore_mem>> -> memref<!tpu.dma_semaphore, #tpu.memory_space<semaphore_mem>>
    %dma_start3A_1114 = arith.constant 0 : i32
    %dma_start3A_1115 = tpu.memref_slice %arg3[%select_n3A_1024, %select_n3A_1064, %mul3A_1084, %dma_start3A_1114] : memref<8x3x6144x64xf32, #tpu.memory_space<hbm>> -> memref<1x1x512x64xf32, #tpu.memory_space<hbm>>
    %dma_start3A_1116 = tpu.memref_squeeze %dma_start3A_1115 : memref<1x1x512x64xf32, #tpu.memory_space<hbm>> -> memref<512x64xf32, #tpu.memory_space<hbm>>
    %dma_start3A_1117 = arith.constant 0 : i32
    %dma_start3A_1118 = arith.constant 0 : i32
    %dma_start3A_1119 = tpu.memref_slice %arg4[%dma_start3A_1103, %dma_start3A_1117, %dma_start3A_1118] : memref<2x512x64xf32, #tpu.memory_space<vmem>> -> memref<1x512x64xf32, #tpu.memory_space<vmem>>
    %dma_start3A_1120 = tpu.memref_squeeze %dma_start3A_1119 : memref<1x512x64xf32, #tpu.memory_space<vmem>> -> memref<512x64xf32, #tpu.memory_space<vmem>>
    tpu.enqueue_dma source(%dma_start3A_1120 : memref<512x64xf32, #tpu.memory_space<vmem>>) target(%dma_start3A_1116 : memref<512x64xf32, #tpu.memory_space<hbm>>) target_semaphore(%dma_start3A_1113 : memref<!tpu.dma_semaphore, #tpu.memory_space<semaphore_mem>>)
    %mul3A_1121 = arith.constant 9 : i32
    %mul3A_1122 = arith.muli %add3A, %mul3A_1121 : i32
    %add3A_1123 = arith.constant 2 : i32
    %add3A_1124 = arith.addi %mul3A_1122, %add3A_1123 : i32
    %jit3A_1125 = arith.constant 36 : i32
    %div3A_1126 = arith.divsi %add3A_1124, %jit3A_1125 : i32
    %sign3A_1127 = arith.constant 0 : i32
    %sign3A_1128 = arith.cmpi sgt, %add3A_1124, %sign3A_1127 : i32
    %sign3A_1129 = arith.extui %sign3A_1128 : i1 to i32
    %sign3A_1130 = arith.constant 0 : i32
    %sign3A_1131 = arith.cmpi slt, %add3A_1124, %sign3A_1130 : i32
    %sign3A_1132 = arith.extui %sign3A_1131 : i1 to i32
    %sign3A_1133 = arith.subi %sign3A_1129, %sign3A_1132 : i32
    %sign3A_1134 = arith.constant 0 : i32
    %sign3A_1135 = arith.cmpi sgt, %jit3A_1125, %sign3A_1134 : i32
    %sign3A_1136 = arith.extui %sign3A_1135 : i1 to i32
    %sign3A_1137 = arith.constant 0 : i32
    %sign3A_1138 = arith.cmpi slt, %jit3A_1125, %sign3A_1137 : i32
    %sign3A_1139 = arith.extui %sign3A_1138 : i1 to i32
    %sign3A_1140 = arith.subi %sign3A_1136, %sign3A_1139 : i32
    %ne3A_1141 = arith.cmpi ne, %sign3A_1133, %sign3A_1140 : i32
    %rem3A_1142 = arith.remsi %add3A_1124, %jit3A_1125 : i32
    %ne3A_1143 = arith.constant 0 : i32
    %ne3A_1144 = arith.cmpi ne, %rem3A_1142, %ne3A_1143 : i32
    %and3A_1145 = arith.andi %ne3A_1141, %ne3A_1144 : i1
    %sub3A_1146 = arith.constant 1 : i32
    %sub3A_1147 = arith.subi %div3A_1126, %sub3A_1146 : i32
    %select_n3A_1148 = arith.select %and3A_1145, %sub3A_1147, %div3A_1126 : i32
    %jit3A_1149 = arith.constant 12 : i32
    %div3A_1150 = arith.divsi %add3A_1124, %jit3A_1149 : i32
    %sign3A_1151 = arith.constant 0 : i32
    %sign3A_1152 = arith.cmpi sgt, %add3A_1124, %sign3A_1151 : i32
    %sign3A_1153 = arith.extui %sign3A_1152 : i1 to i32
    %sign3A_1154 = arith.constant 0 : i32
    %sign3A_1155 = arith.cmpi slt, %add3A_1124, %sign3A_1154 : i32
    %sign3A_1156 = arith.extui %sign3A_1155 : i1 to i32
    %sign3A_1157 = arith.subi %sign3A_1153, %sign3A_1156 : i32
    %sign3A_1158 = arith.constant 0 : i32
    %sign3A_1159 = arith.cmpi sgt, %jit3A_1149, %sign3A_1158 : i32
    %sign3A_1160 = arith.extui %sign3A_1159 : i1 to i32
    %sign3A_1161 = arith.constant 0 : i32
    %sign3A_1162 = arith.cmpi slt, %jit3A_1149, %sign3A_1161 : i32
    %sign3A_1163 = arith.extui %sign3A_1162 : i1 to i32
    %sign3A_1164 = arith.subi %sign3A_1160, %sign3A_1163 : i32
    %ne3A_1165 = arith.cmpi ne, %sign3A_1157, %sign3A_1164 : i32
    %rem3A_1166 = arith.remsi %add3A_1124, %jit3A_1149 : i32
    %ne3A_1167 = arith.constant 0 : i32
    %ne3A_1168 = arith.cmpi ne, %rem3A_1166, %ne3A_1167 : i32
    %and3A_1169 = arith.andi %ne3A_1165, %ne3A_1168 : i1
    %sub3A_1170 = arith.constant 1 : i32
    %sub3A_1171 = arith.subi %div3A_1150, %sub3A_1170 : i32
    %select_n3A_1172 = arith.select %and3A_1169, %sub3A_1171, %div3A_1150 : i32
    %jit3A_1173 = arith.constant 3 : i32
    %eq3A_1174 = arith.constant 0 : i32
    %eq3A_1175 = arith.cmpi eq, %jit3A_1173, %eq3A_1174 : i32
    %jit3A_1176 = arith.constant 1 : i32
    %select_n3A_1177 = arith.select %eq3A_1175, %jit3A_1176, %jit3A_1173 : i32
    %rem3A_1178 = arith.remsi %select_n3A_1172, %select_n3A_1177 : i32
    %ne3A_1179 = arith.constant 0 : i32
    %ne3A_1180 = arith.cmpi ne, %rem3A_1178, %ne3A_1179 : i32
    %lt3A_1181 = arith.constant 0 : i32
    %lt3A_1182 = arith.cmpi slt, %rem3A_1178, %lt3A_1181 : i32
    %lt3A_1183 = arith.constant 0 : i32
    %lt3A_1184 = arith.cmpi slt, %select_n3A_1177, %lt3A_1183 : i32
    %ne3A_1185 = arith.xori %lt3A_1182, %lt3A_1184 : i1
    %and3A_1186 = arith.andi %ne3A_1185, %ne3A_1180 : i1
    %add3A_1187 = arith.addi %rem3A_1178, %select_n3A_1177 : i32
    %select_n3A_1188 = arith.select %and3A_1186, %add3A_1187, %rem3A_1178 : i32
    %jit3A_1189 = arith.constant 12 : i32
    %eq3A_1190 = arith.constant 0 : i32
    %eq3A_1191 = arith.cmpi eq, %jit3A_1189, %eq3A_1190 : i32
    %jit3A_1192 = arith.constant 1 : i32
    %select_n3A_1193 = arith.select %eq3A_1191, %jit3A_1192, %jit3A_1189 : i32
    %rem3A_1194 = arith.remsi %add3A_1124, %select_n3A_1193 : i32
    %ne3A_1195 = arith.constant 0 : i32
    %ne3A_1196 = arith.cmpi ne, %rem3A_1194, %ne3A_1195 : i32
    %lt3A_1197 = arith.constant 0 : i32
    %lt3A_1198 = arith.cmpi slt, %rem3A_1194, %lt3A_1197 : i32
    %lt3A_1199 = arith.constant 0 : i32
    %lt3A_1200 = arith.cmpi slt, %select_n3A_1193, %lt3A_1199 : i32
    %ne3A_1201 = arith.xori %lt3A_1198, %lt3A_1200 : i1
    %and3A_1202 = arith.andi %ne3A_1201, %ne3A_1196 : i1
    %add3A_1203 = arith.addi %rem3A_1194, %select_n3A_1193 : i32
    %select_n3A_1204 = arith.select %and3A_1202, %add3A_1203, %rem3A_1194 : i32
    %mul3A_1205 = arith.constant 512 : i32
    %mul3A_1206 = arith.muli %select_n3A_1204, %mul3A_1205 : i32
    %mul3A_1207 = arith.constant 512 : i32
    %mul3A_1208 = arith.muli %select_n3A_1204, %mul3A_1207 : i32
    %dma_wait3A_1209 = arith.constant 0 : i32
    %dma_wait3A_1210 = arith.constant 0 : i32
    %dma_wait3A_1211 = arith.constant 0 : i32
    %dma_wait3A_1212 = arith.constant 0 : i32
    %dma_wait3A_1213 = tpu.memref_slice %arg4[%dma_wait3A_1209, %dma_wait3A_1211, %dma_wait3A_1212] : memref<2x512x64xf32, #tpu.memory_space<vmem>> -> memref<1x512x64xf32, #tpu.memory_space<vmem>>
    %dma_wait3A_1214 = tpu.memref_squeeze %dma_wait3A_1213 : memref<1x512x64xf32, #tpu.memory_space<vmem>> -> memref<512x64xf32, #tpu.memory_space<vmem>>
    %dma_wait3A_1215 = arith.constant 0 : i32
    %dma_wait3A_1216 = tpu.memref_slice %arg3[%select_n3A_1148, %select_n3A_1188, %mul3A_1208, %dma_wait3A_1215] : memref<8x3x6144x64xf32, #tpu.memory_space<hbm>> -> memref<1x1x512x64xf32, #tpu.memory_space<hbm>>
    %dma_wait3A_1217 = tpu.memref_squeeze %dma_wait3A_1216 : memref<1x1x512x64xf32, #tpu.memory_space<hbm>> -> memref<512x64xf32, #tpu.memory_space<hbm>>
    %dma_wait3A_1218 = tpu.memref_slice %arg6[%dma_wait3A_1210] : memref<2x!tpu.dma_semaphore, #tpu.memory_space<semaphore_mem>> -> memref<1x!tpu.dma_semaphore, #tpu.memory_space<semaphore_mem>>
    %dma_wait3A_1219 = tpu.memref_squeeze %dma_wait3A_1218 : memref<1x!tpu.dma_semaphore, #tpu.memory_space<semaphore_mem>> -> memref<!tpu.dma_semaphore, #tpu.memory_space<semaphore_mem>>
    %dma_wait3A_1220 = arith.constant 0 : i32
    %dma_wait3A_1221 = tpu.memref_slice %arg3[%select_n3A_1148, %select_n3A_1188, %mul3A_1208, %dma_wait3A_1220] : memref<8x3x6144x64xf32, #tpu.memory_space<hbm>> -> memref<1x1x512x64xf32, #tpu.memory_space<hbm>>
    %dma_wait3A_1222 = tpu.memref_squeeze %dma_wait3A_1221 : memref<1x1x512x64xf32, #tpu.memory_space<hbm>> -> memref<512x64xf32, #tpu.memory_space<hbm>>
    %dma_wait3A_1223 = arith.constant 0 : i32
    %dma_wait3A_1224 = arith.constant 0 : i32
    %dma_wait3A_1225 = tpu.memref_slice %arg4[%dma_wait3A_1209, %dma_wait3A_1223, %dma_wait3A_1224] : memref<2x512x64xf32, #tpu.memory_space<vmem>> -> memref<1x512x64xf32, #tpu.memory_space<vmem>>
    %dma_wait3A_1226 = tpu.memref_squeeze %dma_wait3A_1225 : memref<1x512x64xf32, #tpu.memory_space<vmem>> -> memref<512x64xf32, #tpu.memory_space<vmem>>
    tpu.wait_dma2 semaphore(%dma_wait3A_1219 : memref<!tpu.dma_semaphore, #tpu.memory_space<semaphore_mem>>) src(%dma_wait3A_1226 : memref<512x64xf32, #tpu.memory_space<vmem>>) dst(%dma_wait3A_1222 : memref<512x64xf32, #tpu.memory_space<hbm>>)
    %mul3A_1227 = arith.constant 9 : i32
    %mul3A_1228 = arith.muli %add3A, %mul3A_1227 : i32
    %add3A_1229 = arith.constant 4 : i32
    %add3A_1230 = arith.addi %mul3A_1228, %add3A_1229 : i32
    %jit3A_1231 = arith.constant 36 : i32
    %div3A_1232 = arith.divsi %add3A_1230, %jit3A_1231 : i32
    %sign3A_1233 = arith.constant 0 : i32
    %sign3A_1234 = arith.cmpi sgt, %add3A_1230, %sign3A_1233 : i32
    %sign3A_1235 = arith.extui %sign3A_1234 : i1 to i32
    %sign3A_1236 = arith.constant 0 : i32
    %sign3A_1237 = arith.cmpi slt, %add3A_1230, %sign3A_1236 : i32
    %sign3A_1238 = arith.extui %sign3A_1237 : i1 to i32
    %sign3A_1239 = arith.subi %sign3A_1235, %sign3A_1238 : i32
    %sign3A_1240 = arith.constant 0 : i32
    %sign3A_1241 = arith.cmpi sgt, %jit3A_1231, %sign3A_1240 : i32
    %sign3A_1242 = arith.extui %sign3A_1241 : i1 to i32
    %sign3A_1243 = arith.constant 0 : i32
    %sign3A_1244 = arith.cmpi slt, %jit3A_1231, %sign3A_1243 : i32
    %sign3A_1245 = arith.extui %sign3A_1244 : i1 to i32
    %sign3A_1246 = arith.subi %sign3A_1242, %sign3A_1245 : i32
    %ne3A_1247 = arith.cmpi ne, %sign3A_1239, %sign3A_1246 : i32
    %rem3A_1248 = arith.remsi %add3A_1230, %jit3A_1231 : i32
    %ne3A_1249 = arith.constant 0 : i32
    %ne3A_1250 = arith.cmpi ne, %rem3A_1248, %ne3A_1249 : i32
    %and3A_1251 = arith.andi %ne3A_1247, %ne3A_1250 : i1
    %sub3A_1252 = arith.constant 1 : i32
    %sub3A_1253 = arith.subi %div3A_1232, %sub3A_1252 : i32
    %select_n3A_1254 = arith.select %and3A_1251, %sub3A_1253, %div3A_1232 : i32
    %jit3A_1255 = arith.constant 12 : i32
    %div3A_1256 = arith.divsi %add3A_1230, %jit3A_1255 : i32
    %sign3A_1257 = arith.constant 0 : i32
    %sign3A_1258 = arith.cmpi sgt, %add3A_1230, %sign3A_1257 : i32
    %sign3A_1259 = arith.extui %sign3A_1258 : i1 to i32
    %sign3A_1260 = arith.constant 0 : i32
    %sign3A_1261 = arith.cmpi slt, %add3A_1230, %sign3A_1260 : i32
    %sign3A_1262 = arith.extui %sign3A_1261 : i1 to i32
    %sign3A_1263 = arith.subi %sign3A_1259, %sign3A_1262 : i32
    %sign3A_1264 = arith.constant 0 : i32
    %sign3A_1265 = arith.cmpi sgt, %jit3A_1255, %sign3A_1264 : i32
    %sign3A_1266 = arith.extui %sign3A_1265 : i1 to i32
    %sign3A_1267 = arith.constant 0 : i32
    %sign3A_1268 = arith.cmpi slt, %jit3A_1255, %sign3A_1267 : i32
    %sign3A_1269 = arith.extui %sign3A_1268 : i1 to i32
    %sign3A_1270 = arith.subi %sign3A_1266, %sign3A_1269 : i32
    %ne3A_1271 = arith.cmpi ne, %sign3A_1263, %sign3A_1270 : i32
    %rem3A_1272 = arith.remsi %add3A_1230, %jit3A_1255 : i32
    %ne3A_1273 = arith.constant 0 : i32
    %ne3A_1274 = arith.cmpi ne, %rem3A_1272, %ne3A_1273 : i32
    %and3A_1275 = arith.andi %ne3A_1271, %ne3A_1274 : i1
    %sub3A_1276 = arith.constant 1 : i32
    %sub3A_1277 = arith.subi %div3A_1256, %sub3A_1276 : i32
    %select_n3A_1278 = arith.select %and3A_1275, %sub3A_1277, %div3A_1256 : i32
    %jit3A_1279 = arith.constant 3 : i32
    %eq3A_1280 = arith.constant 0 : i32
    %eq3A_1281 = arith.cmpi eq, %jit3A_1279, %eq3A_1280 : i32
    %jit3A_1282 = arith.constant 1 : i32
    %select_n3A_1283 = arith.select %eq3A_1281, %jit3A_1282, %jit3A_1279 : i32
    %rem3A_1284 = arith.remsi %select_n3A_1278, %select_n3A_1283 : i32
    %ne3A_1285 = arith.constant 0 : i32
    %ne3A_1286 = arith.cmpi ne, %rem3A_1284, %ne3A_1285 : i32
    %lt3A_1287 = arith.constant 0 : i32
    %lt3A_1288 = arith.cmpi slt, %rem3A_1284, %lt3A_1287 : i32
    %lt3A_1289 = arith.constant 0 : i32
    %lt3A_1290 = arith.cmpi slt, %select_n3A_1283, %lt3A_1289 : i32
    %ne3A_1291 = arith.xori %lt3A_1288, %lt3A_1290 : i1
    %and3A_1292 = arith.andi %ne3A_1291, %ne3A_1286 : i1
    %add3A_1293 = arith.addi %rem3A_1284, %select_n3A_1283 : i32
    %select_n3A_1294 = arith.select %and3A_1292, %add3A_1293, %rem3A_1284 : i32
    %jit3A_1295 = arith.constant 12 : i32
    %eq3A_1296 = arith.constant 0 : i32
    %eq3A_1297 = arith.cmpi eq, %jit3A_1295, %eq3A_1296 : i32
    %jit3A_1298 = arith.constant 1 : i32
    %select_n3A_1299 = arith.select %eq3A_1297, %jit3A_1298, %jit3A_1295 : i32
    %rem3A_1300 = arith.remsi %add3A_1230, %select_n3A_1299 : i32
    %ne3A_1301 = arith.constant 0 : i32
    %ne3A_1302 = arith.cmpi ne, %rem3A_1300, %ne3A_1301 : i32
    %lt3A_1303 = arith.constant 0 : i32
    %lt3A_1304 = arith.cmpi slt, %rem3A_1300, %lt3A_1303 : i32
    %lt3A_1305 = arith.constant 0 : i32
    %lt3A_1306 = arith.cmpi slt, %select_n3A_1299, %lt3A_1305 : i32
    %ne3A_1307 = arith.xori %lt3A_1304, %lt3A_1306 : i1
    %and3A_1308 = arith.andi %ne3A_1307, %ne3A_1302 : i1
    %add3A_1309 = arith.addi %rem3A_1300, %select_n3A_1299 : i32
    %select_n3A_1310 = arith.select %and3A_1308, %add3A_1309, %rem3A_1300 : i32
    %mul3A_1311 = arith.constant 512 : i32
    %mul3A_1312 = arith.muli %select_n3A_1310, %mul3A_1311 : i32
    %mul3A_1313 = arith.constant 512 : i32
    %mul3A_1314 = arith.muli %select_n3A_1310, %mul3A_1313 : i32
    %dma_start3A_1315 = arith.constant 0 : i32
    %dma_start3A_1316 = arith.constant 0 : i32
    %dma_start3A_1317 = arith.constant 0 : i32
    %dma_start3A_1318 = arith.constant 0 : i32
    %dma_start3A_1319 = tpu.memref_slice %arg4[%dma_start3A_1315, %dma_start3A_1317, %dma_start3A_1318] : memref<2x512x64xf32, #tpu.memory_space<vmem>> -> memref<1x512x64xf32, #tpu.memory_space<vmem>>
    %dma_start3A_1320 = tpu.memref_squeeze %dma_start3A_1319 : memref<1x512x64xf32, #tpu.memory_space<vmem>> -> memref<512x64xf32, #tpu.memory_space<vmem>>
    %dma_start3A_1321 = arith.constant 0 : i32
    %dma_start3A_1322 = tpu.memref_slice %arg2[%select_n3A_1294, %select_n3A_1254, %mul3A_1312, %dma_start3A_1321] : memref<3x8x6144x64xf32, #tpu.memory_space<hbm>> -> memref<1x1x512x64xf32, #tpu.memory_space<hbm>>
    %dma_start3A_1323 = tpu.memref_squeeze %dma_start3A_1322 : memref<1x1x512x64xf32, #tpu.memory_space<hbm>> -> memref<512x64xf32, #tpu.memory_space<hbm>>
    %dma_start3A_1324 = tpu.memref_slice %arg5[%dma_start3A_1316] : memref<2x!tpu.dma_semaphore, #tpu.memory_space<semaphore_mem>> -> memref<1x!tpu.dma_semaphore, #tpu.memory_space<semaphore_mem>>
    %dma_start3A_1325 = tpu.memref_squeeze %dma_start3A_1324 : memref<1x!tpu.dma_semaphore, #tpu.memory_space<semaphore_mem>> -> memref<!tpu.dma_semaphore, #tpu.memory_space<semaphore_mem>>
    %dma_start3A_1326 = arith.constant 0 : i32
    %dma_start3A_1327 = arith.constant 0 : i32
    %dma_start3A_1328 = tpu.memref_slice %arg4[%dma_start3A_1315, %dma_start3A_1326, %dma_start3A_1327] : memref<2x512x64xf32, #tpu.memory_space<vmem>> -> memref<1x512x64xf32, #tpu.memory_space<vmem>>
    %dma_start3A_1329 = tpu.memref_squeeze %dma_start3A_1328 : memref<1x512x64xf32, #tpu.memory_space<vmem>> -> memref<512x64xf32, #tpu.memory_space<vmem>>
    %dma_start3A_1330 = arith.constant 0 : i32
    %dma_start3A_1331 = tpu.memref_slice %arg2[%select_n3A_1294, %select_n3A_1254, %mul3A_1312, %dma_start3A_1330] : memref<3x8x6144x64xf32, #tpu.memory_space<hbm>> -> memref<1x1x512x64xf32, #tpu.memory_space<hbm>>
    %dma_start3A_1332 = tpu.memref_squeeze %dma_start3A_1331 : memref<1x1x512x64xf32, #tpu.memory_space<hbm>> -> memref<512x64xf32, #tpu.memory_space<hbm>>
    tpu.enqueue_dma source(%dma_start3A_1332 : memref<512x64xf32, #tpu.memory_space<hbm>>) target(%dma_start3A_1329 : memref<512x64xf32, #tpu.memory_space<vmem>>) target_semaphore(%dma_start3A_1325 : memref<!tpu.dma_semaphore, #tpu.memory_space<semaphore_mem>>)
    %mul3A_1333 = arith.constant 9 : i32
    %mul3A_1334 = arith.muli %add3A, %mul3A_1333 : i32
    %add3A_1335 = arith.constant 4 : i32
    %add3A_1336 = arith.addi %mul3A_1334, %add3A_1335 : i32
    %jit3A_1337 = arith.constant 36 : i32
    %div3A_1338 = arith.divsi %add3A_1336, %jit3A_1337 : i32
    %sign3A_1339 = arith.constant 0 : i32
    %sign3A_1340 = arith.cmpi sgt, %add3A_1336, %sign3A_1339 : i32
    %sign3A_1341 = arith.extui %sign3A_1340 : i1 to i32
    %sign3A_1342 = arith.constant 0 : i32
    %sign3A_1343 = arith.cmpi slt, %add3A_1336, %sign3A_1342 : i32
    %sign3A_1344 = arith.extui %sign3A_1343 : i1 to i32
    %sign3A_1345 = arith.subi %sign3A_1341, %sign3A_1344 : i32
    %sign3A_1346 = arith.constant 0 : i32
    %sign3A_1347 = arith.cmpi sgt, %jit3A_1337, %sign3A_1346 : i32
    %sign3A_1348 = arith.extui %sign3A_1347 : i1 to i32
    %sign3A_1349 = arith.constant 0 : i32
    %sign3A_1350 = arith.cmpi slt, %jit3A_1337, %sign3A_1349 : i32
    %sign3A_1351 = arith.extui %sign3A_1350 : i1 to i32
    %sign3A_1352 = arith.subi %sign3A_1348, %sign3A_1351 : i32
    %ne3A_1353 = arith.cmpi ne, %sign3A_1345, %sign3A_1352 : i32
    %rem3A_1354 = arith.remsi %add3A_1336, %jit3A_1337 : i32
    %ne3A_1355 = arith.constant 0 : i32
    %ne3A_1356 = arith.cmpi ne, %rem3A_1354, %ne3A_1355 : i32
    %and3A_1357 = arith.andi %ne3A_1353, %ne3A_1356 : i1
    %sub3A_1358 = arith.constant 1 : i32
    %sub3A_1359 = arith.subi %div3A_1338, %sub3A_1358 : i32
    %select_n3A_1360 = arith.select %and3A_1357, %sub3A_1359, %div3A_1338 : i32
    %jit3A_1361 = arith.constant 12 : i32
    %div3A_1362 = arith.divsi %add3A_1336, %jit3A_1361 : i32
    %sign3A_1363 = arith.constant 0 : i32
    %sign3A_1364 = arith.cmpi sgt, %add3A_1336, %sign3A_1363 : i32
    %sign3A_1365 = arith.extui %sign3A_1364 : i1 to i32
    %sign3A_1366 = arith.constant 0 : i32
    %sign3A_1367 = arith.cmpi slt, %add3A_1336, %sign3A_1366 : i32
    %sign3A_1368 = arith.extui %sign3A_1367 : i1 to i32
    %sign3A_1369 = arith.subi %sign3A_1365, %sign3A_1368 : i32
    %sign3A_1370 = arith.constant 0 : i32
    %sign3A_1371 = arith.cmpi sgt, %jit3A_1361, %sign3A_1370 : i32
    %sign3A_1372 = arith.extui %sign3A_1371 : i1 to i32
    %sign3A_1373 = arith.constant 0 : i32
    %sign3A_1374 = arith.cmpi slt, %jit3A_1361, %sign3A_1373 : i32
    %sign3A_1375 = arith.extui %sign3A_1374 : i1 to i32
    %sign3A_1376 = arith.subi %sign3A_1372, %sign3A_1375 : i32
    %ne3A_1377 = arith.cmpi ne, %sign3A_1369, %sign3A_1376 : i32
    %rem3A_1378 = arith.remsi %add3A_1336, %jit3A_1361 : i32
    %ne3A_1379 = arith.constant 0 : i32
    %ne3A_1380 = arith.cmpi ne, %rem3A_1378, %ne3A_1379 : i32
    %and3A_1381 = arith.andi %ne3A_1377, %ne3A_1380 : i1
    %sub3A_1382 = arith.constant 1 : i32
    %sub3A_1383 = arith.subi %div3A_1362, %sub3A_1382 : i32
    %select_n3A_1384 = arith.select %and3A_1381, %sub3A_1383, %div3A_1362 : i32
    %jit3A_1385 = arith.constant 3 : i32
    %eq3A_1386 = arith.constant 0 : i32
    %eq3A_1387 = arith.cmpi eq, %jit3A_1385, %eq3A_1386 : i32
    %jit3A_1388 = arith.constant 1 : i32
    %select_n3A_1389 = arith.select %eq3A_1387, %jit3A_1388, %jit3A_1385 : i32
    %rem3A_1390 = arith.remsi %select_n3A_1384, %select_n3A_1389 : i32
    %ne3A_1391 = arith.constant 0 : i32
    %ne3A_1392 = arith.cmpi ne, %rem3A_1390, %ne3A_1391 : i32
    %lt3A_1393 = arith.constant 0 : i32
    %lt3A_1394 = arith.cmpi slt, %rem3A_1390, %lt3A_1393 : i32
    %lt3A_1395 = arith.constant 0 : i32
    %lt3A_1396 = arith.cmpi slt, %select_n3A_1389, %lt3A_1395 : i32
    %ne3A_1397 = arith.xori %lt3A_1394, %lt3A_1396 : i1
    %and3A_1398 = arith.andi %ne3A_1397, %ne3A_1392 : i1
    %add3A_1399 = arith.addi %rem3A_1390, %select_n3A_1389 : i32
    %select_n3A_1400 = arith.select %and3A_1398, %add3A_1399, %rem3A_1390 : i32
    %jit3A_1401 = arith.constant 12 : i32
    %eq3A_1402 = arith.constant 0 : i32
    %eq3A_1403 = arith.cmpi eq, %jit3A_1401, %eq3A_1402 : i32
    %jit3A_1404 = arith.constant 1 : i32
    %select_n3A_1405 = arith.select %eq3A_1403, %jit3A_1404, %jit3A_1401 : i32
    %rem3A_1406 = arith.remsi %add3A_1336, %select_n3A_1405 : i32
    %ne3A_1407 = arith.constant 0 : i32
    %ne3A_1408 = arith.cmpi ne, %rem3A_1406, %ne3A_1407 : i32
    %lt3A_1409 = arith.constant 0 : i32
    %lt3A_1410 = arith.cmpi slt, %rem3A_1406, %lt3A_1409 : i32
    %lt3A_1411 = arith.constant 0 : i32
    %lt3A_1412 = arith.cmpi slt, %select_n3A_1405, %lt3A_1411 : i32
    %ne3A_1413 = arith.xori %lt3A_1410, %lt3A_1412 : i1
    %and3A_1414 = arith.andi %ne3A_1413, %ne3A_1408 : i1
    %add3A_1415 = arith.addi %rem3A_1406, %select_n3A_1405 : i32
    %select_n3A_1416 = arith.select %and3A_1414, %add3A_1415, %rem3A_1406 : i32
    %mul3A_1417 = arith.constant 512 : i32
    %mul3A_1418 = arith.muli %select_n3A_1416, %mul3A_1417 : i32
    %mul3A_1419 = arith.constant 512 : i32
    %mul3A_1420 = arith.muli %select_n3A_1416, %mul3A_1419 : i32
    %dma_wait3A_1421 = arith.constant 0 : i32
    %dma_wait3A_1422 = arith.constant 0 : i32
    %dma_wait3A_1423 = arith.constant 0 : i32
    %dma_wait3A_1424 = arith.constant 0 : i32
    %dma_wait3A_1425 = tpu.memref_slice %arg4[%dma_wait3A_1421, %dma_wait3A_1423, %dma_wait3A_1424] : memref<2x512x64xf32, #tpu.memory_space<vmem>> -> memref<1x512x64xf32, #tpu.memory_space<vmem>>
    %dma_wait3A_1426 = tpu.memref_squeeze %dma_wait3A_1425 : memref<1x512x64xf32, #tpu.memory_space<vmem>> -> memref<512x64xf32, #tpu.memory_space<vmem>>
    %dma_wait3A_1427 = arith.constant 0 : i32
    %dma_wait3A_1428 = tpu.memref_slice %arg2[%select_n3A_1400, %select_n3A_1360, %mul3A_1418, %dma_wait3A_1427] : memref<3x8x6144x64xf32, #tpu.memory_space<hbm>> -> memref<1x1x512x64xf32, #tpu.memory_space<hbm>>
    %dma_wait3A_1429 = tpu.memref_squeeze %dma_wait3A_1428 : memref<1x1x512x64xf32, #tpu.memory_space<hbm>> -> memref<512x64xf32, #tpu.memory_space<hbm>>
    %dma_wait3A_1430 = tpu.memref_slice %arg5[%dma_wait3A_1422] : memref<2x!tpu.dma_semaphore, #tpu.memory_space<semaphore_mem>> -> memref<1x!tpu.dma_semaphore, #tpu.memory_space<semaphore_mem>>
    %dma_wait3A_1431 = tpu.memref_squeeze %dma_wait3A_1430 : memref<1x!tpu.dma_semaphore, #tpu.memory_space<semaphore_mem>> -> memref<!tpu.dma_semaphore, #tpu.memory_space<semaphore_mem>>
    %dma_wait3A_1432 = arith.constant 0 : i32
    %dma_wait3A_1433 = arith.constant 0 : i32
    %dma_wait3A_1434 = tpu.memref_slice %arg4[%dma_wait3A_1421, %dma_wait3A_1432, %dma_wait3A_1433] : memref<2x512x64xf32, #tpu.memory_space<vmem>> -> memref<1x512x64xf32, #tpu.memory_space<vmem>>
    %dma_wait3A_1435 = tpu.memref_squeeze %dma_wait3A_1434 : memref<1x512x64xf32, #tpu.memory_space<vmem>> -> memref<512x64xf32, #tpu.memory_space<vmem>>
    %dma_wait3A_1436 = arith.constant 0 : i32
    %dma_wait3A_1437 = tpu.memref_slice %arg2[%select_n3A_1400, %select_n3A_1360, %mul3A_1418, %dma_wait3A_1436] : memref<3x8x6144x64xf32, #tpu.memory_space<hbm>> -> memref<1x1x512x64xf32, #tpu.memory_space<hbm>>
    %dma_wait3A_1438 = tpu.memref_squeeze %dma_wait3A_1437 : memref<1x1x512x64xf32, #tpu.memory_space<hbm>> -> memref<512x64xf32, #tpu.memory_space<hbm>>
    tpu.wait_dma2 semaphore(%dma_wait3A_1431 : memref<!tpu.dma_semaphore, #tpu.memory_space<semaphore_mem>>) src(%dma_wait3A_1438 : memref<512x64xf32, #tpu.memory_space<hbm>>) dst(%dma_wait3A_1435 : memref<512x64xf32, #tpu.memory_space<vmem>>)
    %dma_start3A_1439 = arith.constant 0 : i32
    %dma_start3A_1440 = arith.constant 0 : i32
    %dma_start3A_1441 = arith.constant 0 : i32
    %dma_start3A_1442 = arith.constant 0 : i32
    %dma_start3A_1443 = tpu.memref_slice %arg4[%dma_start3A_1439, %dma_start3A_1441, %dma_start3A_1442] : memref<2x512x64xf32, #tpu.memory_space<vmem>> -> memref<1x512x64xf32, #tpu.memory_space<vmem>>
    %dma_start3A_1444 = tpu.memref_squeeze %dma_start3A_1443 : memref<1x512x64xf32, #tpu.memory_space<vmem>> -> memref<512x64xf32, #tpu.memory_space<vmem>>
    %dma_start3A_1445 = arith.constant 0 : i32
    %dma_start3A_1446 = tpu.memref_slice %arg3[%select_n3A_1360, %select_n3A_1400, %mul3A_1420, %dma_start3A_1445] : memref<8x3x6144x64xf32, #tpu.memory_space<hbm>> -> memref<1x1x512x64xf32, #tpu.memory_space<hbm>>
    %dma_start3A_1447 = tpu.memref_squeeze %dma_start3A_1446 : memref<1x1x512x64xf32, #tpu.memory_space<hbm>> -> memref<512x64xf32, #tpu.memory_space<hbm>>
    %dma_start3A_1448 = tpu.memref_slice %arg6[%dma_start3A_1440] : memref<2x!tpu.dma_semaphore, #tpu.memory_space<semaphore_mem>> -> memref<1x!tpu.dma_semaphore, #tpu.memory_space<semaphore_mem>>
    %dma_start3A_1449 = tpu.memref_squeeze %dma_start3A_1448 : memref<1x!tpu.dma_semaphore, #tpu.memory_space<semaphore_mem>> -> memref<!tpu.dma_semaphore, #tpu.memory_space<semaphore_mem>>
    %dma_start3A_1450 = arith.constant 0 : i32
    %dma_start3A_1451 = tpu.memref_slice %arg3[%select_n3A_1360, %select_n3A_1400, %mul3A_1420, %dma_start3A_1450] : memref<8x3x6144x64xf32, #tpu.memory_space<hbm>> -> memref<1x1x512x64xf32, #tpu.memory_space<hbm>>
    %dma_start3A_1452 = tpu.memref_squeeze %dma_start3A_1451 : memref<1x1x512x64xf32, #tpu.memory_space<hbm>> -> memref<512x64xf32, #tpu.memory_space<hbm>>
    %dma_start3A_1453 = arith.constant 0 : i32
    %dma_start3A_1454 = arith.constant 0 : i32
    %dma_start3A_1455 = tpu.memref_slice %arg4[%dma_start3A_1439, %dma_start3A_1453, %dma_start3A_1454] : memref<2x512x64xf32, #tpu.memory_space<vmem>> -> memref<1x512x64xf32, #tpu.memory_space<vmem>>
    %dma_start3A_1456 = tpu.memref_squeeze %dma_start3A_1455 : memref<1x512x64xf32, #tpu.memory_space<vmem>> -> memref<512x64xf32, #tpu.memory_space<vmem>>
    tpu.enqueue_dma source(%dma_start3A_1456 : memref<512x64xf32, #tpu.memory_space<vmem>>) target(%dma_start3A_1452 : memref<512x64xf32, #tpu.memory_space<hbm>>) target_semaphore(%dma_start3A_1449 : memref<!tpu.dma_semaphore, #tpu.memory_space<semaphore_mem>>)
    %mul3A_1457 = arith.constant 9 : i32
    %mul3A_1458 = arith.muli %add3A, %mul3A_1457 : i32
    %add3A_1459 = arith.constant 3 : i32
    %add3A_1460 = arith.addi %mul3A_1458, %add3A_1459 : i32
    %jit3A_1461 = arith.constant 36 : i32
    %div3A_1462 = arith.divsi %add3A_1460, %jit3A_1461 : i32
    %sign3A_1463 = arith.constant 0 : i32
    %sign3A_1464 = arith.cmpi sgt, %add3A_1460, %sign3A_1463 : i32
    %sign3A_1465 = arith.extui %sign3A_1464 : i1 to i32
    %sign3A_1466 = arith.constant 0 : i32
    %sign3A_1467 = arith.cmpi slt, %add3A_1460, %sign3A_1466 : i32
    %sign3A_1468 = arith.extui %sign3A_1467 : i1 to i32
    %sign3A_1469 = arith.subi %sign3A_1465, %sign3A_1468 : i32
    %sign3A_1470 = arith.constant 0 : i32
    %sign3A_1471 = arith.cmpi sgt, %jit3A_1461, %sign3A_1470 : i32
    %sign3A_1472 = arith.extui %sign3A_1471 : i1 to i32
    %sign3A_1473 = arith.constant 0 : i32
    %sign3A_1474 = arith.cmpi slt, %jit3A_1461, %sign3A_1473 : i32
    %sign3A_1475 = arith.extui %sign3A_1474 : i1 to i32
    %sign3A_1476 = arith.subi %sign3A_1472, %sign3A_1475 : i32
    %ne3A_1477 = arith.cmpi ne, %sign3A_1469, %sign3A_1476 : i32
    %rem3A_1478 = arith.remsi %add3A_1460, %jit3A_1461 : i32
    %ne3A_1479 = arith.constant 0 : i32
    %ne3A_1480 = arith.cmpi ne, %rem3A_1478, %ne3A_1479 : i32
    %and3A_1481 = arith.andi %ne3A_1477, %ne3A_1480 : i1
    %sub3A_1482 = arith.constant 1 : i32
    %sub3A_1483 = arith.subi %div3A_1462, %sub3A_1482 : i32
    %select_n3A_1484 = arith.select %and3A_1481, %sub3A_1483, %div3A_1462 : i32
    %jit3A_1485 = arith.constant 12 : i32
    %div3A_1486 = arith.divsi %add3A_1460, %jit3A_1485 : i32
    %sign3A_1487 = arith.constant 0 : i32
    %sign3A_1488 = arith.cmpi sgt, %add3A_1460, %sign3A_1487 : i32
    %sign3A_1489 = arith.extui %sign3A_1488 : i1 to i32
    %sign3A_1490 = arith.constant 0 : i32
    %sign3A_1491 = arith.cmpi slt, %add3A_1460, %sign3A_1490 : i32
    %sign3A_1492 = arith.extui %sign3A_1491 : i1 to i32
    %sign3A_1493 = arith.subi %sign3A_1489, %sign3A_1492 : i32
    %sign3A_1494 = arith.constant 0 : i32
    %sign3A_1495 = arith.cmpi sgt, %jit3A_1485, %sign3A_1494 : i32
    %sign3A_1496 = arith.extui %sign3A_1495 : i1 to i32
    %sign3A_1497 = arith.constant 0 : i32
    %sign3A_1498 = arith.cmpi slt, %jit3A_1485, %sign3A_1497 : i32
    %sign3A_1499 = arith.extui %sign3A_1498 : i1 to i32
    %sign3A_1500 = arith.subi %sign3A_1496, %sign3A_1499 : i32
    %ne3A_1501 = arith.cmpi ne, %sign3A_1493, %sign3A_1500 : i32
    %rem3A_1502 = arith.remsi %add3A_1460, %jit3A_1485 : i32
    %ne3A_1503 = arith.constant 0 : i32
    %ne3A_1504 = arith.cmpi ne, %rem3A_1502, %ne3A_1503 : i32
    %and3A_1505 = arith.andi %ne3A_1501, %ne3A_1504 : i1
    %sub3A_1506 = arith.constant 1 : i32
    %sub3A_1507 = arith.subi %div3A_1486, %sub3A_1506 : i32
    %select_n3A_1508 = arith.select %and3A_1505, %sub3A_1507, %div3A_1486 : i32
    %jit3A_1509 = arith.constant 3 : i32
    %eq3A_1510 = arith.constant 0 : i32
    %eq3A_1511 = arith.cmpi eq, %jit3A_1509, %eq3A_1510 : i32
    %jit3A_1512 = arith.constant 1 : i32
    %select_n3A_1513 = arith.select %eq3A_1511, %jit3A_1512, %jit3A_1509 : i32
    %rem3A_1514 = arith.remsi %select_n3A_1508, %select_n3A_1513 : i32
    %ne3A_1515 = arith.constant 0 : i32
    %ne3A_1516 = arith.cmpi ne, %rem3A_1514, %ne3A_1515 : i32
    %lt3A_1517 = arith.constant 0 : i32
    %lt3A_1518 = arith.cmpi slt, %rem3A_1514, %lt3A_1517 : i32
    %lt3A_1519 = arith.constant 0 : i32
    %lt3A_1520 = arith.cmpi slt, %select_n3A_1513, %lt3A_1519 : i32
    %ne3A_1521 = arith.xori %lt3A_1518, %lt3A_1520 : i1
    %and3A_1522 = arith.andi %ne3A_1521, %ne3A_1516 : i1
    %add3A_1523 = arith.addi %rem3A_1514, %select_n3A_1513 : i32
    %select_n3A_1524 = arith.select %and3A_1522, %add3A_1523, %rem3A_1514 : i32
    %jit3A_1525 = arith.constant 12 : i32
    %eq3A_1526 = arith.constant 0 : i32
    %eq3A_1527 = arith.cmpi eq, %jit3A_1525, %eq3A_1526 : i32
    %jit3A_1528 = arith.constant 1 : i32
    %select_n3A_1529 = arith.select %eq3A_1527, %jit3A_1528, %jit3A_1525 : i32
    %rem3A_1530 = arith.remsi %add3A_1460, %select_n3A_1529 : i32
    %ne3A_1531 = arith.constant 0 : i32
    %ne3A_1532 = arith.cmpi ne, %rem3A_1530, %ne3A_1531 : i32
    %lt3A_1533 = arith.constant 0 : i32
    %lt3A_1534 = arith.cmpi slt, %rem3A_1530, %lt3A_1533 : i32
    %lt3A_1535 = arith.constant 0 : i32
    %lt3A_1536 = arith.cmpi slt, %select_n3A_1529, %lt3A_1535 : i32
    %ne3A_1537 = arith.xori %lt3A_1534, %lt3A_1536 : i1
    %and3A_1538 = arith.andi %ne3A_1537, %ne3A_1532 : i1
    %add3A_1539 = arith.addi %rem3A_1530, %select_n3A_1529 : i32
    %select_n3A_1540 = arith.select %and3A_1538, %add3A_1539, %rem3A_1530 : i32
    %mul3A_1541 = arith.constant 512 : i32
    %mul3A_1542 = arith.muli %select_n3A_1540, %mul3A_1541 : i32
    %mul3A_1543 = arith.constant 512 : i32
    %mul3A_1544 = arith.muli %select_n3A_1540, %mul3A_1543 : i32
    %dma_wait3A_1545 = arith.constant 1 : i32
    %dma_wait3A_1546 = arith.constant 1 : i32
    %dma_wait3A_1547 = arith.constant 0 : i32
    %dma_wait3A_1548 = arith.constant 0 : i32
    %dma_wait3A_1549 = tpu.memref_slice %arg4[%dma_wait3A_1545, %dma_wait3A_1547, %dma_wait3A_1548] : memref<2x512x64xf32, #tpu.memory_space<vmem>> -> memref<1x512x64xf32, #tpu.memory_space<vmem>>
    %dma_wait3A_1550 = tpu.memref_squeeze %dma_wait3A_1549 : memref<1x512x64xf32, #tpu.memory_space<vmem>> -> memref<512x64xf32, #tpu.memory_space<vmem>>
    %dma_wait3A_1551 = arith.constant 0 : i32
    %dma_wait3A_1552 = tpu.memref_slice %arg3[%select_n3A_1484, %select_n3A_1524, %mul3A_1544, %dma_wait3A_1551] : memref<8x3x6144x64xf32, #tpu.memory_space<hbm>> -> memref<1x1x512x64xf32, #tpu.memory_space<hbm>>
    %dma_wait3A_1553 = tpu.memref_squeeze %dma_wait3A_1552 : memref<1x1x512x64xf32, #tpu.memory_space<hbm>> -> memref<512x64xf32, #tpu.memory_space<hbm>>
    %dma_wait3A_1554 = tpu.memref_slice %arg6[%dma_wait3A_1546] : memref<2x!tpu.dma_semaphore, #tpu.memory_space<semaphore_mem>> -> memref<1x!tpu.dma_semaphore, #tpu.memory_space<semaphore_mem>>
    %dma_wait3A_1555 = tpu.memref_squeeze %dma_wait3A_1554 : memref<1x!tpu.dma_semaphore, #tpu.memory_space<semaphore_mem>> -> memref<!tpu.dma_semaphore, #tpu.memory_space<semaphore_mem>>
    %dma_wait3A_1556 = arith.constant 0 : i32
    %dma_wait3A_1557 = tpu.memref_slice %arg3[%select_n3A_1484, %select_n3A_1524, %mul3A_1544, %dma_wait3A_1556] : memref<8x3x6144x64xf32, #tpu.memory_space<hbm>> -> memref<1x1x512x64xf32, #tpu.memory_space<hbm>>
    %dma_wait3A_1558 = tpu.memref_squeeze %dma_wait3A_1557 : memref<1x1x512x64xf32, #tpu.memory_space<hbm>> -> memref<512x64xf32, #tpu.memory_space<hbm>>
    %dma_wait3A_1559 = arith.constant 0 : i32
    %dma_wait3A_1560 = arith.constant 0 : i32
    %dma_wait3A_1561 = tpu.memref_slice %arg4[%dma_wait3A_1545, %dma_wait3A_1559, %dma_wait3A_1560] : memref<2x512x64xf32, #tpu.memory_space<vmem>> -> memref<1x512x64xf32, #tpu.memory_space<vmem>>
    %dma_wait3A_1562 = tpu.memref_squeeze %dma_wait3A_1561 : memref<1x512x64xf32, #tpu.memory_space<vmem>> -> memref<512x64xf32, #tpu.memory_space<vmem>>
    tpu.wait_dma2 semaphore(%dma_wait3A_1555 : memref<!tpu.dma_semaphore, #tpu.memory_space<semaphore_mem>>) src(%dma_wait3A_1562 : memref<512x64xf32, #tpu.memory_space<vmem>>) dst(%dma_wait3A_1558 : memref<512x64xf32, #tpu.memory_space<hbm>>)
    %mul3A_1563 = arith.constant 9 : i32
    %mul3A_1564 = arith.muli %add3A, %mul3A_1563 : i32
    %add3A_1565 = arith.constant 5 : i32
    %add3A_1566 = arith.addi %mul3A_1564, %add3A_1565 : i32
    %jit3A_1567 = arith.constant 36 : i32
    %div3A_1568 = arith.divsi %add3A_1566, %jit3A_1567 : i32
    %sign3A_1569 = arith.constant 0 : i32
    %sign3A_1570 = arith.cmpi sgt, %add3A_1566, %sign3A_1569 : i32
    %sign3A_1571 = arith.extui %sign3A_1570 : i1 to i32
    %sign3A_1572 = arith.constant 0 : i32
    %sign3A_1573 = arith.cmpi slt, %add3A_1566, %sign3A_1572 : i32
    %sign3A_1574 = arith.extui %sign3A_1573 : i1 to i32
    %sign3A_1575 = arith.subi %sign3A_1571, %sign3A_1574 : i32
    %sign3A_1576 = arith.constant 0 : i32
    %sign3A_1577 = arith.cmpi sgt, %jit3A_1567, %sign3A_1576 : i32
    %sign3A_1578 = arith.extui %sign3A_1577 : i1 to i32
    %sign3A_1579 = arith.constant 0 : i32
    %sign3A_1580 = arith.cmpi slt, %jit3A_1567, %sign3A_1579 : i32
    %sign3A_1581 = arith.extui %sign3A_1580 : i1 to i32
    %sign3A_1582 = arith.subi %sign3A_1578, %sign3A_1581 : i32
    %ne3A_1583 = arith.cmpi ne, %sign3A_1575, %sign3A_1582 : i32
    %rem3A_1584 = arith.remsi %add3A_1566, %jit3A_1567 : i32
    %ne3A_1585 = arith.constant 0 : i32
    %ne3A_1586 = arith.cmpi ne, %rem3A_1584, %ne3A_1585 : i32
    %and3A_1587 = arith.andi %ne3A_1583, %ne3A_1586 : i1
    %sub3A_1588 = arith.constant 1 : i32
    %sub3A_1589 = arith.subi %div3A_1568, %sub3A_1588 : i32
    %select_n3A_1590 = arith.select %and3A_1587, %sub3A_1589, %div3A_1568 : i32
    %jit3A_1591 = arith.constant 12 : i32
    %div3A_1592 = arith.divsi %add3A_1566, %jit3A_1591 : i32
    %sign3A_1593 = arith.constant 0 : i32
    %sign3A_1594 = arith.cmpi sgt, %add3A_1566, %sign3A_1593 : i32
    %sign3A_1595 = arith.extui %sign3A_1594 : i1 to i32
    %sign3A_1596 = arith.constant 0 : i32
    %sign3A_1597 = arith.cmpi slt, %add3A_1566, %sign3A_1596 : i32
    %sign3A_1598 = arith.extui %sign3A_1597 : i1 to i32
    %sign3A_1599 = arith.subi %sign3A_1595, %sign3A_1598 : i32
    %sign3A_1600 = arith.constant 0 : i32
    %sign3A_1601 = arith.cmpi sgt, %jit3A_1591, %sign3A_1600 : i32
    %sign3A_1602 = arith.extui %sign3A_1601 : i1 to i32
    %sign3A_1603 = arith.constant 0 : i32
    %sign3A_1604 = arith.cmpi slt, %jit3A_1591, %sign3A_1603 : i32
    %sign3A_1605 = arith.extui %sign3A_1604 : i1 to i32
    %sign3A_1606 = arith.subi %sign3A_1602, %sign3A_1605 : i32
    %ne3A_1607 = arith.cmpi ne, %sign3A_1599, %sign3A_1606 : i32
    %rem3A_1608 = arith.remsi %add3A_1566, %jit3A_1591 : i32
    %ne3A_1609 = arith.constant 0 : i32
    %ne3A_1610 = arith.cmpi ne, %rem3A_1608, %ne3A_1609 : i32
    %and3A_1611 = arith.andi %ne3A_1607, %ne3A_1610 : i1
    %sub3A_1612 = arith.constant 1 : i32
    %sub3A_1613 = arith.subi %div3A_1592, %sub3A_1612 : i32
    %select_n3A_1614 = arith.select %and3A_1611, %sub3A_1613, %div3A_1592 : i32
    %jit3A_1615 = arith.constant 3 : i32
    %eq3A_1616 = arith.constant 0 : i32
    %eq3A_1617 = arith.cmpi eq, %jit3A_1615, %eq3A_1616 : i32
    %jit3A_1618 = arith.constant 1 : i32
    %select_n3A_1619 = arith.select %eq3A_1617, %jit3A_1618, %jit3A_1615 : i32
    %rem3A_1620 = arith.remsi %select_n3A_1614, %select_n3A_1619 : i32
    %ne3A_1621 = arith.constant 0 : i32
    %ne3A_1622 = arith.cmpi ne, %rem3A_1620, %ne3A_1621 : i32
    %lt3A_1623 = arith.constant 0 : i32
    %lt3A_1624 = arith.cmpi slt, %rem3A_1620, %lt3A_1623 : i32
    %lt3A_1625 = arith.constant 0 : i32
    %lt3A_1626 = arith.cmpi slt, %select_n3A_1619, %lt3A_1625 : i32
    %ne3A_1627 = arith.xori %lt3A_1624, %lt3A_1626 : i1
    %and3A_1628 = arith.andi %ne3A_1627, %ne3A_1622 : i1
    %add3A_1629 = arith.addi %rem3A_1620, %select_n3A_1619 : i32
    %select_n3A_1630 = arith.select %and3A_1628, %add3A_1629, %rem3A_1620 : i32
    %jit3A_1631 = arith.constant 12 : i32
    %eq3A_1632 = arith.constant 0 : i32
    %eq3A_1633 = arith.cmpi eq, %jit3A_1631, %eq3A_1632 : i32
    %jit3A_1634 = arith.constant 1 : i32
    %select_n3A_1635 = arith.select %eq3A_1633, %jit3A_1634, %jit3A_1631 : i32
    %rem3A_1636 = arith.remsi %add3A_1566, %select_n3A_1635 : i32
    %ne3A_1637 = arith.constant 0 : i32
    %ne3A_1638 = arith.cmpi ne, %rem3A_1636, %ne3A_1637 : i32
    %lt3A_1639 = arith.constant 0 : i32
    %lt3A_1640 = arith.cmpi slt, %rem3A_1636, %lt3A_1639 : i32
    %lt3A_1641 = arith.constant 0 : i32
    %lt3A_1642 = arith.cmpi slt, %select_n3A_1635, %lt3A_1641 : i32
    %ne3A_1643 = arith.xori %lt3A_1640, %lt3A_1642 : i1
    %and3A_1644 = arith.andi %ne3A_1643, %ne3A_1638 : i1
    %add3A_1645 = arith.addi %rem3A_1636, %select_n3A_1635 : i32
    %select_n3A_1646 = arith.select %and3A_1644, %add3A_1645, %rem3A_1636 : i32
    %mul3A_1647 = arith.constant 512 : i32
    %mul3A_1648 = arith.muli %select_n3A_1646, %mul3A_1647 : i32
    %mul3A_1649 = arith.constant 512 : i32
    %mul3A_1650 = arith.muli %select_n3A_1646, %mul3A_1649 : i32
    %dma_start3A_1651 = arith.constant 1 : i32
    %dma_start3A_1652 = arith.constant 1 : i32
    %dma_start3A_1653 = arith.constant 0 : i32
    %dma_start3A_1654 = arith.constant 0 : i32
    %dma_start3A_1655 = tpu.memref_slice %arg4[%dma_start3A_1651, %dma_start3A_1653, %dma_start3A_1654] : memref<2x512x64xf32, #tpu.memory_space<vmem>> -> memref<1x512x64xf32, #tpu.memory_space<vmem>>
    %dma_start3A_1656 = tpu.memref_squeeze %dma_start3A_1655 : memref<1x512x64xf32, #tpu.memory_space<vmem>> -> memref<512x64xf32, #tpu.memory_space<vmem>>
    %dma_start3A_1657 = arith.constant 0 : i32
    %dma_start3A_1658 = tpu.memref_slice %arg2[%select_n3A_1630, %select_n3A_1590, %mul3A_1648, %dma_start3A_1657] : memref<3x8x6144x64xf32, #tpu.memory_space<hbm>> -> memref<1x1x512x64xf32, #tpu.memory_space<hbm>>
    %dma_start3A_1659 = tpu.memref_squeeze %dma_start3A_1658 : memref<1x1x512x64xf32, #tpu.memory_space<hbm>> -> memref<512x64xf32, #tpu.memory_space<hbm>>
    %dma_start3A_1660 = tpu.memref_slice %arg5[%dma_start3A_1652] : memref<2x!tpu.dma_semaphore, #tpu.memory_space<semaphore_mem>> -> memref<1x!tpu.dma_semaphore, #tpu.memory_space<semaphore_mem>>
    %dma_start3A_1661 = tpu.memref_squeeze %dma_start3A_1660 : memref<1x!tpu.dma_semaphore, #tpu.memory_space<semaphore_mem>> -> memref<!tpu.dma_semaphore, #tpu.memory_space<semaphore_mem>>
    %dma_start3A_1662 = arith.constant 0 : i32
    %dma_start3A_1663 = arith.constant 0 : i32
    %dma_start3A_1664 = tpu.memref_slice %arg4[%dma_start3A_1651, %dma_start3A_1662, %dma_start3A_1663] : memref<2x512x64xf32, #tpu.memory_space<vmem>> -> memref<1x512x64xf32, #tpu.memory_space<vmem>>
    %dma_start3A_1665 = tpu.memref_squeeze %dma_start3A_1664 : memref<1x512x64xf32, #tpu.memory_space<vmem>> -> memref<512x64xf32, #tpu.memory_space<vmem>>
    %dma_start3A_1666 = arith.constant 0 : i32
    %dma_start3A_1667 = tpu.memref_slice %arg2[%select_n3A_1630, %select_n3A_1590, %mul3A_1648, %dma_start3A_1666] : memref<3x8x6144x64xf32, #tpu.memory_space<hbm>> -> memref<1x1x512x64xf32, #tpu.memory_space<hbm>>
    %dma_start3A_1668 = tpu.memref_squeeze %dma_start3A_1667 : memref<1x1x512x64xf32, #tpu.memory_space<hbm>> -> memref<512x64xf32, #tpu.memory_space<hbm>>
    tpu.enqueue_dma source(%dma_start3A_1668 : memref<512x64xf32, #tpu.memory_space<hbm>>) target(%dma_start3A_1665 : memref<512x64xf32, #tpu.memory_space<vmem>>) target_semaphore(%dma_start3A_1661 : memref<!tpu.dma_semaphore, #tpu.memory_space<semaphore_mem>>)
    %mul3A_1669 = arith.constant 9 : i32
    %mul3A_1670 = arith.muli %add3A, %mul3A_1669 : i32
    %add3A_1671 = arith.constant 5 : i32
    %add3A_1672 = arith.addi %mul3A_1670, %add3A_1671 : i32
    %jit3A_1673 = arith.constant 36 : i32
    %div3A_1674 = arith.divsi %add3A_1672, %jit3A_1673 : i32
    %sign3A_1675 = arith.constant 0 : i32
    %sign3A_1676 = arith.cmpi sgt, %add3A_1672, %sign3A_1675 : i32
    %sign3A_1677 = arith.extui %sign3A_1676 : i1 to i32
    %sign3A_1678 = arith.constant 0 : i32
    %sign3A_1679 = arith.cmpi slt, %add3A_1672, %sign3A_1678 : i32
    %sign3A_1680 = arith.extui %sign3A_1679 : i1 to i32
    %sign3A_1681 = arith.subi %sign3A_1677, %sign3A_1680 : i32
    %sign3A_1682 = arith.constant 0 : i32
    %sign3A_1683 = arith.cmpi sgt, %jit3A_1673, %sign3A_1682 : i32
    %sign3A_1684 = arith.extui %sign3A_1683 : i1 to i32
    %sign3A_1685 = arith.constant 0 : i32
    %sign3A_1686 = arith.cmpi slt, %jit3A_1673, %sign3A_1685 : i32
    %sign3A_1687 = arith.extui %sign3A_1686 : i1 to i32
    %sign3A_1688 = arith.subi %sign3A_1684, %sign3A_1687 : i32
    %ne3A_1689 = arith.cmpi ne, %sign3A_1681, %sign3A_1688 : i32
    %rem3A_1690 = arith.remsi %add3A_1672, %jit3A_1673 : i32
    %ne3A_1691 = arith.constant 0 : i32
    %ne3A_1692 = arith.cmpi ne, %rem3A_1690, %ne3A_1691 : i32
    %and3A_1693 = arith.andi %ne3A_1689, %ne3A_1692 : i1
    %sub3A_1694 = arith.constant 1 : i32
    %sub3A_1695 = arith.subi %div3A_1674, %sub3A_1694 : i32
    %select_n3A_1696 = arith.select %and3A_1693, %sub3A_1695, %div3A_1674 : i32
    %jit3A_1697 = arith.constant 12 : i32
    %div3A_1698 = arith.divsi %add3A_1672, %jit3A_1697 : i32
    %sign3A_1699 = arith.constant 0 : i32
    %sign3A_1700 = arith.cmpi sgt, %add3A_1672, %sign3A_1699 : i32
    %sign3A_1701 = arith.extui %sign3A_1700 : i1 to i32
    %sign3A_1702 = arith.constant 0 : i32
    %sign3A_1703 = arith.cmpi slt, %add3A_1672, %sign3A_1702 : i32
    %sign3A_1704 = arith.extui %sign3A_1703 : i1 to i32
    %sign3A_1705 = arith.subi %sign3A_1701, %sign3A_1704 : i32
    %sign3A_1706 = arith.constant 0 : i32
    %sign3A_1707 = arith.cmpi sgt, %jit3A_1697, %sign3A_1706 : i32
    %sign3A_1708 = arith.extui %sign3A_1707 : i1 to i32
    %sign3A_1709 = arith.constant 0 : i32
    %sign3A_1710 = arith.cmpi slt, %jit3A_1697, %sign3A_1709 : i32
    %sign3A_1711 = arith.extui %sign3A_1710 : i1 to i32
    %sign3A_1712 = arith.subi %sign3A_1708, %sign3A_1711 : i32
    %ne3A_1713 = arith.cmpi ne, %sign3A_1705, %sign3A_1712 : i32
    %rem3A_1714 = arith.remsi %add3A_1672, %jit3A_1697 : i32
    %ne3A_1715 = arith.constant 0 : i32
    %ne3A_1716 = arith.cmpi ne, %rem3A_1714, %ne3A_1715 : i32
    %and3A_1717 = arith.andi %ne3A_1713, %ne3A_1716 : i1
    %sub3A_1718 = arith.constant 1 : i32
    %sub3A_1719 = arith.subi %div3A_1698, %sub3A_1718 : i32
    %select_n3A_1720 = arith.select %and3A_1717, %sub3A_1719, %div3A_1698 : i32
    %jit3A_1721 = arith.constant 3 : i32
    %eq3A_1722 = arith.constant 0 : i32
    %eq3A_1723 = arith.cmpi eq, %jit3A_1721, %eq3A_1722 : i32
    %jit3A_1724 = arith.constant 1 : i32
    %select_n3A_1725 = arith.select %eq3A_1723, %jit3A_1724, %jit3A_1721 : i32
    %rem3A_1726 = arith.remsi %select_n3A_1720, %select_n3A_1725 : i32
    %ne3A_1727 = arith.constant 0 : i32
    %ne3A_1728 = arith.cmpi ne, %rem3A_1726, %ne3A_1727 : i32
    %lt3A_1729 = arith.constant 0 : i32
    %lt3A_1730 = arith.cmpi slt, %rem3A_1726, %lt3A_1729 : i32
    %lt3A_1731 = arith.constant 0 : i32
    %lt3A_1732 = arith.cmpi slt, %select_n3A_1725, %lt3A_1731 : i32
    %ne3A_1733 = arith.xori %lt3A_1730, %lt3A_1732 : i1
    %and3A_1734 = arith.andi %ne3A_1733, %ne3A_1728 : i1
    %add3A_1735 = arith.addi %rem3A_1726, %select_n3A_1725 : i32
    %select_n3A_1736 = arith.select %and3A_1734, %add3A_1735, %rem3A_1726 : i32
    %jit3A_1737 = arith.constant 12 : i32
    %eq3A_1738 = arith.constant 0 : i32
    %eq3A_1739 = arith.cmpi eq, %jit3A_1737, %eq3A_1738 : i32
    %jit3A_1740 = arith.constant 1 : i32
    %select_n3A_1741 = arith.select %eq3A_1739, %jit3A_1740, %jit3A_1737 : i32
    %rem3A_1742 = arith.remsi %add3A_1672, %select_n3A_1741 : i32
    %ne3A_1743 = arith.constant 0 : i32
    %ne3A_1744 = arith.cmpi ne, %rem3A_1742, %ne3A_1743 : i32
    %lt3A_1745 = arith.constant 0 : i32
    %lt3A_1746 = arith.cmpi slt, %rem3A_1742, %lt3A_1745 : i32
    %lt3A_1747 = arith.constant 0 : i32
    %lt3A_1748 = arith.cmpi slt, %select_n3A_1741, %lt3A_1747 : i32
    %ne3A_1749 = arith.xori %lt3A_1746, %lt3A_1748 : i1
    %and3A_1750 = arith.andi %ne3A_1749, %ne3A_1744 : i1
    %add3A_1751 = arith.addi %rem3A_1742, %select_n3A_1741 : i32
    %select_n3A_1752 = arith.select %and3A_1750, %add3A_1751, %rem3A_1742 : i32
    %mul3A_1753 = arith.constant 512 : i32
    %mul3A_1754 = arith.muli %select_n3A_1752, %mul3A_1753 : i32
    %mul3A_1755 = arith.constant 512 : i32
    %mul3A_1756 = arith.muli %select_n3A_1752, %mul3A_1755 : i32
    %dma_wait3A_1757 = arith.constant 1 : i32
    %dma_wait3A_1758 = arith.constant 1 : i32
    %dma_wait3A_1759 = arith.constant 0 : i32
    %dma_wait3A_1760 = arith.constant 0 : i32
    %dma_wait3A_1761 = tpu.memref_slice %arg4[%dma_wait3A_1757, %dma_wait3A_1759, %dma_wait3A_1760] : memref<2x512x64xf32, #tpu.memory_space<vmem>> -> memref<1x512x64xf32, #tpu.memory_space<vmem>>
    %dma_wait3A_1762 = tpu.memref_squeeze %dma_wait3A_1761 : memref<1x512x64xf32, #tpu.memory_space<vmem>> -> memref<512x64xf32, #tpu.memory_space<vmem>>
    %dma_wait3A_1763 = arith.constant 0 : i32
    %dma_wait3A_1764 = tpu.memref_slice %arg2[%select_n3A_1736, %select_n3A_1696, %mul3A_1754, %dma_wait3A_1763] : memref<3x8x6144x64xf32, #tpu.memory_space<hbm>> -> memref<1x1x512x64xf32, #tpu.memory_space<hbm>>
    %dma_wait3A_1765 = tpu.memref_squeeze %dma_wait3A_1764 : memref<1x1x512x64xf32, #tpu.memory_space<hbm>> -> memref<512x64xf32, #tpu.memory_space<hbm>>
    %dma_wait3A_1766 = tpu.memref_slice %arg5[%dma_wait3A_1758] : memref<2x!tpu.dma_semaphore, #tpu.memory_space<semaphore_mem>> -> memref<1x!tpu.dma_semaphore, #tpu.memory_space<semaphore_mem>>
    %dma_wait3A_1767 = tpu.memref_squeeze %dma_wait3A_1766 : memref<1x!tpu.dma_semaphore, #tpu.memory_space<semaphore_mem>> -> memref<!tpu.dma_semaphore, #tpu.memory_space<semaphore_mem>>
    %dma_wait3A_1768 = arith.constant 0 : i32
    %dma_wait3A_1769 = arith.constant 0 : i32
    %dma_wait3A_1770 = tpu.memref_slice %arg4[%dma_wait3A_1757, %dma_wait3A_1768, %dma_wait3A_1769] : memref<2x512x64xf32, #tpu.memory_space<vmem>> -> memref<1x512x64xf32, #tpu.memory_space<vmem>>
    %dma_wait3A_1771 = tpu.memref_squeeze %dma_wait3A_1770 : memref<1x512x64xf32, #tpu.memory_space<vmem>> -> memref<512x64xf32, #tpu.memory_space<vmem>>
    %dma_wait3A_1772 = arith.constant 0 : i32
    %dma_wait3A_1773 = tpu.memref_slice %arg2[%select_n3A_1736, %select_n3A_1696, %mul3A_1754, %dma_wait3A_1772] : memref<3x8x6144x64xf32, #tpu.memory_space<hbm>> -> memref<1x1x512x64xf32, #tpu.memory_space<hbm>>
    %dma_wait3A_1774 = tpu.memref_squeeze %dma_wait3A_1773 : memref<1x1x512x64xf32, #tpu.memory_space<hbm>> -> memref<512x64xf32, #tpu.memory_space<hbm>>
    tpu.wait_dma2 semaphore(%dma_wait3A_1767 : memref<!tpu.dma_semaphore, #tpu.memory_space<semaphore_mem>>) src(%dma_wait3A_1774 : memref<512x64xf32, #tpu.memory_space<hbm>>) dst(%dma_wait3A_1771 : memref<512x64xf32, #tpu.memory_space<vmem>>)
    %dma_start3A_1775 = arith.constant 1 : i32
    %dma_start3A_1776 = arith.constant 1 : i32
    %dma_start3A_1777 = arith.constant 0 : i32
    %dma_start3A_1778 = arith.constant 0 : i32
    %dma_start3A_1779 = tpu.memref_slice %arg4[%dma_start3A_1775, %dma_start3A_1777, %dma_start3A_1778] : memref<2x512x64xf32, #tpu.memory_space<vmem>> -> memref<1x512x64xf32, #tpu.memory_space<vmem>>
    %dma_start3A_1780 = tpu.memref_squeeze %dma_start3A_1779 : memref<1x512x64xf32, #tpu.memory_space<vmem>> -> memref<512x64xf32, #tpu.memory_space<vmem>>
    %dma_start3A_1781 = arith.constant 0 : i32
    %dma_start3A_1782 = tpu.memref_slice %arg3[%select_n3A_1696, %select_n3A_1736, %mul3A_1756, %dma_start3A_1781] : memref<8x3x6144x64xf32, #tpu.memory_space<hbm>> -> memref<1x1x512x64xf32, #tpu.memory_space<hbm>>
    %dma_start3A_1783 = tpu.memref_squeeze %dma_start3A_1782 : memref<1x1x512x64xf32, #tpu.memory_space<hbm>> -> memref<512x64xf32, #tpu.memory_space<hbm>>
    %dma_start3A_1784 = tpu.memref_slice %arg6[%dma_start3A_1776] : memref<2x!tpu.dma_semaphore, #tpu.memory_space<semaphore_mem>> -> memref<1x!tpu.dma_semaphore, #tpu.memory_space<semaphore_mem>>
    %dma_start3A_1785 = tpu.memref_squeeze %dma_start3A_1784 : memref<1x!tpu.dma_semaphore, #tpu.memory_space<semaphore_mem>> -> memref<!tpu.dma_semaphore, #tpu.memory_space<semaphore_mem>>
    %dma_start3A_1786 = arith.constant 0 : i32
    %dma_start3A_1787 = tpu.memref_slice %arg3[%select_n3A_1696, %select_n3A_1736, %mul3A_1756, %dma_start3A_1786] : memref<8x3x6144x64xf32, #tpu.memory_space<hbm>> -> memref<1x1x512x64xf32, #tpu.memory_space<hbm>>
    %dma_start3A_1788 = tpu.memref_squeeze %dma_start3A_1787 : memref<1x1x512x64xf32, #tpu.memory_space<hbm>> -> memref<512x64xf32, #tpu.memory_space<hbm>>
    %dma_start3A_1789 = arith.constant 0 : i32
    %dma_start3A_1790 = arith.constant 0 : i32
    %dma_start3A_1791 = tpu.memref_slice %arg4[%dma_start3A_1775, %dma_start3A_1789, %dma_start3A_1790] : memref<2x512x64xf32, #tpu.memory_space<vmem>> -> memref<1x512x64xf32, #tpu.memory_space<vmem>>
    %dma_start3A_1792 = tpu.memref_squeeze %dma_start3A_1791 : memref<1x512x64xf32, #tpu.memory_space<vmem>> -> memref<512x64xf32, #tpu.memory_space<vmem>>
    tpu.enqueue_dma source(%dma_start3A_1792 : memref<512x64xf32, #tpu.memory_space<vmem>>) target(%dma_start3A_1788 : memref<512x64xf32, #tpu.memory_space<hbm>>) target_semaphore(%dma_start3A_1785 : memref<!tpu.dma_semaphore, #tpu.memory_space<semaphore_mem>>)
    %mul3A_1793 = arith.constant 9 : i32
    %mul3A_1794 = arith.muli %add3A, %mul3A_1793 : i32
    %add3A_1795 = arith.constant 4 : i32
    %add3A_1796 = arith.addi %mul3A_1794, %add3A_1795 : i32
    %jit3A_1797 = arith.constant 36 : i32
    %div3A_1798 = arith.divsi %add3A_1796, %jit3A_1797 : i32
    %sign3A_1799 = arith.constant 0 : i32
    %sign3A_1800 = arith.cmpi sgt, %add3A_1796, %sign3A_1799 : i32
    %sign3A_1801 = arith.extui %sign3A_1800 : i1 to i32
    %sign3A_1802 = arith.constant 0 : i32
    %sign3A_1803 = arith.cmpi slt, %add3A_1796, %sign3A_1802 : i32
    %sign3A_1804 = arith.extui %sign3A_1803 : i1 to i32
    %sign3A_1805 = arith.subi %sign3A_1801, %sign3A_1804 : i32
    %sign3A_1806 = arith.constant 0 : i32
    %sign3A_1807 = arith.cmpi sgt, %jit3A_1797, %sign3A_1806 : i32
    %sign3A_1808 = arith.extui %sign3A_1807 : i1 to i32
    %sign3A_1809 = arith.constant 0 : i32
    %sign3A_1810 = arith.cmpi slt, %jit3A_1797, %sign3A_1809 : i32
    %sign3A_1811 = arith.extui %sign3A_1810 : i1 to i32
    %sign3A_1812 = arith.subi %sign3A_1808, %sign3A_1811 : i32
    %ne3A_1813 = arith.cmpi ne, %sign3A_1805, %sign3A_1812 : i32
    %rem3A_1814 = arith.remsi %add3A_1796, %jit3A_1797 : i32
    %ne3A_1815 = arith.constant 0 : i32
    %ne3A_1816 = arith.cmpi ne, %rem3A_1814, %ne3A_1815 : i32
    %and3A_1817 = arith.andi %ne3A_1813, %ne3A_1816 : i1
    %sub3A_1818 = arith.constant 1 : i32
    %sub3A_1819 = arith.subi %div3A_1798, %sub3A_1818 : i32
    %select_n3A_1820 = arith.select %and3A_1817, %sub3A_1819, %div3A_1798 : i32
    %jit3A_1821 = arith.constant 12 : i32
    %div3A_1822 = arith.divsi %add3A_1796, %jit3A_1821 : i32
    %sign3A_1823 = arith.constant 0 : i32
    %sign3A_1824 = arith.cmpi sgt, %add3A_1796, %sign3A_1823 : i32
    %sign3A_1825 = arith.extui %sign3A_1824 : i1 to i32
    %sign3A_1826 = arith.constant 0 : i32
    %sign3A_1827 = arith.cmpi slt, %add3A_1796, %sign3A_1826 : i32
    %sign3A_1828 = arith.extui %sign3A_1827 : i1 to i32
    %sign3A_1829 = arith.subi %sign3A_1825, %sign3A_1828 : i32
    %sign3A_1830 = arith.constant 0 : i32
    %sign3A_1831 = arith.cmpi sgt, %jit3A_1821, %sign3A_1830 : i32
    %sign3A_1832 = arith.extui %sign3A_1831 : i1 to i32
    %sign3A_1833 = arith.constant 0 : i32
    %sign3A_1834 = arith.cmpi slt, %jit3A_1821, %sign3A_1833 : i32
    %sign3A_1835 = arith.extui %sign3A_1834 : i1 to i32
    %sign3A_1836 = arith.subi %sign3A_1832, %sign3A_1835 : i32
    %ne3A_1837 = arith.cmpi ne, %sign3A_1829, %sign3A_1836 : i32
    %rem3A_1838 = arith.remsi %add3A_1796, %jit3A_1821 : i32
    %ne3A_1839 = arith.constant 0 : i32
    %ne3A_1840 = arith.cmpi ne, %rem3A_1838, %ne3A_1839 : i32
    %and3A_1841 = arith.andi %ne3A_1837, %ne3A_1840 : i1
    %sub3A_1842 = arith.constant 1 : i32
    %sub3A_1843 = arith.subi %div3A_1822, %sub3A_1842 : i32
    %select_n3A_1844 = arith.select %and3A_1841, %sub3A_1843, %div3A_1822 : i32
    %jit3A_1845 = arith.constant 3 : i32
    %eq3A_1846 = arith.constant 0 : i32
    %eq3A_1847 = arith.cmpi eq, %jit3A_1845, %eq3A_1846 : i32
    %jit3A_1848 = arith.constant 1 : i32
    %select_n3A_1849 = arith.select %eq3A_1847, %jit3A_1848, %jit3A_1845 : i32
    %rem3A_1850 = arith.remsi %select_n3A_1844, %select_n3A_1849 : i32
    %ne3A_1851 = arith.constant 0 : i32
    %ne3A_1852 = arith.cmpi ne, %rem3A_1850, %ne3A_1851 : i32
    %lt3A_1853 = arith.constant 0 : i32
    %lt3A_1854 = arith.cmpi slt, %rem3A_1850, %lt3A_1853 : i32
    %lt3A_1855 = arith.constant 0 : i32
    %lt3A_1856 = arith.cmpi slt, %select_n3A_1849, %lt3A_1855 : i32
    %ne3A_1857 = arith.xori %lt3A_1854, %lt3A_1856 : i1
    %and3A_1858 = arith.andi %ne3A_1857, %ne3A_1852 : i1
    %add3A_1859 = arith.addi %rem3A_1850, %select_n3A_1849 : i32
    %select_n3A_1860 = arith.select %and3A_1858, %add3A_1859, %rem3A_1850 : i32
    %jit3A_1861 = arith.constant 12 : i32
    %eq3A_1862 = arith.constant 0 : i32
    %eq3A_1863 = arith.cmpi eq, %jit3A_1861, %eq3A_1862 : i32
    %jit3A_1864 = arith.constant 1 : i32
    %select_n3A_1865 = arith.select %eq3A_1863, %jit3A_1864, %jit3A_1861 : i32
    %rem3A_1866 = arith.remsi %add3A_1796, %select_n3A_1865 : i32
    %ne3A_1867 = arith.constant 0 : i32
    %ne3A_1868 = arith.cmpi ne, %rem3A_1866, %ne3A_1867 : i32
    %lt3A_1869 = arith.constant 0 : i32
    %lt3A_1870 = arith.cmpi slt, %rem3A_1866, %lt3A_1869 : i32
    %lt3A_1871 = arith.constant 0 : i32
    %lt3A_1872 = arith.cmpi slt, %select_n3A_1865, %lt3A_1871 : i32
    %ne3A_1873 = arith.xori %lt3A_1870, %lt3A_1872 : i1
    %and3A_1874 = arith.andi %ne3A_1873, %ne3A_1868 : i1
    %add3A_1875 = arith.addi %rem3A_1866, %select_n3A_1865 : i32
    %select_n3A_1876 = arith.select %and3A_1874, %add3A_1875, %rem3A_1866 : i32
    %mul3A_1877 = arith.constant 512 : i32
    %mul3A_1878 = arith.muli %select_n3A_1876, %mul3A_1877 : i32
    %mul3A_1879 = arith.constant 512 : i32
    %mul3A_1880 = arith.muli %select_n3A_1876, %mul3A_1879 : i32
    %dma_wait3A_1881 = arith.constant 0 : i32
    %dma_wait3A_1882 = arith.constant 0 : i32
    %dma_wait3A_1883 = arith.constant 0 : i32
    %dma_wait3A_1884 = arith.constant 0 : i32
    %dma_wait3A_1885 = tpu.memref_slice %arg4[%dma_wait3A_1881, %dma_wait3A_1883, %dma_wait3A_1884] : memref<2x512x64xf32, #tpu.memory_space<vmem>> -> memref<1x512x64xf32, #tpu.memory_space<vmem>>
    %dma_wait3A_1886 = tpu.memref_squeeze %dma_wait3A_1885 : memref<1x512x64xf32, #tpu.memory_space<vmem>> -> memref<512x64xf32, #tpu.memory_space<vmem>>
    %dma_wait3A_1887 = arith.constant 0 : i32
    %dma_wait3A_1888 = tpu.memref_slice %arg3[%select_n3A_1820, %select_n3A_1860, %mul3A_1880, %dma_wait3A_1887] : memref<8x3x6144x64xf32, #tpu.memory_space<hbm>> -> memref<1x1x512x64xf32, #tpu.memory_space<hbm>>
    %dma_wait3A_1889 = tpu.memref_squeeze %dma_wait3A_1888 : memref<1x1x512x64xf32, #tpu.memory_space<hbm>> -> memref<512x64xf32, #tpu.memory_space<hbm>>
    %dma_wait3A_1890 = tpu.memref_slice %arg6[%dma_wait3A_1882] : memref<2x!tpu.dma_semaphore, #tpu.memory_space<semaphore_mem>> -> memref<1x!tpu.dma_semaphore, #tpu.memory_space<semaphore_mem>>
    %dma_wait3A_1891 = tpu.memref_squeeze %dma_wait3A_1890 : memref<1x!tpu.dma_semaphore, #tpu.memory_space<semaphore_mem>> -> memref<!tpu.dma_semaphore, #tpu.memory_space<semaphore_mem>>
    %dma_wait3A_1892 = arith.constant 0 : i32
    %dma_wait3A_1893 = tpu.memref_slice %arg3[%select_n3A_1820, %select_n3A_1860, %mul3A_1880, %dma_wait3A_1892] : memref<8x3x6144x64xf32, #tpu.memory_space<hbm>> -> memref<1x1x512x64xf32, #tpu.memory_space<hbm>>
    %dma_wait3A_1894 = tpu.memref_squeeze %dma_wait3A_1893 : memref<1x1x512x64xf32, #tpu.memory_space<hbm>> -> memref<512x64xf32, #tpu.memory_space<hbm>>
    %dma_wait3A_1895 = arith.constant 0 : i32
    %dma_wait3A_1896 = arith.constant 0 : i32
    %dma_wait3A_1897 = tpu.memref_slice %arg4[%dma_wait3A_1881, %dma_wait3A_1895, %dma_wait3A_1896] : memref<2x512x64xf32, #tpu.memory_space<vmem>> -> memref<1x512x64xf32, #tpu.memory_space<vmem>>
    %dma_wait3A_1898 = tpu.memref_squeeze %dma_wait3A_1897 : memref<1x512x64xf32, #tpu.memory_space<vmem>> -> memref<512x64xf32, #tpu.memory_space<vmem>>
    tpu.wait_dma2 semaphore(%dma_wait3A_1891 : memref<!tpu.dma_semaphore, #tpu.memory_space<semaphore_mem>>) src(%dma_wait3A_1898 : memref<512x64xf32, #tpu.memory_space<vmem>>) dst(%dma_wait3A_1894 : memref<512x64xf32, #tpu.memory_space<hbm>>)
    %mul3A_1899 = arith.constant 9 : i32
    %mul3A_1900 = arith.muli %add3A, %mul3A_1899 : i32
    %add3A_1901 = arith.constant 6 : i32
    %add3A_1902 = arith.addi %mul3A_1900, %add3A_1901 : i32
    %jit3A_1903 = arith.constant 36 : i32
    %div3A_1904 = arith.divsi %add3A_1902, %jit3A_1903 : i32
    %sign3A_1905 = arith.constant 0 : i32
    %sign3A_1906 = arith.cmpi sgt, %add3A_1902, %sign3A_1905 : i32
    %sign3A_1907 = arith.extui %sign3A_1906 : i1 to i32
    %sign3A_1908 = arith.constant 0 : i32
    %sign3A_1909 = arith.cmpi slt, %add3A_1902, %sign3A_1908 : i32
    %sign3A_1910 = arith.extui %sign3A_1909 : i1 to i32
    %sign3A_1911 = arith.subi %sign3A_1907, %sign3A_1910 : i32
    %sign3A_1912 = arith.constant 0 : i32
    %sign3A_1913 = arith.cmpi sgt, %jit3A_1903, %sign3A_1912 : i32
    %sign3A_1914 = arith.extui %sign3A_1913 : i1 to i32
    %sign3A_1915 = arith.constant 0 : i32
    %sign3A_1916 = arith.cmpi slt, %jit3A_1903, %sign3A_1915 : i32
    %sign3A_1917 = arith.extui %sign3A_1916 : i1 to i32
    %sign3A_1918 = arith.subi %sign3A_1914, %sign3A_1917 : i32
    %ne3A_1919 = arith.cmpi ne, %sign3A_1911, %sign3A_1918 : i32
    %rem3A_1920 = arith.remsi %add3A_1902, %jit3A_1903 : i32
    %ne3A_1921 = arith.constant 0 : i32
    %ne3A_1922 = arith.cmpi ne, %rem3A_1920, %ne3A_1921 : i32
    %and3A_1923 = arith.andi %ne3A_1919, %ne3A_1922 : i1
    %sub3A_1924 = arith.constant 1 : i32
    %sub3A_1925 = arith.subi %div3A_1904, %sub3A_1924 : i32
    %select_n3A_1926 = arith.select %and3A_1923, %sub3A_1925, %div3A_1904 : i32
    %jit3A_1927 = arith.constant 12 : i32
    %div3A_1928 = arith.divsi %add3A_1902, %jit3A_1927 : i32
    %sign3A_1929 = arith.constant 0 : i32
    %sign3A_1930 = arith.cmpi sgt, %add3A_1902, %sign3A_1929 : i32
    %sign3A_1931 = arith.extui %sign3A_1930 : i1 to i32
    %sign3A_1932 = arith.constant 0 : i32
    %sign3A_1933 = arith.cmpi slt, %add3A_1902, %sign3A_1932 : i32
    %sign3A_1934 = arith.extui %sign3A_1933 : i1 to i32
    %sign3A_1935 = arith.subi %sign3A_1931, %sign3A_1934 : i32
    %sign3A_1936 = arith.constant 0 : i32
    %sign3A_1937 = arith.cmpi sgt, %jit3A_1927, %sign3A_1936 : i32
    %sign3A_1938 = arith.extui %sign3A_1937 : i1 to i32
    %sign3A_1939 = arith.constant 0 : i32
    %sign3A_1940 = arith.cmpi slt, %jit3A_1927, %sign3A_1939 : i32
    %sign3A_1941 = arith.extui %sign3A_1940 : i1 to i32
    %sign3A_1942 = arith.subi %sign3A_1938, %sign3A_1941 : i32
    %ne3A_1943 = arith.cmpi ne, %sign3A_1935, %sign3A_1942 : i32
    %rem3A_1944 = arith.remsi %add3A_1902, %jit3A_1927 : i32
    %ne3A_1945 = arith.constant 0 : i32
    %ne3A_1946 = arith.cmpi ne, %rem3A_1944, %ne3A_1945 : i32
    %and3A_1947 = arith.andi %ne3A_1943, %ne3A_1946 : i1
    %sub3A_1948 = arith.constant 1 : i32
    %sub3A_1949 = arith.subi %div3A_1928, %sub3A_1948 : i32
    %select_n3A_1950 = arith.select %and3A_1947, %sub3A_1949, %div3A_1928 : i32
    %jit3A_1951 = arith.constant 3 : i32
    %eq3A_1952 = arith.constant 0 : i32
    %eq3A_1953 = arith.cmpi eq, %jit3A_1951, %eq3A_1952 : i32
    %jit3A_1954 = arith.constant 1 : i32
    %select_n3A_1955 = arith.select %eq3A_1953, %jit3A_1954, %jit3A_1951 : i32
    %rem3A_1956 = arith.remsi %select_n3A_1950, %select_n3A_1955 : i32
    %ne3A_1957 = arith.constant 0 : i32
    %ne3A_1958 = arith.cmpi ne, %rem3A_1956, %ne3A_1957 : i32
    %lt3A_1959 = arith.constant 0 : i32
    %lt3A_1960 = arith.cmpi slt, %rem3A_1956, %lt3A_1959 : i32
    %lt3A_1961 = arith.constant 0 : i32
    %lt3A_1962 = arith.cmpi slt, %select_n3A_1955, %lt3A_1961 : i32
    %ne3A_1963 = arith.xori %lt3A_1960, %lt3A_1962 : i1
    %and3A_1964 = arith.andi %ne3A_1963, %ne3A_1958 : i1
    %add3A_1965 = arith.addi %rem3A_1956, %select_n3A_1955 : i32
    %select_n3A_1966 = arith.select %and3A_1964, %add3A_1965, %rem3A_1956 : i32
    %jit3A_1967 = arith.constant 12 : i32
    %eq3A_1968 = arith.constant 0 : i32
    %eq3A_1969 = arith.cmpi eq, %jit3A_1967, %eq3A_1968 : i32
    %jit3A_1970 = arith.constant 1 : i32
    %select_n3A_1971 = arith.select %eq3A_1969, %jit3A_1970, %jit3A_1967 : i32
    %rem3A_1972 = arith.remsi %add3A_1902, %select_n3A_1971 : i32
    %ne3A_1973 = arith.constant 0 : i32
    %ne3A_1974 = arith.cmpi ne, %rem3A_1972, %ne3A_1973 : i32
    %lt3A_1975 = arith.constant 0 : i32
    %lt3A_1976 = arith.cmpi slt, %rem3A_1972, %lt3A_1975 : i32
    %lt3A_1977 = arith.constant 0 : i32
    %lt3A_1978 = arith.cmpi slt, %select_n3A_1971, %lt3A_1977 : i32
    %ne3A_1979 = arith.xori %lt3A_1976, %lt3A_1978 : i1
    %and3A_1980 = arith.andi %ne3A_1979, %ne3A_1974 : i1
    %add3A_1981 = arith.addi %rem3A_1972, %select_n3A_1971 : i32
    %select_n3A_1982 = arith.select %and3A_1980, %add3A_1981, %rem3A_1972 : i32
    %mul3A_1983 = arith.constant 512 : i32
    %mul3A_1984 = arith.muli %select_n3A_1982, %mul3A_1983 : i32
    %mul3A_1985 = arith.constant 512 : i32
    %mul3A_1986 = arith.muli %select_n3A_1982, %mul3A_1985 : i32
    %dma_start3A_1987 = arith.constant 0 : i32
    %dma_start3A_1988 = arith.constant 0 : i32
    %dma_start3A_1989 = arith.constant 0 : i32
    %dma_start3A_1990 = arith.constant 0 : i32
    %dma_start3A_1991 = tpu.memref_slice %arg4[%dma_start3A_1987, %dma_start3A_1989, %dma_start3A_1990] : memref<2x512x64xf32, #tpu.memory_space<vmem>> -> memref<1x512x64xf32, #tpu.memory_space<vmem>>
    %dma_start3A_1992 = tpu.memref_squeeze %dma_start3A_1991 : memref<1x512x64xf32, #tpu.memory_space<vmem>> -> memref<512x64xf32, #tpu.memory_space<vmem>>
    %dma_start3A_1993 = arith.constant 0 : i32
    %dma_start3A_1994 = tpu.memref_slice %arg2[%select_n3A_1966, %select_n3A_1926, %mul3A_1984, %dma_start3A_1993] : memref<3x8x6144x64xf32, #tpu.memory_space<hbm>> -> memref<1x1x512x64xf32, #tpu.memory_space<hbm>>
    %dma_start3A_1995 = tpu.memref_squeeze %dma_start3A_1994 : memref<1x1x512x64xf32, #tpu.memory_space<hbm>> -> memref<512x64xf32, #tpu.memory_space<hbm>>
    %dma_start3A_1996 = tpu.memref_slice %arg5[%dma_start3A_1988] : memref<2x!tpu.dma_semaphore, #tpu.memory_space<semaphore_mem>> -> memref<1x!tpu.dma_semaphore, #tpu.memory_space<semaphore_mem>>
    %dma_start3A_1997 = tpu.memref_squeeze %dma_start3A_1996 : memref<1x!tpu.dma_semaphore, #tpu.memory_space<semaphore_mem>> -> memref<!tpu.dma_semaphore, #tpu.memory_space<semaphore_mem>>
    %dma_start3A_1998 = arith.constant 0 : i32
    %dma_start3A_1999 = arith.constant 0 : i32
    %dma_start3A_2000 = tpu.memref_slice %arg4[%dma_start3A_1987, %dma_start3A_1998, %dma_start3A_1999] : memref<2x512x64xf32, #tpu.memory_space<vmem>> -> memref<1x512x64xf32, #tpu.memory_space<vmem>>
    %dma_start3A_2001 = tpu.memref_squeeze %dma_start3A_2000 : memref<1x512x64xf32, #tpu.memory_space<vmem>> -> memref<512x64xf32, #tpu.memory_space<vmem>>
    %dma_start3A_2002 = arith.constant 0 : i32
    %dma_start3A_2003 = tpu.memref_slice %arg2[%select_n3A_1966, %select_n3A_1926, %mul3A_1984, %dma_start3A_2002] : memref<3x8x6144x64xf32, #tpu.memory_space<hbm>> -> memref<1x1x512x64xf32, #tpu.memory_space<hbm>>
    %dma_start3A_2004 = tpu.memref_squeeze %dma_start3A_2003 : memref<1x1x512x64xf32, #tpu.memory_space<hbm>> -> memref<512x64xf32, #tpu.memory_space<hbm>>
    tpu.enqueue_dma source(%dma_start3A_2004 : memref<512x64xf32, #tpu.memory_space<hbm>>) target(%dma_start3A_2001 : memref<512x64xf32, #tpu.memory_space<vmem>>) target_semaphore(%dma_start3A_1997 : memref<!tpu.dma_semaphore, #tpu.memory_space<semaphore_mem>>)
    %mul3A_2005 = arith.constant 9 : i32
    %mul3A_2006 = arith.muli %add3A, %mul3A_2005 : i32
    %add3A_2007 = arith.constant 6 : i32
    %add3A_2008 = arith.addi %mul3A_2006, %add3A_2007 : i32
    %jit3A_2009 = arith.constant 36 : i32
    %div3A_2010 = arith.divsi %add3A_2008, %jit3A_2009 : i32
    %sign3A_2011 = arith.constant 0 : i32
    %sign3A_2012 = arith.cmpi sgt, %add3A_2008, %sign3A_2011 : i32
    %sign3A_2013 = arith.extui %sign3A_2012 : i1 to i32
    %sign3A_2014 = arith.constant 0 : i32
    %sign3A_2015 = arith.cmpi slt, %add3A_2008, %sign3A_2014 : i32
    %sign3A_2016 = arith.extui %sign3A_2015 : i1 to i32
    %sign3A_2017 = arith.subi %sign3A_2013, %sign3A_2016 : i32
    %sign3A_2018 = arith.constant 0 : i32
    %sign3A_2019 = arith.cmpi sgt, %jit3A_2009, %sign3A_2018 : i32
    %sign3A_2020 = arith.extui %sign3A_2019 : i1 to i32
    %sign3A_2021 = arith.constant 0 : i32
    %sign3A_2022 = arith.cmpi slt, %jit3A_2009, %sign3A_2021 : i32
    %sign3A_2023 = arith.extui %sign3A_2022 : i1 to i32
    %sign3A_2024 = arith.subi %sign3A_2020, %sign3A_2023 : i32
    %ne3A_2025 = arith.cmpi ne, %sign3A_2017, %sign3A_2024 : i32
    %rem3A_2026 = arith.remsi %add3A_2008, %jit3A_2009 : i32
    %ne3A_2027 = arith.constant 0 : i32
    %ne3A_2028 = arith.cmpi ne, %rem3A_2026, %ne3A_2027 : i32
    %and3A_2029 = arith.andi %ne3A_2025, %ne3A_2028 : i1
    %sub3A_2030 = arith.constant 1 : i32
    %sub3A_2031 = arith.subi %div3A_2010, %sub3A_2030 : i32
    %select_n3A_2032 = arith.select %and3A_2029, %sub3A_2031, %div3A_2010 : i32
    %jit3A_2033 = arith.constant 12 : i32
    %div3A_2034 = arith.divsi %add3A_2008, %jit3A_2033 : i32
    %sign3A_2035 = arith.constant 0 : i32
    %sign3A_2036 = arith.cmpi sgt, %add3A_2008, %sign3A_2035 : i32
    %sign3A_2037 = arith.extui %sign3A_2036 : i1 to i32
    %sign3A_2038 = arith.constant 0 : i32
    %sign3A_2039 = arith.cmpi slt, %add3A_2008, %sign3A_2038 : i32
    %sign3A_2040 = arith.extui %sign3A_2039 : i1 to i32
    %sign3A_2041 = arith.subi %sign3A_2037, %sign3A_2040 : i32
    %sign3A_2042 = arith.constant 0 : i32
    %sign3A_2043 = arith.cmpi sgt, %jit3A_2033, %sign3A_2042 : i32
    %sign3A_2044 = arith.extui %sign3A_2043 : i1 to i32
    %sign3A_2045 = arith.constant 0 : i32
    %sign3A_2046 = arith.cmpi slt, %jit3A_2033, %sign3A_2045 : i32
    %sign3A_2047 = arith.extui %sign3A_2046 : i1 to i32
    %sign3A_2048 = arith.subi %sign3A_2044, %sign3A_2047 : i32
    %ne3A_2049 = arith.cmpi ne, %sign3A_2041, %sign3A_2048 : i32
    %rem3A_2050 = arith.remsi %add3A_2008, %jit3A_2033 : i32
    %ne3A_2051 = arith.constant 0 : i32
    %ne3A_2052 = arith.cmpi ne, %rem3A_2050, %ne3A_2051 : i32
    %and3A_2053 = arith.andi %ne3A_2049, %ne3A_2052 : i1
    %sub3A_2054 = arith.constant 1 : i32
    %sub3A_2055 = arith.subi %div3A_2034, %sub3A_2054 : i32
    %select_n3A_2056 = arith.select %and3A_2053, %sub3A_2055, %div3A_2034 : i32
    %jit3A_2057 = arith.constant 3 : i32
    %eq3A_2058 = arith.constant 0 : i32
    %eq3A_2059 = arith.cmpi eq, %jit3A_2057, %eq3A_2058 : i32
    %jit3A_2060 = arith.constant 1 : i32
    %select_n3A_2061 = arith.select %eq3A_2059, %jit3A_2060, %jit3A_2057 : i32
    %rem3A_2062 = arith.remsi %select_n3A_2056, %select_n3A_2061 : i32
    %ne3A_2063 = arith.constant 0 : i32
    %ne3A_2064 = arith.cmpi ne, %rem3A_2062, %ne3A_2063 : i32
    %lt3A_2065 = arith.constant 0 : i32
    %lt3A_2066 = arith.cmpi slt, %rem3A_2062, %lt3A_2065 : i32
    %lt3A_2067 = arith.constant 0 : i32
    %lt3A_2068 = arith.cmpi slt, %select_n3A_2061, %lt3A_2067 : i32
    %ne3A_2069 = arith.xori %lt3A_2066, %lt3A_2068 : i1
    %and3A_2070 = arith.andi %ne3A_2069, %ne3A_2064 : i1
    %add3A_2071 = arith.addi %rem3A_2062, %select_n3A_2061 : i32
    %select_n3A_2072 = arith.select %and3A_2070, %add3A_2071, %rem3A_2062 : i32
    %jit3A_2073 = arith.constant 12 : i32
    %eq3A_2074 = arith.constant 0 : i32
    %eq3A_2075 = arith.cmpi eq, %jit3A_2073, %eq3A_2074 : i32
    %jit3A_2076 = arith.constant 1 : i32
    %select_n3A_2077 = arith.select %eq3A_2075, %jit3A_2076, %jit3A_2073 : i32
    %rem3A_2078 = arith.remsi %add3A_2008, %select_n3A_2077 : i32
    %ne3A_2079 = arith.constant 0 : i32
    %ne3A_2080 = arith.cmpi ne, %rem3A_2078, %ne3A_2079 : i32
    %lt3A_2081 = arith.constant 0 : i32
    %lt3A_2082 = arith.cmpi slt, %rem3A_2078, %lt3A_2081 : i32
    %lt3A_2083 = arith.constant 0 : i32
    %lt3A_2084 = arith.cmpi slt, %select_n3A_2077, %lt3A_2083 : i32
    %ne3A_2085 = arith.xori %lt3A_2082, %lt3A_2084 : i1
    %and3A_2086 = arith.andi %ne3A_2085, %ne3A_2080 : i1
    %add3A_2087 = arith.addi %rem3A_2078, %select_n3A_2077 : i32
    %select_n3A_2088 = arith.select %and3A_2086, %add3A_2087, %rem3A_2078 : i32
    %mul3A_2089 = arith.constant 512 : i32
    %mul3A_2090 = arith.muli %select_n3A_2088, %mul3A_2089 : i32
    %mul3A_2091 = arith.constant 512 : i32
    %mul3A_2092 = arith.muli %select_n3A_2088, %mul3A_2091 : i32
    %dma_wait3A_2093 = arith.constant 0 : i32
    %dma_wait3A_2094 = arith.constant 0 : i32
    %dma_wait3A_2095 = arith.constant 0 : i32
    %dma_wait3A_2096 = arith.constant 0 : i32
    %dma_wait3A_2097 = tpu.memref_slice %arg4[%dma_wait3A_2093, %dma_wait3A_2095, %dma_wait3A_2096] : memref<2x512x64xf32, #tpu.memory_space<vmem>> -> memref<1x512x64xf32, #tpu.memory_space<vmem>>
    %dma_wait3A_2098 = tpu.memref_squeeze %dma_wait3A_2097 : memref<1x512x64xf32, #tpu.memory_space<vmem>> -> memref<512x64xf32, #tpu.memory_space<vmem>>
    %dma_wait3A_2099 = arith.constant 0 : i32
    %dma_wait3A_2100 = tpu.memref_slice %arg2[%select_n3A_2072, %select_n3A_2032, %mul3A_2090, %dma_wait3A_2099] : memref<3x8x6144x64xf32, #tpu.memory_space<hbm>> -> memref<1x1x512x64xf32, #tpu.memory_space<hbm>>
    %dma_wait3A_2101 = tpu.memref_squeeze %dma_wait3A_2100 : memref<1x1x512x64xf32, #tpu.memory_space<hbm>> -> memref<512x64xf32, #tpu.memory_space<hbm>>
    %dma_wait3A_2102 = tpu.memref_slice %arg5[%dma_wait3A_2094] : memref<2x!tpu.dma_semaphore, #tpu.memory_space<semaphore_mem>> -> memref<1x!tpu.dma_semaphore, #tpu.memory_space<semaphore_mem>>
    %dma_wait3A_2103 = tpu.memref_squeeze %dma_wait3A_2102 : memref<1x!tpu.dma_semaphore, #tpu.memory_space<semaphore_mem>> -> memref<!tpu.dma_semaphore, #tpu.memory_space<semaphore_mem>>
    %dma_wait3A_2104 = arith.constant 0 : i32
    %dma_wait3A_2105 = arith.constant 0 : i32
    %dma_wait3A_2106 = tpu.memref_slice %arg4[%dma_wait3A_2093, %dma_wait3A_2104, %dma_wait3A_2105] : memref<2x512x64xf32, #tpu.memory_space<vmem>> -> memref<1x512x64xf32, #tpu.memory_space<vmem>>
    %dma_wait3A_2107 = tpu.memref_squeeze %dma_wait3A_2106 : memref<1x512x64xf32, #tpu.memory_space<vmem>> -> memref<512x64xf32, #tpu.memory_space<vmem>>
    %dma_wait3A_2108 = arith.constant 0 : i32
    %dma_wait3A_2109 = tpu.memref_slice %arg2[%select_n3A_2072, %select_n3A_2032, %mul3A_2090, %dma_wait3A_2108] : memref<3x8x6144x64xf32, #tpu.memory_space<hbm>> -> memref<1x1x512x64xf32, #tpu.memory_space<hbm>>
    %dma_wait3A_2110 = tpu.memref_squeeze %dma_wait3A_2109 : memref<1x1x512x64xf32, #tpu.memory_space<hbm>> -> memref<512x64xf32, #tpu.memory_space<hbm>>
    tpu.wait_dma2 semaphore(%dma_wait3A_2103 : memref<!tpu.dma_semaphore, #tpu.memory_space<semaphore_mem>>) src(%dma_wait3A_2110 : memref<512x64xf32, #tpu.memory_space<hbm>>) dst(%dma_wait3A_2107 : memref<512x64xf32, #tpu.memory_space<vmem>>)
    %dma_start3A_2111 = arith.constant 0 : i32
    %dma_start3A_2112 = arith.constant 0 : i32
    %dma_start3A_2113 = arith.constant 0 : i32
    %dma_start3A_2114 = arith.constant 0 : i32
    %dma_start3A_2115 = tpu.memref_slice %arg4[%dma_start3A_2111, %dma_start3A_2113, %dma_start3A_2114] : memref<2x512x64xf32, #tpu.memory_space<vmem>> -> memref<1x512x64xf32, #tpu.memory_space<vmem>>
    %dma_start3A_2116 = tpu.memref_squeeze %dma_start3A_2115 : memref<1x512x64xf32, #tpu.memory_space<vmem>> -> memref<512x64xf32, #tpu.memory_space<vmem>>
    %dma_start3A_2117 = arith.constant 0 : i32
    %dma_start3A_2118 = tpu.memref_slice %arg3[%select_n3A_2032, %select_n3A_2072, %mul3A_2092, %dma_start3A_2117] : memref<8x3x6144x64xf32, #tpu.memory_space<hbm>> -> memref<1x1x512x64xf32, #tpu.memory_space<hbm>>
    %dma_start3A_2119 = tpu.memref_squeeze %dma_start3A_2118 : memref<1x1x512x64xf32, #tpu.memory_space<hbm>> -> memref<512x64xf32, #tpu.memory_space<hbm>>
    %dma_start3A_2120 = tpu.memref_slice %arg6[%dma_start3A_2112] : memref<2x!tpu.dma_semaphore, #tpu.memory_space<semaphore_mem>> -> memref<1x!tpu.dma_semaphore, #tpu.memory_space<semaphore_mem>>
    %dma_start3A_2121 = tpu.memref_squeeze %dma_start3A_2120 : memref<1x!tpu.dma_semaphore, #tpu.memory_space<semaphore_mem>> -> memref<!tpu.dma_semaphore, #tpu.memory_space<semaphore_mem>>
    %dma_start3A_2122 = arith.constant 0 : i32
    %dma_start3A_2123 = tpu.memref_slice %arg3[%select_n3A_2032, %select_n3A_2072, %mul3A_2092, %dma_start3A_2122] : memref<8x3x6144x64xf32, #tpu.memory_space<hbm>> -> memref<1x1x512x64xf32, #tpu.memory_space<hbm>>
    %dma_start3A_2124 = tpu.memref_squeeze %dma_start3A_2123 : memref<1x1x512x64xf32, #tpu.memory_space<hbm>> -> memref<512x64xf32, #tpu.memory_space<hbm>>
    %dma_start3A_2125 = arith.constant 0 : i32
    %dma_start3A_2126 = arith.constant 0 : i32
    %dma_start3A_2127 = tpu.memref_slice %arg4[%dma_start3A_2111, %dma_start3A_2125, %dma_start3A_2126] : memref<2x512x64xf32, #tpu.memory_space<vmem>> -> memref<1x512x64xf32, #tpu.memory_space<vmem>>
    %dma_start3A_2128 = tpu.memref_squeeze %dma_start3A_2127 : memref<1x512x64xf32, #tpu.memory_space<vmem>> -> memref<512x64xf32, #tpu.memory_space<vmem>>
    tpu.enqueue_dma source(%dma_start3A_2128 : memref<512x64xf32, #tpu.memory_space<vmem>>) target(%dma_start3A_2124 : memref<512x64xf32, #tpu.memory_space<hbm>>) target_semaphore(%dma_start3A_2121 : memref<!tpu.dma_semaphore, #tpu.memory_space<semaphore_mem>>)
    %mul3A_2129 = arith.constant 9 : i32
    %mul3A_2130 = arith.muli %add3A, %mul3A_2129 : i32
    %add3A_2131 = arith.constant 5 : i32
    %add3A_2132 = arith.addi %mul3A_2130, %add3A_2131 : i32
    %jit3A_2133 = arith.constant 36 : i32
    %div3A_2134 = arith.divsi %add3A_2132, %jit3A_2133 : i32
    %sign3A_2135 = arith.constant 0 : i32
    %sign3A_2136 = arith.cmpi sgt, %add3A_2132, %sign3A_2135 : i32
    %sign3A_2137 = arith.extui %sign3A_2136 : i1 to i32
    %sign3A_2138 = arith.constant 0 : i32
    %sign3A_2139 = arith.cmpi slt, %add3A_2132, %sign3A_2138 : i32
    %sign3A_2140 = arith.extui %sign3A_2139 : i1 to i32
    %sign3A_2141 = arith.subi %sign3A_2137, %sign3A_2140 : i32
    %sign3A_2142 = arith.constant 0 : i32
    %sign3A_2143 = arith.cmpi sgt, %jit3A_2133, %sign3A_2142 : i32
    %sign3A_2144 = arith.extui %sign3A_2143 : i1 to i32
    %sign3A_2145 = arith.constant 0 : i32
    %sign3A_2146 = arith.cmpi slt, %jit3A_2133, %sign3A_2145 : i32
    %sign3A_2147 = arith.extui %sign3A_2146 : i1 to i32
    %sign3A_2148 = arith.subi %sign3A_2144, %sign3A_2147 : i32
    %ne3A_2149 = arith.cmpi ne, %sign3A_2141, %sign3A_2148 : i32
    %rem3A_2150 = arith.remsi %add3A_2132, %jit3A_2133 : i32
    %ne3A_2151 = arith.constant 0 : i32
    %ne3A_2152 = arith.cmpi ne, %rem3A_2150, %ne3A_2151 : i32
    %and3A_2153 = arith.andi %ne3A_2149, %ne3A_2152 : i1
    %sub3A_2154 = arith.constant 1 : i32
    %sub3A_2155 = arith.subi %div3A_2134, %sub3A_2154 : i32
    %select_n3A_2156 = arith.select %and3A_2153, %sub3A_2155, %div3A_2134 : i32
    %jit3A_2157 = arith.constant 12 : i32
    %div3A_2158 = arith.divsi %add3A_2132, %jit3A_2157 : i32
    %sign3A_2159 = arith.constant 0 : i32
    %sign3A_2160 = arith.cmpi sgt, %add3A_2132, %sign3A_2159 : i32
    %sign3A_2161 = arith.extui %sign3A_2160 : i1 to i32
    %sign3A_2162 = arith.constant 0 : i32
    %sign3A_2163 = arith.cmpi slt, %add3A_2132, %sign3A_2162 : i32
    %sign3A_2164 = arith.extui %sign3A_2163 : i1 to i32
    %sign3A_2165 = arith.subi %sign3A_2161, %sign3A_2164 : i32
    %sign3A_2166 = arith.constant 0 : i32
    %sign3A_2167 = arith.cmpi sgt, %jit3A_2157, %sign3A_2166 : i32
    %sign3A_2168 = arith.extui %sign3A_2167 : i1 to i32
    %sign3A_2169 = arith.constant 0 : i32
    %sign3A_2170 = arith.cmpi slt, %jit3A_2157, %sign3A_2169 : i32
    %sign3A_2171 = arith.extui %sign3A_2170 : i1 to i32
    %sign3A_2172 = arith.subi %sign3A_2168, %sign3A_2171 : i32
    %ne3A_2173 = arith.cmpi ne, %sign3A_2165, %sign3A_2172 : i32
    %rem3A_2174 = arith.remsi %add3A_2132, %jit3A_2157 : i32
    %ne3A_2175 = arith.constant 0 : i32
    %ne3A_2176 = arith.cmpi ne, %rem3A_2174, %ne3A_2175 : i32
    %and3A_2177 = arith.andi %ne3A_2173, %ne3A_2176 : i1
    %sub3A_2178 = arith.constant 1 : i32
    %sub3A_2179 = arith.subi %div3A_2158, %sub3A_2178 : i32
    %select_n3A_2180 = arith.select %and3A_2177, %sub3A_2179, %div3A_2158 : i32
    %jit3A_2181 = arith.constant 3 : i32
    %eq3A_2182 = arith.constant 0 : i32
    %eq3A_2183 = arith.cmpi eq, %jit3A_2181, %eq3A_2182 : i32
    %jit3A_2184 = arith.constant 1 : i32
    %select_n3A_2185 = arith.select %eq3A_2183, %jit3A_2184, %jit3A_2181 : i32
    %rem3A_2186 = arith.remsi %select_n3A_2180, %select_n3A_2185 : i32
    %ne3A_2187 = arith.constant 0 : i32
    %ne3A_2188 = arith.cmpi ne, %rem3A_2186, %ne3A_2187 : i32
    %lt3A_2189 = arith.constant 0 : i32
    %lt3A_2190 = arith.cmpi slt, %rem3A_2186, %lt3A_2189 : i32
    %lt3A_2191 = arith.constant 0 : i32
    %lt3A_2192 = arith.cmpi slt, %select_n3A_2185, %lt3A_2191 : i32
    %ne3A_2193 = arith.xori %lt3A_2190, %lt3A_2192 : i1
    %and3A_2194 = arith.andi %ne3A_2193, %ne3A_2188 : i1
    %add3A_2195 = arith.addi %rem3A_2186, %select_n3A_2185 : i32
    %select_n3A_2196 = arith.select %and3A_2194, %add3A_2195, %rem3A_2186 : i32
    %jit3A_2197 = arith.constant 12 : i32
    %eq3A_2198 = arith.constant 0 : i32
    %eq3A_2199 = arith.cmpi eq, %jit3A_2197, %eq3A_2198 : i32
    %jit3A_2200 = arith.constant 1 : i32
    %select_n3A_2201 = arith.select %eq3A_2199, %jit3A_2200, %jit3A_2197 : i32
    %rem3A_2202 = arith.remsi %add3A_2132, %select_n3A_2201 : i32
    %ne3A_2203 = arith.constant 0 : i32
    %ne3A_2204 = arith.cmpi ne, %rem3A_2202, %ne3A_2203 : i32
    %lt3A_2205 = arith.constant 0 : i32
    %lt3A_2206 = arith.cmpi slt, %rem3A_2202, %lt3A_2205 : i32
    %lt3A_2207 = arith.constant 0 : i32
    %lt3A_2208 = arith.cmpi slt, %select_n3A_2201, %lt3A_2207 : i32
    %ne3A_2209 = arith.xori %lt3A_2206, %lt3A_2208 : i1
    %and3A_2210 = arith.andi %ne3A_2209, %ne3A_2204 : i1
    %add3A_2211 = arith.addi %rem3A_2202, %select_n3A_2201 : i32
    %select_n3A_2212 = arith.select %and3A_2210, %add3A_2211, %rem3A_2202 : i32
    %mul3A_2213 = arith.constant 512 : i32
    %mul3A_2214 = arith.muli %select_n3A_2212, %mul3A_2213 : i32
    %mul3A_2215 = arith.constant 512 : i32
    %mul3A_2216 = arith.muli %select_n3A_2212, %mul3A_2215 : i32
    %dma_wait3A_2217 = arith.constant 1 : i32
    %dma_wait3A_2218 = arith.constant 1 : i32
    %dma_wait3A_2219 = arith.constant 0 : i32
    %dma_wait3A_2220 = arith.constant 0 : i32
    %dma_wait3A_2221 = tpu.memref_slice %arg4[%dma_wait3A_2217, %dma_wait3A_2219, %dma_wait3A_2220] : memref<2x512x64xf32, #tpu.memory_space<vmem>> -> memref<1x512x64xf32, #tpu.memory_space<vmem>>
    %dma_wait3A_2222 = tpu.memref_squeeze %dma_wait3A_2221 : memref<1x512x64xf32, #tpu.memory_space<vmem>> -> memref<512x64xf32, #tpu.memory_space<vmem>>
    %dma_wait3A_2223 = arith.constant 0 : i32
    %dma_wait3A_2224 = tpu.memref_slice %arg3[%select_n3A_2156, %select_n3A_2196, %mul3A_2216, %dma_wait3A_2223] : memref<8x3x6144x64xf32, #tpu.memory_space<hbm>> -> memref<1x1x512x64xf32, #tpu.memory_space<hbm>>
    %dma_wait3A_2225 = tpu.memref_squeeze %dma_wait3A_2224 : memref<1x1x512x64xf32, #tpu.memory_space<hbm>> -> memref<512x64xf32, #tpu.memory_space<hbm>>
    %dma_wait3A_2226 = tpu.memref_slice %arg6[%dma_wait3A_2218] : memref<2x!tpu.dma_semaphore, #tpu.memory_space<semaphore_mem>> -> memref<1x!tpu.dma_semaphore, #tpu.memory_space<semaphore_mem>>
    %dma_wait3A_2227 = tpu.memref_squeeze %dma_wait3A_2226 : memref<1x!tpu.dma_semaphore, #tpu.memory_space<semaphore_mem>> -> memref<!tpu.dma_semaphore, #tpu.memory_space<semaphore_mem>>
    %dma_wait3A_2228 = arith.constant 0 : i32
    %dma_wait3A_2229 = tpu.memref_slice %arg3[%select_n3A_2156, %select_n3A_2196, %mul3A_2216, %dma_wait3A_2228] : memref<8x3x6144x64xf32, #tpu.memory_space<hbm>> -> memref<1x1x512x64xf32, #tpu.memory_space<hbm>>
    %dma_wait3A_2230 = tpu.memref_squeeze %dma_wait3A_2229 : memref<1x1x512x64xf32, #tpu.memory_space<hbm>> -> memref<512x64xf32, #tpu.memory_space<hbm>>
    %dma_wait3A_2231 = arith.constant 0 : i32
    %dma_wait3A_2232 = arith.constant 0 : i32
    %dma_wait3A_2233 = tpu.memref_slice %arg4[%dma_wait3A_2217, %dma_wait3A_2231, %dma_wait3A_2232] : memref<2x512x64xf32, #tpu.memory_space<vmem>> -> memref<1x512x64xf32, #tpu.memory_space<vmem>>
    %dma_wait3A_2234 = tpu.memref_squeeze %dma_wait3A_2233 : memref<1x512x64xf32, #tpu.memory_space<vmem>> -> memref<512x64xf32, #tpu.memory_space<vmem>>
    tpu.wait_dma2 semaphore(%dma_wait3A_2227 : memref<!tpu.dma_semaphore, #tpu.memory_space<semaphore_mem>>) src(%dma_wait3A_2234 : memref<512x64xf32, #tpu.memory_space<vmem>>) dst(%dma_wait3A_2230 : memref<512x64xf32, #tpu.memory_space<hbm>>)
    %mul3A_2235 = arith.constant 9 : i32
    %mul3A_2236 = arith.muli %add3A, %mul3A_2235 : i32
    %add3A_2237 = arith.constant 7 : i32
    %add3A_2238 = arith.addi %mul3A_2236, %add3A_2237 : i32
    %jit3A_2239 = arith.constant 36 : i32
    %div3A_2240 = arith.divsi %add3A_2238, %jit3A_2239 : i32
    %sign3A_2241 = arith.constant 0 : i32
    %sign3A_2242 = arith.cmpi sgt, %add3A_2238, %sign3A_2241 : i32
    %sign3A_2243 = arith.extui %sign3A_2242 : i1 to i32
    %sign3A_2244 = arith.constant 0 : i32
    %sign3A_2245 = arith.cmpi slt, %add3A_2238, %sign3A_2244 : i32
    %sign3A_2246 = arith.extui %sign3A_2245 : i1 to i32
    %sign3A_2247 = arith.subi %sign3A_2243, %sign3A_2246 : i32
    %sign3A_2248 = arith.constant 0 : i32
    %sign3A_2249 = arith.cmpi sgt, %jit3A_2239, %sign3A_2248 : i32
    %sign3A_2250 = arith.extui %sign3A_2249 : i1 to i32
    %sign3A_2251 = arith.constant 0 : i32
    %sign3A_2252 = arith.cmpi slt, %jit3A_2239, %sign3A_2251 : i32
    %sign3A_2253 = arith.extui %sign3A_2252 : i1 to i32
    %sign3A_2254 = arith.subi %sign3A_2250, %sign3A_2253 : i32
    %ne3A_2255 = arith.cmpi ne, %sign3A_2247, %sign3A_2254 : i32
    %rem3A_2256 = arith.remsi %add3A_2238, %jit3A_2239 : i32
    %ne3A_2257 = arith.constant 0 : i32
    %ne3A_2258 = arith.cmpi ne, %rem3A_2256, %ne3A_2257 : i32
    %and3A_2259 = arith.andi %ne3A_2255, %ne3A_2258 : i1
    %sub3A_2260 = arith.constant 1 : i32
    %sub3A_2261 = arith.subi %div3A_2240, %sub3A_2260 : i32
    %select_n3A_2262 = arith.select %and3A_2259, %sub3A_2261, %div3A_2240 : i32
    %jit3A_2263 = arith.constant 12 : i32
    %div3A_2264 = arith.divsi %add3A_2238, %jit3A_2263 : i32
    %sign3A_2265 = arith.constant 0 : i32
    %sign3A_2266 = arith.cmpi sgt, %add3A_2238, %sign3A_2265 : i32
    %sign3A_2267 = arith.extui %sign3A_2266 : i1 to i32
    %sign3A_2268 = arith.constant 0 : i32
    %sign3A_2269 = arith.cmpi slt, %add3A_2238, %sign3A_2268 : i32
    %sign3A_2270 = arith.extui %sign3A_2269 : i1 to i32
    %sign3A_2271 = arith.subi %sign3A_2267, %sign3A_2270 : i32
    %sign3A_2272 = arith.constant 0 : i32
    %sign3A_2273 = arith.cmpi sgt, %jit3A_2263, %sign3A_2272 : i32
    %sign3A_2274 = arith.extui %sign3A_2273 : i1 to i32
    %sign3A_2275 = arith.constant 0 : i32
    %sign3A_2276 = arith.cmpi slt, %jit3A_2263, %sign3A_2275 : i32
    %sign3A_2277 = arith.extui %sign3A_2276 : i1 to i32
    %sign3A_2278 = arith.subi %sign3A_2274, %sign3A_2277 : i32
    %ne3A_2279 = arith.cmpi ne, %sign3A_2271, %sign3A_2278 : i32
    %rem3A_2280 = arith.remsi %add3A_2238, %jit3A_2263 : i32
    %ne3A_2281 = arith.constant 0 : i32
    %ne3A_2282 = arith.cmpi ne, %rem3A_2280, %ne3A_2281 : i32
    %and3A_2283 = arith.andi %ne3A_2279, %ne3A_2282 : i1
    %sub3A_2284 = arith.constant 1 : i32
    %sub3A_2285 = arith.subi %div3A_2264, %sub3A_2284 : i32
    %select_n3A_2286 = arith.select %and3A_2283, %sub3A_2285, %div3A_2264 : i32
    %jit3A_2287 = arith.constant 3 : i32
    %eq3A_2288 = arith.constant 0 : i32
    %eq3A_2289 = arith.cmpi eq, %jit3A_2287, %eq3A_2288 : i32
    %jit3A_2290 = arith.constant 1 : i32
    %select_n3A_2291 = arith.select %eq3A_2289, %jit3A_2290, %jit3A_2287 : i32
    %rem3A_2292 = arith.remsi %select_n3A_2286, %select_n3A_2291 : i32
    %ne3A_2293 = arith.constant 0 : i32
    %ne3A_2294 = arith.cmpi ne, %rem3A_2292, %ne3A_2293 : i32
    %lt3A_2295 = arith.constant 0 : i32
    %lt3A_2296 = arith.cmpi slt, %rem3A_2292, %lt3A_2295 : i32
    %lt3A_2297 = arith.constant 0 : i32
    %lt3A_2298 = arith.cmpi slt, %select_n3A_2291, %lt3A_2297 : i32
    %ne3A_2299 = arith.xori %lt3A_2296, %lt3A_2298 : i1
    %and3A_2300 = arith.andi %ne3A_2299, %ne3A_2294 : i1
    %add3A_2301 = arith.addi %rem3A_2292, %select_n3A_2291 : i32
    %select_n3A_2302 = arith.select %and3A_2300, %add3A_2301, %rem3A_2292 : i32
    %jit3A_2303 = arith.constant 12 : i32
    %eq3A_2304 = arith.constant 0 : i32
    %eq3A_2305 = arith.cmpi eq, %jit3A_2303, %eq3A_2304 : i32
    %jit3A_2306 = arith.constant 1 : i32
    %select_n3A_2307 = arith.select %eq3A_2305, %jit3A_2306, %jit3A_2303 : i32
    %rem3A_2308 = arith.remsi %add3A_2238, %select_n3A_2307 : i32
    %ne3A_2309 = arith.constant 0 : i32
    %ne3A_2310 = arith.cmpi ne, %rem3A_2308, %ne3A_2309 : i32
    %lt3A_2311 = arith.constant 0 : i32
    %lt3A_2312 = arith.cmpi slt, %rem3A_2308, %lt3A_2311 : i32
    %lt3A_2313 = arith.constant 0 : i32
    %lt3A_2314 = arith.cmpi slt, %select_n3A_2307, %lt3A_2313 : i32
    %ne3A_2315 = arith.xori %lt3A_2312, %lt3A_2314 : i1
    %and3A_2316 = arith.andi %ne3A_2315, %ne3A_2310 : i1
    %add3A_2317 = arith.addi %rem3A_2308, %select_n3A_2307 : i32
    %select_n3A_2318 = arith.select %and3A_2316, %add3A_2317, %rem3A_2308 : i32
    %mul3A_2319 = arith.constant 512 : i32
    %mul3A_2320 = arith.muli %select_n3A_2318, %mul3A_2319 : i32
    %mul3A_2321 = arith.constant 512 : i32
    %mul3A_2322 = arith.muli %select_n3A_2318, %mul3A_2321 : i32
    %dma_start3A_2323 = arith.constant 1 : i32
    %dma_start3A_2324 = arith.constant 1 : i32
    %dma_start3A_2325 = arith.constant 0 : i32
    %dma_start3A_2326 = arith.constant 0 : i32
    %dma_start3A_2327 = tpu.memref_slice %arg4[%dma_start3A_2323, %dma_start3A_2325, %dma_start3A_2326] : memref<2x512x64xf32, #tpu.memory_space<vmem>> -> memref<1x512x64xf32, #tpu.memory_space<vmem>>
    %dma_start3A_2328 = tpu.memref_squeeze %dma_start3A_2327 : memref<1x512x64xf32, #tpu.memory_space<vmem>> -> memref<512x64xf32, #tpu.memory_space<vmem>>
    %dma_start3A_2329 = arith.constant 0 : i32
    %dma_start3A_2330 = tpu.memref_slice %arg2[%select_n3A_2302, %select_n3A_2262, %mul3A_2320, %dma_start3A_2329] : memref<3x8x6144x64xf32, #tpu.memory_space<hbm>> -> memref<1x1x512x64xf32, #tpu.memory_space<hbm>>
    %dma_start3A_2331 = tpu.memref_squeeze %dma_start3A_2330 : memref<1x1x512x64xf32, #tpu.memory_space<hbm>> -> memref<512x64xf32, #tpu.memory_space<hbm>>
    %dma_start3A_2332 = tpu.memref_slice %arg5[%dma_start3A_2324] : memref<2x!tpu.dma_semaphore, #tpu.memory_space<semaphore_mem>> -> memref<1x!tpu.dma_semaphore, #tpu.memory_space<semaphore_mem>>
    %dma_start3A_2333 = tpu.memref_squeeze %dma_start3A_2332 : memref<1x!tpu.dma_semaphore, #tpu.memory_space<semaphore_mem>> -> memref<!tpu.dma_semaphore, #tpu.memory_space<semaphore_mem>>
    %dma_start3A_2334 = arith.constant 0 : i32
    %dma_start3A_2335 = arith.constant 0 : i32
    %dma_start3A_2336 = tpu.memref_slice %arg4[%dma_start3A_2323, %dma_start3A_2334, %dma_start3A_2335] : memref<2x512x64xf32, #tpu.memory_space<vmem>> -> memref<1x512x64xf32, #tpu.memory_space<vmem>>
    %dma_start3A_2337 = tpu.memref_squeeze %dma_start3A_2336 : memref<1x512x64xf32, #tpu.memory_space<vmem>> -> memref<512x64xf32, #tpu.memory_space<vmem>>
    %dma_start3A_2338 = arith.constant 0 : i32
    %dma_start3A_2339 = tpu.memref_slice %arg2[%select_n3A_2302, %select_n3A_2262, %mul3A_2320, %dma_start3A_2338] : memref<3x8x6144x64xf32, #tpu.memory_space<hbm>> -> memref<1x1x512x64xf32, #tpu.memory_space<hbm>>
    %dma_start3A_2340 = tpu.memref_squeeze %dma_start3A_2339 : memref<1x1x512x64xf32, #tpu.memory_space<hbm>> -> memref<512x64xf32, #tpu.memory_space<hbm>>
    tpu.enqueue_dma source(%dma_start3A_2340 : memref<512x64xf32, #tpu.memory_space<hbm>>) target(%dma_start3A_2337 : memref<512x64xf32, #tpu.memory_space<vmem>>) target_semaphore(%dma_start3A_2333 : memref<!tpu.dma_semaphore, #tpu.memory_space<semaphore_mem>>)
    %mul3A_2341 = arith.constant 9 : i32
    %mul3A_2342 = arith.muli %add3A, %mul3A_2341 : i32
    %add3A_2343 = arith.constant 7 : i32
    %add3A_2344 = arith.addi %mul3A_2342, %add3A_2343 : i32
    %jit3A_2345 = arith.constant 36 : i32
    %div3A_2346 = arith.divsi %add3A_2344, %jit3A_2345 : i32
    %sign3A_2347 = arith.constant 0 : i32
    %sign3A_2348 = arith.cmpi sgt, %add3A_2344, %sign3A_2347 : i32
    %sign3A_2349 = arith.extui %sign3A_2348 : i1 to i32
    %sign3A_2350 = arith.constant 0 : i32
    %sign3A_2351 = arith.cmpi slt, %add3A_2344, %sign3A_2350 : i32
    %sign3A_2352 = arith.extui %sign3A_2351 : i1 to i32
    %sign3A_2353 = arith.subi %sign3A_2349, %sign3A_2352 : i32
    %sign3A_2354 = arith.constant 0 : i32
    %sign3A_2355 = arith.cmpi sgt, %jit3A_2345, %sign3A_2354 : i32
    %sign3A_2356 = arith.extui %sign3A_2355 : i1 to i32
    %sign3A_2357 = arith.constant 0 : i32
    %sign3A_2358 = arith.cmpi slt, %jit3A_2345, %sign3A_2357 : i32
    %sign3A_2359 = arith.extui %sign3A_2358 : i1 to i32
    %sign3A_2360 = arith.subi %sign3A_2356, %sign3A_2359 : i32
    %ne3A_2361 = arith.cmpi ne, %sign3A_2353, %sign3A_2360 : i32
    %rem3A_2362 = arith.remsi %add3A_2344, %jit3A_2345 : i32
    %ne3A_2363 = arith.constant 0 : i32
    %ne3A_2364 = arith.cmpi ne, %rem3A_2362, %ne3A_2363 : i32
    %and3A_2365 = arith.andi %ne3A_2361, %ne3A_2364 : i1
    %sub3A_2366 = arith.constant 1 : i32
    %sub3A_2367 = arith.subi %div3A_2346, %sub3A_2366 : i32
    %select_n3A_2368 = arith.select %and3A_2365, %sub3A_2367, %div3A_2346 : i32
    %jit3A_2369 = arith.constant 12 : i32
    %div3A_2370 = arith.divsi %add3A_2344, %jit3A_2369 : i32
    %sign3A_2371 = arith.constant 0 : i32
    %sign3A_2372 = arith.cmpi sgt, %add3A_2344, %sign3A_2371 : i32
    %sign3A_2373 = arith.extui %sign3A_2372 : i1 to i32
    %sign3A_2374 = arith.constant 0 : i32
    %sign3A_2375 = arith.cmpi slt, %add3A_2344, %sign3A_2374 : i32
    %sign3A_2376 = arith.extui %sign3A_2375 : i1 to i32
    %sign3A_2377 = arith.subi %sign3A_2373, %sign3A_2376 : i32
    %sign3A_2378 = arith.constant 0 : i32
    %sign3A_2379 = arith.cmpi sgt, %jit3A_2369, %sign3A_2378 : i32
    %sign3A_2380 = arith.extui %sign3A_2379 : i1 to i32
    %sign3A_2381 = arith.constant 0 : i32
    %sign3A_2382 = arith.cmpi slt, %jit3A_2369, %sign3A_2381 : i32
    %sign3A_2383 = arith.extui %sign3A_2382 : i1 to i32
    %sign3A_2384 = arith.subi %sign3A_2380, %sign3A_2383 : i32
    %ne3A_2385 = arith.cmpi ne, %sign3A_2377, %sign3A_2384 : i32
    %rem3A_2386 = arith.remsi %add3A_2344, %jit3A_2369 : i32
    %ne3A_2387 = arith.constant 0 : i32
    %ne3A_2388 = arith.cmpi ne, %rem3A_2386, %ne3A_2387 : i32
    %and3A_2389 = arith.andi %ne3A_2385, %ne3A_2388 : i1
    %sub3A_2390 = arith.constant 1 : i32
    %sub3A_2391 = arith.subi %div3A_2370, %sub3A_2390 : i32
    %select_n3A_2392 = arith.select %and3A_2389, %sub3A_2391, %div3A_2370 : i32
    %jit3A_2393 = arith.constant 3 : i32
    %eq3A_2394 = arith.constant 0 : i32
    %eq3A_2395 = arith.cmpi eq, %jit3A_2393, %eq3A_2394 : i32
    %jit3A_2396 = arith.constant 1 : i32
    %select_n3A_2397 = arith.select %eq3A_2395, %jit3A_2396, %jit3A_2393 : i32
    %rem3A_2398 = arith.remsi %select_n3A_2392, %select_n3A_2397 : i32
    %ne3A_2399 = arith.constant 0 : i32
    %ne3A_2400 = arith.cmpi ne, %rem3A_2398, %ne3A_2399 : i32
    %lt3A_2401 = arith.constant 0 : i32
    %lt3A_2402 = arith.cmpi slt, %rem3A_2398, %lt3A_2401 : i32
    %lt3A_2403 = arith.constant 0 : i32
    %lt3A_2404 = arith.cmpi slt, %select_n3A_2397, %lt3A_2403 : i32
    %ne3A_2405 = arith.xori %lt3A_2402, %lt3A_2404 : i1
    %and3A_2406 = arith.andi %ne3A_2405, %ne3A_2400 : i1
    %add3A_2407 = arith.addi %rem3A_2398, %select_n3A_2397 : i32
    %select_n3A_2408 = arith.select %and3A_2406, %add3A_2407, %rem3A_2398 : i32
    %jit3A_2409 = arith.constant 12 : i32
    %eq3A_2410 = arith.constant 0 : i32
    %eq3A_2411 = arith.cmpi eq, %jit3A_2409, %eq3A_2410 : i32
    %jit3A_2412 = arith.constant 1 : i32
    %select_n3A_2413 = arith.select %eq3A_2411, %jit3A_2412, %jit3A_2409 : i32
    %rem3A_2414 = arith.remsi %add3A_2344, %select_n3A_2413 : i32
    %ne3A_2415 = arith.constant 0 : i32
    %ne3A_2416 = arith.cmpi ne, %rem3A_2414, %ne3A_2415 : i32
    %lt3A_2417 = arith.constant 0 : i32
    %lt3A_2418 = arith.cmpi slt, %rem3A_2414, %lt3A_2417 : i32
    %lt3A_2419 = arith.constant 0 : i32
    %lt3A_2420 = arith.cmpi slt, %select_n3A_2413, %lt3A_2419 : i32
    %ne3A_2421 = arith.xori %lt3A_2418, %lt3A_2420 : i1
    %and3A_2422 = arith.andi %ne3A_2421, %ne3A_2416 : i1
    %add3A_2423 = arith.addi %rem3A_2414, %select_n3A_2413 : i32
    %select_n3A_2424 = arith.select %and3A_2422, %add3A_2423, %rem3A_2414 : i32
    %mul3A_2425 = arith.constant 512 : i32
    %mul3A_2426 = arith.muli %select_n3A_2424, %mul3A_2425 : i32
    %mul3A_2427 = arith.constant 512 : i32
    %mul3A_2428 = arith.muli %select_n3A_2424, %mul3A_2427 : i32
    %dma_wait3A_2429 = arith.constant 1 : i32
    %dma_wait3A_2430 = arith.constant 1 : i32
    %dma_wait3A_2431 = arith.constant 0 : i32
    %dma_wait3A_2432 = arith.constant 0 : i32
    %dma_wait3A_2433 = tpu.memref_slice %arg4[%dma_wait3A_2429, %dma_wait3A_2431, %dma_wait3A_2432] : memref<2x512x64xf32, #tpu.memory_space<vmem>> -> memref<1x512x64xf32, #tpu.memory_space<vmem>>
    %dma_wait3A_2434 = tpu.memref_squeeze %dma_wait3A_2433 : memref<1x512x64xf32, #tpu.memory_space<vmem>> -> memref<512x64xf32, #tpu.memory_space<vmem>>
    %dma_wait3A_2435 = arith.constant 0 : i32
    %dma_wait3A_2436 = tpu.memref_slice %arg2[%select_n3A_2408, %select_n3A_2368, %mul3A_2426, %dma_wait3A_2435] : memref<3x8x6144x64xf32, #tpu.memory_space<hbm>> -> memref<1x1x512x64xf32, #tpu.memory_space<hbm>>
    %dma_wait3A_2437 = tpu.memref_squeeze %dma_wait3A_2436 : memref<1x1x512x64xf32, #tpu.memory_space<hbm>> -> memref<512x64xf32, #tpu.memory_space<hbm>>
    %dma_wait3A_2438 = tpu.memref_slice %arg5[%dma_wait3A_2430] : memref<2x!tpu.dma_semaphore, #tpu.memory_space<semaphore_mem>> -> memref<1x!tpu.dma_semaphore, #tpu.memory_space<semaphore_mem>>
    %dma_wait3A_2439 = tpu.memref_squeeze %dma_wait3A_2438 : memref<1x!tpu.dma_semaphore, #tpu.memory_space<semaphore_mem>> -> memref<!tpu.dma_semaphore, #tpu.memory_space<semaphore_mem>>
    %dma_wait3A_2440 = arith.constant 0 : i32
    %dma_wait3A_2441 = arith.constant 0 : i32
    %dma_wait3A_2442 = tpu.memref_slice %arg4[%dma_wait3A_2429, %dma_wait3A_2440, %dma_wait3A_2441] : memref<2x512x64xf32, #tpu.memory_space<vmem>> -> memref<1x512x64xf32, #tpu.memory_space<vmem>>
    %dma_wait3A_2443 = tpu.memref_squeeze %dma_wait3A_2442 : memref<1x512x64xf32, #tpu.memory_space<vmem>> -> memref<512x64xf32, #tpu.memory_space<vmem>>
    %dma_wait3A_2444 = arith.constant 0 : i32
    %dma_wait3A_2445 = tpu.memref_slice %arg2[%select_n3A_2408, %select_n3A_2368, %mul3A_2426, %dma_wait3A_2444] : memref<3x8x6144x64xf32, #tpu.memory_space<hbm>> -> memref<1x1x512x64xf32, #tpu.memory_space<hbm>>
    %dma_wait3A_2446 = tpu.memref_squeeze %dma_wait3A_2445 : memref<1x1x512x64xf32, #tpu.memory_space<hbm>> -> memref<512x64xf32, #tpu.memory_space<hbm>>
    tpu.wait_dma2 semaphore(%dma_wait3A_2439 : memref<!tpu.dma_semaphore, #tpu.memory_space<semaphore_mem>>) src(%dma_wait3A_2446 : memref<512x64xf32, #tpu.memory_space<hbm>>) dst(%dma_wait3A_2443 : memref<512x64xf32, #tpu.memory_space<vmem>>)
    %dma_start3A_2447 = arith.constant 1 : i32
    %dma_start3A_2448 = arith.constant 1 : i32
    %dma_start3A_2449 = arith.constant 0 : i32
    %dma_start3A_2450 = arith.constant 0 : i32
    %dma_start3A_2451 = tpu.memref_slice %arg4[%dma_start3A_2447, %dma_start3A_2449, %dma_start3A_2450] : memref<2x512x64xf32, #tpu.memory_space<vmem>> -> memref<1x512x64xf32, #tpu.memory_space<vmem>>
    %dma_start3A_2452 = tpu.memref_squeeze %dma_start3A_2451 : memref<1x512x64xf32, #tpu.memory_space<vmem>> -> memref<512x64xf32, #tpu.memory_space<vmem>>
    %dma_start3A_2453 = arith.constant 0 : i32
    %dma_start3A_2454 = tpu.memref_slice %arg3[%select_n3A_2368, %select_n3A_2408, %mul3A_2428, %dma_start3A_2453] : memref<8x3x6144x64xf32, #tpu.memory_space<hbm>> -> memref<1x1x512x64xf32, #tpu.memory_space<hbm>>
    %dma_start3A_2455 = tpu.memref_squeeze %dma_start3A_2454 : memref<1x1x512x64xf32, #tpu.memory_space<hbm>> -> memref<512x64xf32, #tpu.memory_space<hbm>>
    %dma_start3A_2456 = tpu.memref_slice %arg6[%dma_start3A_2448] : memref<2x!tpu.dma_semaphore, #tpu.memory_space<semaphore_mem>> -> memref<1x!tpu.dma_semaphore, #tpu.memory_space<semaphore_mem>>
    %dma_start3A_2457 = tpu.memref_squeeze %dma_start3A_2456 : memref<1x!tpu.dma_semaphore, #tpu.memory_space<semaphore_mem>> -> memref<!tpu.dma_semaphore, #tpu.memory_space<semaphore_mem>>
    %dma_start3A_2458 = arith.constant 0 : i32
    %dma_start3A_2459 = tpu.memref_slice %arg3[%select_n3A_2368, %select_n3A_2408, %mul3A_2428, %dma_start3A_2458] : memref<8x3x6144x64xf32, #tpu.memory_space<hbm>> -> memref<1x1x512x64xf32, #tpu.memory_space<hbm>>
    %dma_start3A_2460 = tpu.memref_squeeze %dma_start3A_2459 : memref<1x1x512x64xf32, #tpu.memory_space<hbm>> -> memref<512x64xf32, #tpu.memory_space<hbm>>
    %dma_start3A_2461 = arith.constant 0 : i32
    %dma_start3A_2462 = arith.constant 0 : i32
    %dma_start3A_2463 = tpu.memref_slice %arg4[%dma_start3A_2447, %dma_start3A_2461, %dma_start3A_2462] : memref<2x512x64xf32, #tpu.memory_space<vmem>> -> memref<1x512x64xf32, #tpu.memory_space<vmem>>
    %dma_start3A_2464 = tpu.memref_squeeze %dma_start3A_2463 : memref<1x512x64xf32, #tpu.memory_space<vmem>> -> memref<512x64xf32, #tpu.memory_space<vmem>>
    tpu.enqueue_dma source(%dma_start3A_2464 : memref<512x64xf32, #tpu.memory_space<vmem>>) target(%dma_start3A_2460 : memref<512x64xf32, #tpu.memory_space<hbm>>) target_semaphore(%dma_start3A_2457 : memref<!tpu.dma_semaphore, #tpu.memory_space<semaphore_mem>>)
    %mul3A_2465 = arith.constant 9 : i32
    %mul3A_2466 = arith.muli %add3A, %mul3A_2465 : i32
    %add3A_2467 = arith.constant 6 : i32
    %add3A_2468 = arith.addi %mul3A_2466, %add3A_2467 : i32
    %jit3A_2469 = arith.constant 36 : i32
    %div3A_2470 = arith.divsi %add3A_2468, %jit3A_2469 : i32
    %sign3A_2471 = arith.constant 0 : i32
    %sign3A_2472 = arith.cmpi sgt, %add3A_2468, %sign3A_2471 : i32
    %sign3A_2473 = arith.extui %sign3A_2472 : i1 to i32
    %sign3A_2474 = arith.constant 0 : i32
    %sign3A_2475 = arith.cmpi slt, %add3A_2468, %sign3A_2474 : i32
    %sign3A_2476 = arith.extui %sign3A_2475 : i1 to i32
    %sign3A_2477 = arith.subi %sign3A_2473, %sign3A_2476 : i32
    %sign3A_2478 = arith.constant 0 : i32
    %sign3A_2479 = arith.cmpi sgt, %jit3A_2469, %sign3A_2478 : i32
    %sign3A_2480 = arith.extui %sign3A_2479 : i1 to i32
    %sign3A_2481 = arith.constant 0 : i32
    %sign3A_2482 = arith.cmpi slt, %jit3A_2469, %sign3A_2481 : i32
    %sign3A_2483 = arith.extui %sign3A_2482 : i1 to i32
    %sign3A_2484 = arith.subi %sign3A_2480, %sign3A_2483 : i32
    %ne3A_2485 = arith.cmpi ne, %sign3A_2477, %sign3A_2484 : i32
    %rem3A_2486 = arith.remsi %add3A_2468, %jit3A_2469 : i32
    %ne3A_2487 = arith.constant 0 : i32
    %ne3A_2488 = arith.cmpi ne, %rem3A_2486, %ne3A_2487 : i32
    %and3A_2489 = arith.andi %ne3A_2485, %ne3A_2488 : i1
    %sub3A_2490 = arith.constant 1 : i32
    %sub3A_2491 = arith.subi %div3A_2470, %sub3A_2490 : i32
    %select_n3A_2492 = arith.select %and3A_2489, %sub3A_2491, %div3A_2470 : i32
    %jit3A_2493 = arith.constant 12 : i32
    %div3A_2494 = arith.divsi %add3A_2468, %jit3A_2493 : i32
    %sign3A_2495 = arith.constant 0 : i32
    %sign3A_2496 = arith.cmpi sgt, %add3A_2468, %sign3A_2495 : i32
    %sign3A_2497 = arith.extui %sign3A_2496 : i1 to i32
    %sign3A_2498 = arith.constant 0 : i32
    %sign3A_2499 = arith.cmpi slt, %add3A_2468, %sign3A_2498 : i32
    %sign3A_2500 = arith.extui %sign3A_2499 : i1 to i32
    %sign3A_2501 = arith.subi %sign3A_2497, %sign3A_2500 : i32
    %sign3A_2502 = arith.constant 0 : i32
    %sign3A_2503 = arith.cmpi sgt, %jit3A_2493, %sign3A_2502 : i32
    %sign3A_2504 = arith.extui %sign3A_2503 : i1 to i32
    %sign3A_2505 = arith.constant 0 : i32
    %sign3A_2506 = arith.cmpi slt, %jit3A_2493, %sign3A_2505 : i32
    %sign3A_2507 = arith.extui %sign3A_2506 : i1 to i32
    %sign3A_2508 = arith.subi %sign3A_2504, %sign3A_2507 : i32
    %ne3A_2509 = arith.cmpi ne, %sign3A_2501, %sign3A_2508 : i32
    %rem3A_2510 = arith.remsi %add3A_2468, %jit3A_2493 : i32
    %ne3A_2511 = arith.constant 0 : i32
    %ne3A_2512 = arith.cmpi ne, %rem3A_2510, %ne3A_2511 : i32
    %and3A_2513 = arith.andi %ne3A_2509, %ne3A_2512 : i1
    %sub3A_2514 = arith.constant 1 : i32
    %sub3A_2515 = arith.subi %div3A_2494, %sub3A_2514 : i32
    %select_n3A_2516 = arith.select %and3A_2513, %sub3A_2515, %div3A_2494 : i32
    %jit3A_2517 = arith.constant 3 : i32
    %eq3A_2518 = arith.constant 0 : i32
    %eq3A_2519 = arith.cmpi eq, %jit3A_2517, %eq3A_2518 : i32
    %jit3A_2520 = arith.constant 1 : i32
    %select_n3A_2521 = arith.select %eq3A_2519, %jit3A_2520, %jit3A_2517 : i32
    %rem3A_2522 = arith.remsi %select_n3A_2516, %select_n3A_2521 : i32
    %ne3A_2523 = arith.constant 0 : i32
    %ne3A_2524 = arith.cmpi ne, %rem3A_2522, %ne3A_2523 : i32
    %lt3A_2525 = arith.constant 0 : i32
    %lt3A_2526 = arith.cmpi slt, %rem3A_2522, %lt3A_2525 : i32
    %lt3A_2527 = arith.constant 0 : i32
    %lt3A_2528 = arith.cmpi slt, %select_n3A_2521, %lt3A_2527 : i32
    %ne3A_2529 = arith.xori %lt3A_2526, %lt3A_2528 : i1
    %and3A_2530 = arith.andi %ne3A_2529, %ne3A_2524 : i1
    %add3A_2531 = arith.addi %rem3A_2522, %select_n3A_2521 : i32
    %select_n3A_2532 = arith.select %and3A_2530, %add3A_2531, %rem3A_2522 : i32
    %jit3A_2533 = arith.constant 12 : i32
    %eq3A_2534 = arith.constant 0 : i32
    %eq3A_2535 = arith.cmpi eq, %jit3A_2533, %eq3A_2534 : i32
    %jit3A_2536 = arith.constant 1 : i32
    %select_n3A_2537 = arith.select %eq3A_2535, %jit3A_2536, %jit3A_2533 : i32
    %rem3A_2538 = arith.remsi %add3A_2468, %select_n3A_2537 : i32
    %ne3A_2539 = arith.constant 0 : i32
    %ne3A_2540 = arith.cmpi ne, %rem3A_2538, %ne3A_2539 : i32
    %lt3A_2541 = arith.constant 0 : i32
    %lt3A_2542 = arith.cmpi slt, %rem3A_2538, %lt3A_2541 : i32
    %lt3A_2543 = arith.constant 0 : i32
    %lt3A_2544 = arith.cmpi slt, %select_n3A_2537, %lt3A_2543 : i32
    %ne3A_2545 = arith.xori %lt3A_2542, %lt3A_2544 : i1
    %and3A_2546 = arith.andi %ne3A_2545, %ne3A_2540 : i1
    %add3A_2547 = arith.addi %rem3A_2538, %select_n3A_2537 : i32
    %select_n3A_2548 = arith.select %and3A_2546, %add3A_2547, %rem3A_2538 : i32
    %mul3A_2549 = arith.constant 512 : i32
    %mul3A_2550 = arith.muli %select_n3A_2548, %mul3A_2549 : i32
    %mul3A_2551 = arith.constant 512 : i32
    %mul3A_2552 = arith.muli %select_n3A_2548, %mul3A_2551 : i32
    %dma_wait3A_2553 = arith.constant 0 : i32
    %dma_wait3A_2554 = arith.constant 0 : i32
    %dma_wait3A_2555 = arith.constant 0 : i32
    %dma_wait3A_2556 = arith.constant 0 : i32
    %dma_wait3A_2557 = tpu.memref_slice %arg4[%dma_wait3A_2553, %dma_wait3A_2555, %dma_wait3A_2556] : memref<2x512x64xf32, #tpu.memory_space<vmem>> -> memref<1x512x64xf32, #tpu.memory_space<vmem>>
    %dma_wait3A_2558 = tpu.memref_squeeze %dma_wait3A_2557 : memref<1x512x64xf32, #tpu.memory_space<vmem>> -> memref<512x64xf32, #tpu.memory_space<vmem>>
    %dma_wait3A_2559 = arith.constant 0 : i32
    %dma_wait3A_2560 = tpu.memref_slice %arg3[%select_n3A_2492, %select_n3A_2532, %mul3A_2552, %dma_wait3A_2559] : memref<8x3x6144x64xf32, #tpu.memory_space<hbm>> -> memref<1x1x512x64xf32, #tpu.memory_space<hbm>>
    %dma_wait3A_2561 = tpu.memref_squeeze %dma_wait3A_2560 : memref<1x1x512x64xf32, #tpu.memory_space<hbm>> -> memref<512x64xf32, #tpu.memory_space<hbm>>
    %dma_wait3A_2562 = tpu.memref_slice %arg6[%dma_wait3A_2554] : memref<2x!tpu.dma_semaphore, #tpu.memory_space<semaphore_mem>> -> memref<1x!tpu.dma_semaphore, #tpu.memory_space<semaphore_mem>>
    %dma_wait3A_2563 = tpu.memref_squeeze %dma_wait3A_2562 : memref<1x!tpu.dma_semaphore, #tpu.memory_space<semaphore_mem>> -> memref<!tpu.dma_semaphore, #tpu.memory_space<semaphore_mem>>
    %dma_wait3A_2564 = arith.constant 0 : i32
    %dma_wait3A_2565 = tpu.memref_slice %arg3[%select_n3A_2492, %select_n3A_2532, %mul3A_2552, %dma_wait3A_2564] : memref<8x3x6144x64xf32, #tpu.memory_space<hbm>> -> memref<1x1x512x64xf32, #tpu.memory_space<hbm>>
    %dma_wait3A_2566 = tpu.memref_squeeze %dma_wait3A_2565 : memref<1x1x512x64xf32, #tpu.memory_space<hbm>> -> memref<512x64xf32, #tpu.memory_space<hbm>>
    %dma_wait3A_2567 = arith.constant 0 : i32
    %dma_wait3A_2568 = arith.constant 0 : i32
    %dma_wait3A_2569 = tpu.memref_slice %arg4[%dma_wait3A_2553, %dma_wait3A_2567, %dma_wait3A_2568] : memref<2x512x64xf32, #tpu.memory_space<vmem>> -> memref<1x512x64xf32, #tpu.memory_space<vmem>>
    %dma_wait3A_2570 = tpu.memref_squeeze %dma_wait3A_2569 : memref<1x512x64xf32, #tpu.memory_space<vmem>> -> memref<512x64xf32, #tpu.memory_space<vmem>>
    tpu.wait_dma2 semaphore(%dma_wait3A_2563 : memref<!tpu.dma_semaphore, #tpu.memory_space<semaphore_mem>>) src(%dma_wait3A_2570 : memref<512x64xf32, #tpu.memory_space<vmem>>) dst(%dma_wait3A_2566 : memref<512x64xf32, #tpu.memory_space<hbm>>)
    %mul3A_2571 = arith.constant 9 : i32
    %mul3A_2572 = arith.muli %add3A, %mul3A_2571 : i32
    %add3A_2573 = arith.constant 8 : i32
    %add3A_2574 = arith.addi %mul3A_2572, %add3A_2573 : i32
    %jit3A_2575 = arith.constant 36 : i32
    %div3A_2576 = arith.divsi %add3A_2574, %jit3A_2575 : i32
    %sign3A_2577 = arith.constant 0 : i32
    %sign3A_2578 = arith.cmpi sgt, %add3A_2574, %sign3A_2577 : i32
    %sign3A_2579 = arith.extui %sign3A_2578 : i1 to i32
    %sign3A_2580 = arith.constant 0 : i32
    %sign3A_2581 = arith.cmpi slt, %add3A_2574, %sign3A_2580 : i32
    %sign3A_2582 = arith.extui %sign3A_2581 : i1 to i32
    %sign3A_2583 = arith.subi %sign3A_2579, %sign3A_2582 : i32
    %sign3A_2584 = arith.constant 0 : i32
    %sign3A_2585 = arith.cmpi sgt, %jit3A_2575, %sign3A_2584 : i32
    %sign3A_2586 = arith.extui %sign3A_2585 : i1 to i32
    %sign3A_2587 = arith.constant 0 : i32
    %sign3A_2588 = arith.cmpi slt, %jit3A_2575, %sign3A_2587 : i32
    %sign3A_2589 = arith.extui %sign3A_2588 : i1 to i32
    %sign3A_2590 = arith.subi %sign3A_2586, %sign3A_2589 : i32
    %ne3A_2591 = arith.cmpi ne, %sign3A_2583, %sign3A_2590 : i32
    %rem3A_2592 = arith.remsi %add3A_2574, %jit3A_2575 : i32
    %ne3A_2593 = arith.constant 0 : i32
    %ne3A_2594 = arith.cmpi ne, %rem3A_2592, %ne3A_2593 : i32
    %and3A_2595 = arith.andi %ne3A_2591, %ne3A_2594 : i1
    %sub3A_2596 = arith.constant 1 : i32
    %sub3A_2597 = arith.subi %div3A_2576, %sub3A_2596 : i32
    %select_n3A_2598 = arith.select %and3A_2595, %sub3A_2597, %div3A_2576 : i32
    %jit3A_2599 = arith.constant 12 : i32
    %div3A_2600 = arith.divsi %add3A_2574, %jit3A_2599 : i32
    %sign3A_2601 = arith.constant 0 : i32
    %sign3A_2602 = arith.cmpi sgt, %add3A_2574, %sign3A_2601 : i32
    %sign3A_2603 = arith.extui %sign3A_2602 : i1 to i32
    %sign3A_2604 = arith.constant 0 : i32
    %sign3A_2605 = arith.cmpi slt, %add3A_2574, %sign3A_2604 : i32
    %sign3A_2606 = arith.extui %sign3A_2605 : i1 to i32
    %sign3A_2607 = arith.subi %sign3A_2603, %sign3A_2606 : i32
    %sign3A_2608 = arith.constant 0 : i32
    %sign3A_2609 = arith.cmpi sgt, %jit3A_2599, %sign3A_2608 : i32
    %sign3A_2610 = arith.extui %sign3A_2609 : i1 to i32
    %sign3A_2611 = arith.constant 0 : i32
    %sign3A_2612 = arith.cmpi slt, %jit3A_2599, %sign3A_2611 : i32
    %sign3A_2613 = arith.extui %sign3A_2612 : i1 to i32
    %sign3A_2614 = arith.subi %sign3A_2610, %sign3A_2613 : i32
    %ne3A_2615 = arith.cmpi ne, %sign3A_2607, %sign3A_2614 : i32
    %rem3A_2616 = arith.remsi %add3A_2574, %jit3A_2599 : i32
    %ne3A_2617 = arith.constant 0 : i32
    %ne3A_2618 = arith.cmpi ne, %rem3A_2616, %ne3A_2617 : i32
    %and3A_2619 = arith.andi %ne3A_2615, %ne3A_2618 : i1
    %sub3A_2620 = arith.constant 1 : i32
    %sub3A_2621 = arith.subi %div3A_2600, %sub3A_2620 : i32
    %select_n3A_2622 = arith.select %and3A_2619, %sub3A_2621, %div3A_2600 : i32
    %jit3A_2623 = arith.constant 3 : i32
    %eq3A_2624 = arith.constant 0 : i32
    %eq3A_2625 = arith.cmpi eq, %jit3A_2623, %eq3A_2624 : i32
    %jit3A_2626 = arith.constant 1 : i32
    %select_n3A_2627 = arith.select %eq3A_2625, %jit3A_2626, %jit3A_2623 : i32
    %rem3A_2628 = arith.remsi %select_n3A_2622, %select_n3A_2627 : i32
    %ne3A_2629 = arith.constant 0 : i32
    %ne3A_2630 = arith.cmpi ne, %rem3A_2628, %ne3A_2629 : i32
    %lt3A_2631 = arith.constant 0 : i32
    %lt3A_2632 = arith.cmpi slt, %rem3A_2628, %lt3A_2631 : i32
    %lt3A_2633 = arith.constant 0 : i32
    %lt3A_2634 = arith.cmpi slt, %select_n3A_2627, %lt3A_2633 : i32
    %ne3A_2635 = arith.xori %lt3A_2632, %lt3A_2634 : i1
    %and3A_2636 = arith.andi %ne3A_2635, %ne3A_2630 : i1
    %add3A_2637 = arith.addi %rem3A_2628, %select_n3A_2627 : i32
    %select_n3A_2638 = arith.select %and3A_2636, %add3A_2637, %rem3A_2628 : i32
    %jit3A_2639 = arith.constant 12 : i32
    %eq3A_2640 = arith.constant 0 : i32
    %eq3A_2641 = arith.cmpi eq, %jit3A_2639, %eq3A_2640 : i32
    %jit3A_2642 = arith.constant 1 : i32
    %select_n3A_2643 = arith.select %eq3A_2641, %jit3A_2642, %jit3A_2639 : i32
    %rem3A_2644 = arith.remsi %add3A_2574, %select_n3A_2643 : i32
    %ne3A_2645 = arith.constant 0 : i32
    %ne3A_2646 = arith.cmpi ne, %rem3A_2644, %ne3A_2645 : i32
    %lt3A_2647 = arith.constant 0 : i32
    %lt3A_2648 = arith.cmpi slt, %rem3A_2644, %lt3A_2647 : i32
    %lt3A_2649 = arith.constant 0 : i32
    %lt3A_2650 = arith.cmpi slt, %select_n3A_2643, %lt3A_2649 : i32
    %ne3A_2651 = arith.xori %lt3A_2648, %lt3A_2650 : i1
    %and3A_2652 = arith.andi %ne3A_2651, %ne3A_2646 : i1
    %add3A_2653 = arith.addi %rem3A_2644, %select_n3A_2643 : i32
    %select_n3A_2654 = arith.select %and3A_2652, %add3A_2653, %rem3A_2644 : i32
    %mul3A_2655 = arith.constant 512 : i32
    %mul3A_2656 = arith.muli %select_n3A_2654, %mul3A_2655 : i32
    %mul3A_2657 = arith.constant 512 : i32
    %mul3A_2658 = arith.muli %select_n3A_2654, %mul3A_2657 : i32
    %dma_start3A_2659 = arith.constant 0 : i32
    %dma_start3A_2660 = arith.constant 0 : i32
    %dma_start3A_2661 = arith.constant 0 : i32
    %dma_start3A_2662 = arith.constant 0 : i32
    %dma_start3A_2663 = tpu.memref_slice %arg4[%dma_start3A_2659, %dma_start3A_2661, %dma_start3A_2662] : memref<2x512x64xf32, #tpu.memory_space<vmem>> -> memref<1x512x64xf32, #tpu.memory_space<vmem>>
    %dma_start3A_2664 = tpu.memref_squeeze %dma_start3A_2663 : memref<1x512x64xf32, #tpu.memory_space<vmem>> -> memref<512x64xf32, #tpu.memory_space<vmem>>
    %dma_start3A_2665 = arith.constant 0 : i32
    %dma_start3A_2666 = tpu.memref_slice %arg2[%select_n3A_2638, %select_n3A_2598, %mul3A_2656, %dma_start3A_2665] : memref<3x8x6144x64xf32, #tpu.memory_space<hbm>> -> memref<1x1x512x64xf32, #tpu.memory_space<hbm>>
    %dma_start3A_2667 = tpu.memref_squeeze %dma_start3A_2666 : memref<1x1x512x64xf32, #tpu.memory_space<hbm>> -> memref<512x64xf32, #tpu.memory_space<hbm>>
    %dma_start3A_2668 = tpu.memref_slice %arg5[%dma_start3A_2660] : memref<2x!tpu.dma_semaphore, #tpu.memory_space<semaphore_mem>> -> memref<1x!tpu.dma_semaphore, #tpu.memory_space<semaphore_mem>>
    %dma_start3A_2669 = tpu.memref_squeeze %dma_start3A_2668 : memref<1x!tpu.dma_semaphore, #tpu.memory_space<semaphore_mem>> -> memref<!tpu.dma_semaphore, #tpu.memory_space<semaphore_mem>>
    %dma_start3A_2670 = arith.constant 0 : i32
    %dma_start3A_2671 = arith.constant 0 : i32
    %dma_start3A_2672 = tpu.memref_slice %arg4[%dma_start3A_2659, %dma_start3A_2670, %dma_start3A_2671] : memref<2x512x64xf32, #tpu.memory_space<vmem>> -> memref<1x512x64xf32, #tpu.memory_space<vmem>>
    %dma_start3A_2673 = tpu.memref_squeeze %dma_start3A_2672 : memref<1x512x64xf32, #tpu.memory_space<vmem>> -> memref<512x64xf32, #tpu.memory_space<vmem>>
    %dma_start3A_2674 = arith.constant 0 : i32
    %dma_start3A_2675 = tpu.memref_slice %arg2[%select_n3A_2638, %select_n3A_2598, %mul3A_2656, %dma_start3A_2674] : memref<3x8x6144x64xf32, #tpu.memory_space<hbm>> -> memref<1x1x512x64xf32, #tpu.memory_space<hbm>>
    %dma_start3A_2676 = tpu.memref_squeeze %dma_start3A_2675 : memref<1x1x512x64xf32, #tpu.memory_space<hbm>> -> memref<512x64xf32, #tpu.memory_space<hbm>>
    tpu.enqueue_dma source(%dma_start3A_2676 : memref<512x64xf32, #tpu.memory_space<hbm>>) target(%dma_start3A_2673 : memref<512x64xf32, #tpu.memory_space<vmem>>) target_semaphore(%dma_start3A_2669 : memref<!tpu.dma_semaphore, #tpu.memory_space<semaphore_mem>>)
    %mul3A_2677 = arith.constant 9 : i32
    %mul3A_2678 = arith.muli %add3A, %mul3A_2677 : i32
    %add3A_2679 = arith.constant 8 : i32
    %add3A_2680 = arith.addi %mul3A_2678, %add3A_2679 : i32
    %jit3A_2681 = arith.constant 36 : i32
    %div3A_2682 = arith.divsi %add3A_2680, %jit3A_2681 : i32
    %sign3A_2683 = arith.constant 0 : i32
    %sign3A_2684 = arith.cmpi sgt, %add3A_2680, %sign3A_2683 : i32
    %sign3A_2685 = arith.extui %sign3A_2684 : i1 to i32
    %sign3A_2686 = arith.constant 0 : i32
    %sign3A_2687 = arith.cmpi slt, %add3A_2680, %sign3A_2686 : i32
    %sign3A_2688 = arith.extui %sign3A_2687 : i1 to i32
    %sign3A_2689 = arith.subi %sign3A_2685, %sign3A_2688 : i32
    %sign3A_2690 = arith.constant 0 : i32
    %sign3A_2691 = arith.cmpi sgt, %jit3A_2681, %sign3A_2690 : i32
    %sign3A_2692 = arith.extui %sign3A_2691 : i1 to i32
    %sign3A_2693 = arith.constant 0 : i32
    %sign3A_2694 = arith.cmpi slt, %jit3A_2681, %sign3A_2693 : i32
    %sign3A_2695 = arith.extui %sign3A_2694 : i1 to i32
    %sign3A_2696 = arith.subi %sign3A_2692, %sign3A_2695 : i32
    %ne3A_2697 = arith.cmpi ne, %sign3A_2689, %sign3A_2696 : i32
    %rem3A_2698 = arith.remsi %add3A_2680, %jit3A_2681 : i32
    %ne3A_2699 = arith.constant 0 : i32
    %ne3A_2700 = arith.cmpi ne, %rem3A_2698, %ne3A_2699 : i32
    %and3A_2701 = arith.andi %ne3A_2697, %ne3A_2700 : i1
    %sub3A_2702 = arith.constant 1 : i32
    %sub3A_2703 = arith.subi %div3A_2682, %sub3A_2702 : i32
    %select_n3A_2704 = arith.select %and3A_2701, %sub3A_2703, %div3A_2682 : i32
    %jit3A_2705 = arith.constant 12 : i32
    %div3A_2706 = arith.divsi %add3A_2680, %jit3A_2705 : i32
    %sign3A_2707 = arith.constant 0 : i32
    %sign3A_2708 = arith.cmpi sgt, %add3A_2680, %sign3A_2707 : i32
    %sign3A_2709 = arith.extui %sign3A_2708 : i1 to i32
    %sign3A_2710 = arith.constant 0 : i32
    %sign3A_2711 = arith.cmpi slt, %add3A_2680, %sign3A_2710 : i32
    %sign3A_2712 = arith.extui %sign3A_2711 : i1 to i32
    %sign3A_2713 = arith.subi %sign3A_2709, %sign3A_2712 : i32
    %sign3A_2714 = arith.constant 0 : i32
    %sign3A_2715 = arith.cmpi sgt, %jit3A_2705, %sign3A_2714 : i32
    %sign3A_2716 = arith.extui %sign3A_2715 : i1 to i32
    %sign3A_2717 = arith.constant 0 : i32
    %sign3A_2718 = arith.cmpi slt, %jit3A_2705, %sign3A_2717 : i32
    %sign3A_2719 = arith.extui %sign3A_2718 : i1 to i32
    %sign3A_2720 = arith.subi %sign3A_2716, %sign3A_2719 : i32
    %ne3A_2721 = arith.cmpi ne, %sign3A_2713, %sign3A_2720 : i32
    %rem3A_2722 = arith.remsi %add3A_2680, %jit3A_2705 : i32
    %ne3A_2723 = arith.constant 0 : i32
    %ne3A_2724 = arith.cmpi ne, %rem3A_2722, %ne3A_2723 : i32
    %and3A_2725 = arith.andi %ne3A_2721, %ne3A_2724 : i1
    %sub3A_2726 = arith.constant 1 : i32
    %sub3A_2727 = arith.subi %div3A_2706, %sub3A_2726 : i32
    %select_n3A_2728 = arith.select %and3A_2725, %sub3A_2727, %div3A_2706 : i32
    %jit3A_2729 = arith.constant 3 : i32
    %eq3A_2730 = arith.constant 0 : i32
    %eq3A_2731 = arith.cmpi eq, %jit3A_2729, %eq3A_2730 : i32
    %jit3A_2732 = arith.constant 1 : i32
    %select_n3A_2733 = arith.select %eq3A_2731, %jit3A_2732, %jit3A_2729 : i32
    %rem3A_2734 = arith.remsi %select_n3A_2728, %select_n3A_2733 : i32
    %ne3A_2735 = arith.constant 0 : i32
    %ne3A_2736 = arith.cmpi ne, %rem3A_2734, %ne3A_2735 : i32
    %lt3A_2737 = arith.constant 0 : i32
    %lt3A_2738 = arith.cmpi slt, %rem3A_2734, %lt3A_2737 : i32
    %lt3A_2739 = arith.constant 0 : i32
    %lt3A_2740 = arith.cmpi slt, %select_n3A_2733, %lt3A_2739 : i32
    %ne3A_2741 = arith.xori %lt3A_2738, %lt3A_2740 : i1
    %and3A_2742 = arith.andi %ne3A_2741, %ne3A_2736 : i1
    %add3A_2743 = arith.addi %rem3A_2734, %select_n3A_2733 : i32
    %select_n3A_2744 = arith.select %and3A_2742, %add3A_2743, %rem3A_2734 : i32
    %jit3A_2745 = arith.constant 12 : i32
    %eq3A_2746 = arith.constant 0 : i32
    %eq3A_2747 = arith.cmpi eq, %jit3A_2745, %eq3A_2746 : i32
    %jit3A_2748 = arith.constant 1 : i32
    %select_n3A_2749 = arith.select %eq3A_2747, %jit3A_2748, %jit3A_2745 : i32
    %rem3A_2750 = arith.remsi %add3A_2680, %select_n3A_2749 : i32
    %ne3A_2751 = arith.constant 0 : i32
    %ne3A_2752 = arith.cmpi ne, %rem3A_2750, %ne3A_2751 : i32
    %lt3A_2753 = arith.constant 0 : i32
    %lt3A_2754 = arith.cmpi slt, %rem3A_2750, %lt3A_2753 : i32
    %lt3A_2755 = arith.constant 0 : i32
    %lt3A_2756 = arith.cmpi slt, %select_n3A_2749, %lt3A_2755 : i32
    %ne3A_2757 = arith.xori %lt3A_2754, %lt3A_2756 : i1
    %and3A_2758 = arith.andi %ne3A_2757, %ne3A_2752 : i1
    %add3A_2759 = arith.addi %rem3A_2750, %select_n3A_2749 : i32
    %select_n3A_2760 = arith.select %and3A_2758, %add3A_2759, %rem3A_2750 : i32
    %mul3A_2761 = arith.constant 512 : i32
    %mul3A_2762 = arith.muli %select_n3A_2760, %mul3A_2761 : i32
    %mul3A_2763 = arith.constant 512 : i32
    %mul3A_2764 = arith.muli %select_n3A_2760, %mul3A_2763 : i32
    %dma_wait3A_2765 = arith.constant 0 : i32
    %dma_wait3A_2766 = arith.constant 0 : i32
    %dma_wait3A_2767 = arith.constant 0 : i32
    %dma_wait3A_2768 = arith.constant 0 : i32
    %dma_wait3A_2769 = tpu.memref_slice %arg4[%dma_wait3A_2765, %dma_wait3A_2767, %dma_wait3A_2768] : memref<2x512x64xf32, #tpu.memory_space<vmem>> -> memref<1x512x64xf32, #tpu.memory_space<vmem>>
    %dma_wait3A_2770 = tpu.memref_squeeze %dma_wait3A_2769 : memref<1x512x64xf32, #tpu.memory_space<vmem>> -> memref<512x64xf32, #tpu.memory_space<vmem>>
    %dma_wait3A_2771 = arith.constant 0 : i32
    %dma_wait3A_2772 = tpu.memref_slice %arg2[%select_n3A_2744, %select_n3A_2704, %mul3A_2762, %dma_wait3A_2771] : memref<3x8x6144x64xf32, #tpu.memory_space<hbm>> -> memref<1x1x512x64xf32, #tpu.memory_space<hbm>>
    %dma_wait3A_2773 = tpu.memref_squeeze %dma_wait3A_2772 : memref<1x1x512x64xf32, #tpu.memory_space<hbm>> -> memref<512x64xf32, #tpu.memory_space<hbm>>
    %dma_wait3A_2774 = tpu.memref_slice %arg5[%dma_wait3A_2766] : memref<2x!tpu.dma_semaphore, #tpu.memory_space<semaphore_mem>> -> memref<1x!tpu.dma_semaphore, #tpu.memory_space<semaphore_mem>>
    %dma_wait3A_2775 = tpu.memref_squeeze %dma_wait3A_2774 : memref<1x!tpu.dma_semaphore, #tpu.memory_space<semaphore_mem>> -> memref<!tpu.dma_semaphore, #tpu.memory_space<semaphore_mem>>
    %dma_wait3A_2776 = arith.constant 0 : i32
    %dma_wait3A_2777 = arith.constant 0 : i32
    %dma_wait3A_2778 = tpu.memref_slice %arg4[%dma_wait3A_2765, %dma_wait3A_2776, %dma_wait3A_2777] : memref<2x512x64xf32, #tpu.memory_space<vmem>> -> memref<1x512x64xf32, #tpu.memory_space<vmem>>
    %dma_wait3A_2779 = tpu.memref_squeeze %dma_wait3A_2778 : memref<1x512x64xf32, #tpu.memory_space<vmem>> -> memref<512x64xf32, #tpu.memory_space<vmem>>
    %dma_wait3A_2780 = arith.constant 0 : i32
    %dma_wait3A_2781 = tpu.memref_slice %arg2[%select_n3A_2744, %select_n3A_2704, %mul3A_2762, %dma_wait3A_2780] : memref<3x8x6144x64xf32, #tpu.memory_space<hbm>> -> memref<1x1x512x64xf32, #tpu.memory_space<hbm>>
    %dma_wait3A_2782 = tpu.memref_squeeze %dma_wait3A_2781 : memref<1x1x512x64xf32, #tpu.memory_space<hbm>> -> memref<512x64xf32, #tpu.memory_space<hbm>>
    tpu.wait_dma2 semaphore(%dma_wait3A_2775 : memref<!tpu.dma_semaphore, #tpu.memory_space<semaphore_mem>>) src(%dma_wait3A_2782 : memref<512x64xf32, #tpu.memory_space<hbm>>) dst(%dma_wait3A_2779 : memref<512x64xf32, #tpu.memory_space<vmem>>)
    %dma_start3A_2783 = arith.constant 0 : i32
    %dma_start3A_2784 = arith.constant 0 : i32
    %dma_start3A_2785 = arith.constant 0 : i32
    %dma_start3A_2786 = arith.constant 0 : i32
    %dma_start3A_2787 = tpu.memref_slice %arg4[%dma_start3A_2783, %dma_start3A_2785, %dma_start3A_2786] : memref<2x512x64xf32, #tpu.memory_space<vmem>> -> memref<1x512x64xf32, #tpu.memory_space<vmem>>
    %dma_start3A_2788 = tpu.memref_squeeze %dma_start3A_2787 : memref<1x512x64xf32, #tpu.memory_space<vmem>> -> memref<512x64xf32, #tpu.memory_space<vmem>>
    %dma_start3A_2789 = arith.constant 0 : i32
    %dma_start3A_2790 = tpu.memref_slice %arg3[%select_n3A_2704, %select_n3A_2744, %mul3A_2764, %dma_start3A_2789] : memref<8x3x6144x64xf32, #tpu.memory_space<hbm>> -> memref<1x1x512x64xf32, #tpu.memory_space<hbm>>
    %dma_start3A_2791 = tpu.memref_squeeze %dma_start3A_2790 : memref<1x1x512x64xf32, #tpu.memory_space<hbm>> -> memref<512x64xf32, #tpu.memory_space<hbm>>
    %dma_start3A_2792 = tpu.memref_slice %arg6[%dma_start3A_2784] : memref<2x!tpu.dma_semaphore, #tpu.memory_space<semaphore_mem>> -> memref<1x!tpu.dma_semaphore, #tpu.memory_space<semaphore_mem>>
    %dma_start3A_2793 = tpu.memref_squeeze %dma_start3A_2792 : memref<1x!tpu.dma_semaphore, #tpu.memory_space<semaphore_mem>> -> memref<!tpu.dma_semaphore, #tpu.memory_space<semaphore_mem>>
    %dma_start3A_2794 = arith.constant 0 : i32
    %dma_start3A_2795 = tpu.memref_slice %arg3[%select_n3A_2704, %select_n3A_2744, %mul3A_2764, %dma_start3A_2794] : memref<8x3x6144x64xf32, #tpu.memory_space<hbm>> -> memref<1x1x512x64xf32, #tpu.memory_space<hbm>>
    %dma_start3A_2796 = tpu.memref_squeeze %dma_start3A_2795 : memref<1x1x512x64xf32, #tpu.memory_space<hbm>> -> memref<512x64xf32, #tpu.memory_space<hbm>>
    %dma_start3A_2797 = arith.constant 0 : i32
    %dma_start3A_2798 = arith.constant 0 : i32
    %dma_start3A_2799 = tpu.memref_slice %arg4[%dma_start3A_2783, %dma_start3A_2797, %dma_start3A_2798] : memref<2x512x64xf32, #tpu.memory_space<vmem>> -> memref<1x512x64xf32, #tpu.memory_space<vmem>>
    %dma_start3A_2800 = tpu.memref_squeeze %dma_start3A_2799 : memref<1x512x64xf32, #tpu.memory_space<vmem>> -> memref<512x64xf32, #tpu.memory_space<vmem>>
    tpu.enqueue_dma source(%dma_start3A_2800 : memref<512x64xf32, #tpu.memory_space<vmem>>) target(%dma_start3A_2796 : memref<512x64xf32, #tpu.memory_space<hbm>>) target_semaphore(%dma_start3A_2793 : memref<!tpu.dma_semaphore, #tpu.memory_space<semaphore_mem>>)
    %mul3A_2801 = arith.constant 9 : i32
    %mul3A_2802 = arith.muli %add3A, %mul3A_2801 : i32
    %add3A_2803 = arith.constant 7 : i32
    %add3A_2804 = arith.addi %mul3A_2802, %add3A_2803 : i32
    %jit3A_2805 = arith.constant 36 : i32
    %div3A_2806 = arith.divsi %add3A_2804, %jit3A_2805 : i32
    %sign3A_2807 = arith.constant 0 : i32
    %sign3A_2808 = arith.cmpi sgt, %add3A_2804, %sign3A_2807 : i32
    %sign3A_2809 = arith.extui %sign3A_2808 : i1 to i32
    %sign3A_2810 = arith.constant 0 : i32
    %sign3A_2811 = arith.cmpi slt, %add3A_2804, %sign3A_2810 : i32
    %sign3A_2812 = arith.extui %sign3A_2811 : i1 to i32
    %sign3A_2813 = arith.subi %sign3A_2809, %sign3A_2812 : i32
    %sign3A_2814 = arith.constant 0 : i32
    %sign3A_2815 = arith.cmpi sgt, %jit3A_2805, %sign3A_2814 : i32
    %sign3A_2816 = arith.extui %sign3A_2815 : i1 to i32
    %sign3A_2817 = arith.constant 0 : i32
    %sign3A_2818 = arith.cmpi slt, %jit3A_2805, %sign3A_2817 : i32
    %sign3A_2819 = arith.extui %sign3A_2818 : i1 to i32
    %sign3A_2820 = arith.subi %sign3A_2816, %sign3A_2819 : i32
    %ne3A_2821 = arith.cmpi ne, %sign3A_2813, %sign3A_2820 : i32
    %rem3A_2822 = arith.remsi %add3A_2804, %jit3A_2805 : i32
    %ne3A_2823 = arith.constant 0 : i32
    %ne3A_2824 = arith.cmpi ne, %rem3A_2822, %ne3A_2823 : i32
    %and3A_2825 = arith.andi %ne3A_2821, %ne3A_2824 : i1
    %sub3A_2826 = arith.constant 1 : i32
    %sub3A_2827 = arith.subi %div3A_2806, %sub3A_2826 : i32
    %select_n3A_2828 = arith.select %and3A_2825, %sub3A_2827, %div3A_2806 : i32
    %jit3A_2829 = arith.constant 12 : i32
    %div3A_2830 = arith.divsi %add3A_2804, %jit3A_2829 : i32
    %sign3A_2831 = arith.constant 0 : i32
    %sign3A_2832 = arith.cmpi sgt, %add3A_2804, %sign3A_2831 : i32
    %sign3A_2833 = arith.extui %sign3A_2832 : i1 to i32
    %sign3A_2834 = arith.constant 0 : i32
    %sign3A_2835 = arith.cmpi slt, %add3A_2804, %sign3A_2834 : i32
    %sign3A_2836 = arith.extui %sign3A_2835 : i1 to i32
    %sign3A_2837 = arith.subi %sign3A_2833, %sign3A_2836 : i32
    %sign3A_2838 = arith.constant 0 : i32
    %sign3A_2839 = arith.cmpi sgt, %jit3A_2829, %sign3A_2838 : i32
    %sign3A_2840 = arith.extui %sign3A_2839 : i1 to i32
    %sign3A_2841 = arith.constant 0 : i32
    %sign3A_2842 = arith.cmpi slt, %jit3A_2829, %sign3A_2841 : i32
    %sign3A_2843 = arith.extui %sign3A_2842 : i1 to i32
    %sign3A_2844 = arith.subi %sign3A_2840, %sign3A_2843 : i32
    %ne3A_2845 = arith.cmpi ne, %sign3A_2837, %sign3A_2844 : i32
    %rem3A_2846 = arith.remsi %add3A_2804, %jit3A_2829 : i32
    %ne3A_2847 = arith.constant 0 : i32
    %ne3A_2848 = arith.cmpi ne, %rem3A_2846, %ne3A_2847 : i32
    %and3A_2849 = arith.andi %ne3A_2845, %ne3A_2848 : i1
    %sub3A_2850 = arith.constant 1 : i32
    %sub3A_2851 = arith.subi %div3A_2830, %sub3A_2850 : i32
    %select_n3A_2852 = arith.select %and3A_2849, %sub3A_2851, %div3A_2830 : i32
    %jit3A_2853 = arith.constant 3 : i32
    %eq3A_2854 = arith.constant 0 : i32
    %eq3A_2855 = arith.cmpi eq, %jit3A_2853, %eq3A_2854 : i32
    %jit3A_2856 = arith.constant 1 : i32
    %select_n3A_2857 = arith.select %eq3A_2855, %jit3A_2856, %jit3A_2853 : i32
    %rem3A_2858 = arith.remsi %select_n3A_2852, %select_n3A_2857 : i32
    %ne3A_2859 = arith.constant 0 : i32
    %ne3A_2860 = arith.cmpi ne, %rem3A_2858, %ne3A_2859 : i32
    %lt3A_2861 = arith.constant 0 : i32
    %lt3A_2862 = arith.cmpi slt, %rem3A_2858, %lt3A_2861 : i32
    %lt3A_2863 = arith.constant 0 : i32
    %lt3A_2864 = arith.cmpi slt, %select_n3A_2857, %lt3A_2863 : i32
    %ne3A_2865 = arith.xori %lt3A_2862, %lt3A_2864 : i1
    %and3A_2866 = arith.andi %ne3A_2865, %ne3A_2860 : i1
    %add3A_2867 = arith.addi %rem3A_2858, %select_n3A_2857 : i32
    %select_n3A_2868 = arith.select %and3A_2866, %add3A_2867, %rem3A_2858 : i32
    %jit3A_2869 = arith.constant 12 : i32
    %eq3A_2870 = arith.constant 0 : i32
    %eq3A_2871 = arith.cmpi eq, %jit3A_2869, %eq3A_2870 : i32
    %jit3A_2872 = arith.constant 1 : i32
    %select_n3A_2873 = arith.select %eq3A_2871, %jit3A_2872, %jit3A_2869 : i32
    %rem3A_2874 = arith.remsi %add3A_2804, %select_n3A_2873 : i32
    %ne3A_2875 = arith.constant 0 : i32
    %ne3A_2876 = arith.cmpi ne, %rem3A_2874, %ne3A_2875 : i32
    %lt3A_2877 = arith.constant 0 : i32
    %lt3A_2878 = arith.cmpi slt, %rem3A_2874, %lt3A_2877 : i32
    %lt3A_2879 = arith.constant 0 : i32
    %lt3A_2880 = arith.cmpi slt, %select_n3A_2873, %lt3A_2879 : i32
    %ne3A_2881 = arith.xori %lt3A_2878, %lt3A_2880 : i1
    %and3A_2882 = arith.andi %ne3A_2881, %ne3A_2876 : i1
    %add3A_2883 = arith.addi %rem3A_2874, %select_n3A_2873 : i32
    %select_n3A_2884 = arith.select %and3A_2882, %add3A_2883, %rem3A_2874 : i32
    %mul3A_2885 = arith.constant 512 : i32
    %mul3A_2886 = arith.muli %select_n3A_2884, %mul3A_2885 : i32
    %mul3A_2887 = arith.constant 512 : i32
    %mul3A_2888 = arith.muli %select_n3A_2884, %mul3A_2887 : i32
    %dma_wait3A_2889 = arith.constant 1 : i32
    %dma_wait3A_2890 = arith.constant 1 : i32
    %dma_wait3A_2891 = arith.constant 0 : i32
    %dma_wait3A_2892 = arith.constant 0 : i32
    %dma_wait3A_2893 = tpu.memref_slice %arg4[%dma_wait3A_2889, %dma_wait3A_2891, %dma_wait3A_2892] : memref<2x512x64xf32, #tpu.memory_space<vmem>> -> memref<1x512x64xf32, #tpu.memory_space<vmem>>
    %dma_wait3A_2894 = tpu.memref_squeeze %dma_wait3A_2893 : memref<1x512x64xf32, #tpu.memory_space<vmem>> -> memref<512x64xf32, #tpu.memory_space<vmem>>
    %dma_wait3A_2895 = arith.constant 0 : i32
    %dma_wait3A_2896 = tpu.memref_slice %arg3[%select_n3A_2828, %select_n3A_2868, %mul3A_2888, %dma_wait3A_2895] : memref<8x3x6144x64xf32, #tpu.memory_space<hbm>> -> memref<1x1x512x64xf32, #tpu.memory_space<hbm>>
    %dma_wait3A_2897 = tpu.memref_squeeze %dma_wait3A_2896 : memref<1x1x512x64xf32, #tpu.memory_space<hbm>> -> memref<512x64xf32, #tpu.memory_space<hbm>>
    %dma_wait3A_2898 = tpu.memref_slice %arg6[%dma_wait3A_2890] : memref<2x!tpu.dma_semaphore, #tpu.memory_space<semaphore_mem>> -> memref<1x!tpu.dma_semaphore, #tpu.memory_space<semaphore_mem>>
    %dma_wait3A_2899 = tpu.memref_squeeze %dma_wait3A_2898 : memref<1x!tpu.dma_semaphore, #tpu.memory_space<semaphore_mem>> -> memref<!tpu.dma_semaphore, #tpu.memory_space<semaphore_mem>>
    %dma_wait3A_2900 = arith.constant 0 : i32
    %dma_wait3A_2901 = tpu.memref_slice %arg3[%select_n3A_2828, %select_n3A_2868, %mul3A_2888, %dma_wait3A_2900] : memref<8x3x6144x64xf32, #tpu.memory_space<hbm>> -> memref<1x1x512x64xf32, #tpu.memory_space<hbm>>
    %dma_wait3A_2902 = tpu.memref_squeeze %dma_wait3A_2901 : memref<1x1x512x64xf32, #tpu.memory_space<hbm>> -> memref<512x64xf32, #tpu.memory_space<hbm>>
    %dma_wait3A_2903 = arith.constant 0 : i32
    %dma_wait3A_2904 = arith.constant 0 : i32
    %dma_wait3A_2905 = tpu.memref_slice %arg4[%dma_wait3A_2889, %dma_wait3A_2903, %dma_wait3A_2904] : memref<2x512x64xf32, #tpu.memory_space<vmem>> -> memref<1x512x64xf32, #tpu.memory_space<vmem>>
    %dma_wait3A_2906 = tpu.memref_squeeze %dma_wait3A_2905 : memref<1x512x64xf32, #tpu.memory_space<vmem>> -> memref<512x64xf32, #tpu.memory_space<vmem>>
    tpu.wait_dma2 semaphore(%dma_wait3A_2899 : memref<!tpu.dma_semaphore, #tpu.memory_space<semaphore_mem>>) src(%dma_wait3A_2906 : memref<512x64xf32, #tpu.memory_space<vmem>>) dst(%dma_wait3A_2902 : memref<512x64xf32, #tpu.memory_space<hbm>>)
    %mul3A_2907 = arith.constant 9 : i32
    %mul3A_2908 = arith.muli %add3A, %mul3A_2907 : i32
    %add3A_2909 = arith.constant 8 : i32
    %add3A_2910 = arith.addi %mul3A_2908, %add3A_2909 : i32
    %jit3A_2911 = arith.constant 36 : i32
    %div3A_2912 = arith.divsi %add3A_2910, %jit3A_2911 : i32
    %sign3A_2913 = arith.constant 0 : i32
    %sign3A_2914 = arith.cmpi sgt, %add3A_2910, %sign3A_2913 : i32
    %sign3A_2915 = arith.extui %sign3A_2914 : i1 to i32
    %sign3A_2916 = arith.constant 0 : i32
    %sign3A_2917 = arith.cmpi slt, %add3A_2910, %sign3A_2916 : i32
    %sign3A_2918 = arith.extui %sign3A_2917 : i1 to i32
    %sign3A_2919 = arith.subi %sign3A_2915, %sign3A_2918 : i32
    %sign3A_2920 = arith.constant 0 : i32
    %sign3A_2921 = arith.cmpi sgt, %jit3A_2911, %sign3A_2920 : i32
    %sign3A_2922 = arith.extui %sign3A_2921 : i1 to i32
    %sign3A_2923 = arith.constant 0 : i32
    %sign3A_2924 = arith.cmpi slt, %jit3A_2911, %sign3A_2923 : i32
    %sign3A_2925 = arith.extui %sign3A_2924 : i1 to i32
    %sign3A_2926 = arith.subi %sign3A_2922, %sign3A_2925 : i32
    %ne3A_2927 = arith.cmpi ne, %sign3A_2919, %sign3A_2926 : i32
    %rem3A_2928 = arith.remsi %add3A_2910, %jit3A_2911 : i32
    %ne3A_2929 = arith.constant 0 : i32
    %ne3A_2930 = arith.cmpi ne, %rem3A_2928, %ne3A_2929 : i32
    %and3A_2931 = arith.andi %ne3A_2927, %ne3A_2930 : i1
    %sub3A_2932 = arith.constant 1 : i32
    %sub3A_2933 = arith.subi %div3A_2912, %sub3A_2932 : i32
    %select_n3A_2934 = arith.select %and3A_2931, %sub3A_2933, %div3A_2912 : i32
    %jit3A_2935 = arith.constant 12 : i32
    %div3A_2936 = arith.divsi %add3A_2910, %jit3A_2935 : i32
    %sign3A_2937 = arith.constant 0 : i32
    %sign3A_2938 = arith.cmpi sgt, %add3A_2910, %sign3A_2937 : i32
    %sign3A_2939 = arith.extui %sign3A_2938 : i1 to i32
    %sign3A_2940 = arith.constant 0 : i32
    %sign3A_2941 = arith.cmpi slt, %add3A_2910, %sign3A_2940 : i32
    %sign3A_2942 = arith.extui %sign3A_2941 : i1 to i32
    %sign3A_2943 = arith.subi %sign3A_2939, %sign3A_2942 : i32
    %sign3A_2944 = arith.constant 0 : i32
    %sign3A_2945 = arith.cmpi sgt, %jit3A_2935, %sign3A_2944 : i32
    %sign3A_2946 = arith.extui %sign3A_2945 : i1 to i32
    %sign3A_2947 = arith.constant 0 : i32
    %sign3A_2948 = arith.cmpi slt, %jit3A_2935, %sign3A_2947 : i32
    %sign3A_2949 = arith.extui %sign3A_2948 : i1 to i32
    %sign3A_2950 = arith.subi %sign3A_2946, %sign3A_2949 : i32
    %ne3A_2951 = arith.cmpi ne, %sign3A_2943, %sign3A_2950 : i32
    %rem3A_2952 = arith.remsi %add3A_2910, %jit3A_2935 : i32
    %ne3A_2953 = arith.constant 0 : i32
    %ne3A_2954 = arith.cmpi ne, %rem3A_2952, %ne3A_2953 : i32
    %and3A_2955 = arith.andi %ne3A_2951, %ne3A_2954 : i1
    %sub3A_2956 = arith.constant 1 : i32
    %sub3A_2957 = arith.subi %div3A_2936, %sub3A_2956 : i32
    %select_n3A_2958 = arith.select %and3A_2955, %sub3A_2957, %div3A_2936 : i32
    %jit3A_2959 = arith.constant 3 : i32
    %eq3A_2960 = arith.constant 0 : i32
    %eq3A_2961 = arith.cmpi eq, %jit3A_2959, %eq3A_2960 : i32
    %jit3A_2962 = arith.constant 1 : i32
    %select_n3A_2963 = arith.select %eq3A_2961, %jit3A_2962, %jit3A_2959 : i32
    %rem3A_2964 = arith.remsi %select_n3A_2958, %select_n3A_2963 : i32
    %ne3A_2965 = arith.constant 0 : i32
    %ne3A_2966 = arith.cmpi ne, %rem3A_2964, %ne3A_2965 : i32
    %lt3A_2967 = arith.constant 0 : i32
    %lt3A_2968 = arith.cmpi slt, %rem3A_2964, %lt3A_2967 : i32
    %lt3A_2969 = arith.constant 0 : i32
    %lt3A_2970 = arith.cmpi slt, %select_n3A_2963, %lt3A_2969 : i32
    %ne3A_2971 = arith.xori %lt3A_2968, %lt3A_2970 : i1
    %and3A_2972 = arith.andi %ne3A_2971, %ne3A_2966 : i1
    %add3A_2973 = arith.addi %rem3A_2964, %select_n3A_2963 : i32
    %select_n3A_2974 = arith.select %and3A_2972, %add3A_2973, %rem3A_2964 : i32
    %jit3A_2975 = arith.constant 12 : i32
    %eq3A_2976 = arith.constant 0 : i32
    %eq3A_2977 = arith.cmpi eq, %jit3A_2975, %eq3A_2976 : i32
    %jit3A_2978 = arith.constant 1 : i32
    %select_n3A_2979 = arith.select %eq3A_2977, %jit3A_2978, %jit3A_2975 : i32
    %rem3A_2980 = arith.remsi %add3A_2910, %select_n3A_2979 : i32
    %ne3A_2981 = arith.constant 0 : i32
    %ne3A_2982 = arith.cmpi ne, %rem3A_2980, %ne3A_2981 : i32
    %lt3A_2983 = arith.constant 0 : i32
    %lt3A_2984 = arith.cmpi slt, %rem3A_2980, %lt3A_2983 : i32
    %lt3A_2985 = arith.constant 0 : i32
    %lt3A_2986 = arith.cmpi slt, %select_n3A_2979, %lt3A_2985 : i32
    %ne3A_2987 = arith.xori %lt3A_2984, %lt3A_2986 : i1
    %and3A_2988 = arith.andi %ne3A_2987, %ne3A_2982 : i1
    %add3A_2989 = arith.addi %rem3A_2980, %select_n3A_2979 : i32
    %select_n3A_2990 = arith.select %and3A_2988, %add3A_2989, %rem3A_2980 : i32
    %mul3A_2991 = arith.constant 512 : i32
    %mul3A_2992 = arith.muli %select_n3A_2990, %mul3A_2991 : i32
    %mul3A_2993 = arith.constant 512 : i32
    %mul3A_2994 = arith.muli %select_n3A_2990, %mul3A_2993 : i32
    %dma_wait3A_2995 = arith.constant 0 : i32
    %dma_wait3A_2996 = arith.constant 0 : i32
    %dma_wait3A_2997 = arith.constant 0 : i32
    %dma_wait3A_2998 = arith.constant 0 : i32
    %dma_wait3A_2999 = tpu.memref_slice %arg4[%dma_wait3A_2995, %dma_wait3A_2997, %dma_wait3A_2998] : memref<2x512x64xf32, #tpu.memory_space<vmem>> -> memref<1x512x64xf32, #tpu.memory_space<vmem>>
    %dma_wait3A_3000 = tpu.memref_squeeze %dma_wait3A_2999 : memref<1x512x64xf32, #tpu.memory_space<vmem>> -> memref<512x64xf32, #tpu.memory_space<vmem>>
    %dma_wait3A_3001 = arith.constant 0 : i32
    %dma_wait3A_3002 = tpu.memref_slice %arg3[%select_n3A_2934, %select_n3A_2974, %mul3A_2994, %dma_wait3A_3001] : memref<8x3x6144x64xf32, #tpu.memory_space<hbm>> -> memref<1x1x512x64xf32, #tpu.memory_space<hbm>>
    %dma_wait3A_3003 = tpu.memref_squeeze %dma_wait3A_3002 : memref<1x1x512x64xf32, #tpu.memory_space<hbm>> -> memref<512x64xf32, #tpu.memory_space<hbm>>
    %dma_wait3A_3004 = tpu.memref_slice %arg6[%dma_wait3A_2996] : memref<2x!tpu.dma_semaphore, #tpu.memory_space<semaphore_mem>> -> memref<1x!tpu.dma_semaphore, #tpu.memory_space<semaphore_mem>>
    %dma_wait3A_3005 = tpu.memref_squeeze %dma_wait3A_3004 : memref<1x!tpu.dma_semaphore, #tpu.memory_space<semaphore_mem>> -> memref<!tpu.dma_semaphore, #tpu.memory_space<semaphore_mem>>
    %dma_wait3A_3006 = arith.constant 0 : i32
    %dma_wait3A_3007 = tpu.memref_slice %arg3[%select_n3A_2934, %select_n3A_2974, %mul3A_2994, %dma_wait3A_3006] : memref<8x3x6144x64xf32, #tpu.memory_space<hbm>> -> memref<1x1x512x64xf32, #tpu.memory_space<hbm>>
    %dma_wait3A_3008 = tpu.memref_squeeze %dma_wait3A_3007 : memref<1x1x512x64xf32, #tpu.memory_space<hbm>> -> memref<512x64xf32, #tpu.memory_space<hbm>>
    %dma_wait3A_3009 = arith.constant 0 : i32
    %dma_wait3A_3010 = arith.constant 0 : i32
    %dma_wait3A_3011 = tpu.memref_slice %arg4[%dma_wait3A_2995, %dma_wait3A_3009, %dma_wait3A_3010] : memref<2x512x64xf32, #tpu.memory_space<vmem>> -> memref<1x512x64xf32, #tpu.memory_space<vmem>>
    %dma_wait3A_3012 = tpu.memref_squeeze %dma_wait3A_3011 : memref<1x512x64xf32, #tpu.memory_space<vmem>> -> memref<512x64xf32, #tpu.memory_space<vmem>>
    tpu.wait_dma2 semaphore(%dma_wait3A_3005 : memref<!tpu.dma_semaphore, #tpu.memory_space<semaphore_mem>>) src(%dma_wait3A_3012 : memref<512x64xf32, #tpu.memory_space<vmem>>) dst(%dma_wait3A_3008 : memref<512x64xf32, #tpu.memory_space<hbm>>)
    return
  }
}

</mosaic_0001>

<sc_bundles>
// kernel: kernel.3.cloned.1.call-start
scs
__scs_entry_jumppad:
0x0: {  	(pc) =	sbr.rel $0x88, $3  }
0x1: {  	(tag) =	ssettag $0x0;
	lr =	simm.s32 $0x1  }
0x2: {  	[smem:$0x3FA0] =	sst lr;
	_ =	strace $0xD0000000  }
0x3: {  	_ = 	snop  }
0x4: {  	_ = 	snop  }
0x5: {  	_ = 	snop  }
0x6: {  	_ = 	snop  }
0x7: {  	_ = 	snop  }
__scs_overlays_trampoline_lowered:
0x8: {  	[smem:$0x3FAF] =	sst s0  }
0x9: {  	[smem:$0x3FB0] =	sst s1  }
0xa: {  	[smem:$0x3FB1] =	sst s2  }
0xb: {  	[smem:$0x3FB2] =	sst s3  }
0xc: {  	[smem:$0x3FB3] =	sst s4  }
0xd: {  	[smem:$0x3FB4] =	sst s5  }
0xe: {  	[smem:$0x3FB5] =	sst s6  }
0xf: {  	[smem:$0x3FB6] =	sst s7  }
0x10: {  	[smem:$0x3FB7] =	sst s8  }
0x11: {  	[smem:$0x3FB8] =	sst s9;
	s0 =	simm.s32 @!p0 $0x0  }
0x12: {  	s1 =	sld [smem:$0x3F9E];
	s0 =	simm.s32 @p0 $0x1  }
0x13: {  	[smem:$0x3FB9] =	sst s0;
	s0 =	simm.s32 @!p1 $0x0  }
0x14: {  	s2 =	sld [smem:$0x3F9D];
	s0 =	simm.s32 @p1 $0x1  }
0x15: {  	[smem:$0x3FBA] =	sst s0;
	s0 =	simm.s32 @!p2 $0x0  }
0x16: {  	s3 =	sld [smem:$0x3FDB];
	s0 =	simm.s32 @p2 $0x1  }
0x17: {  	s4 =	simm.s32 $0x1BF5;
	[smem:$0x3FBC] =	sst s0  }
0x18: {  	s0 =	sld [smem:$0x3F9F];
	_ =	swait.ge [sflag:s4], $0x0  }
0x19: {  	s7 =	sld [smem:$0x3FA0]  }
0x1a: {  	s8 =	sadd.s32 $0xFFFFE003, lr  }
0x1b: {  	s9 =	sadd.s32 $0xFFFFFEF7, lr;
	s5 =	simm.s32 $0xFFFFFFFF;
	p2 =	slt.u32 s8, $0xFFFFF086  }
0x1c: {  	p1 =	slt.u32 s9, $0xF7A;
	s5 =	simm.s32 @!p2 $0x0  }
0x1d: {  	s5 =	simm.s32 @p1 $0x1;
	p0 =	seq.s32 s7, s2  }
0x1e: {  	s7 =	smul.u32 @!p0 $0xF7A, s2;
	p2 =	seq.s32 @!p0 s5, $0x0  }
0x1f: {  	s9 =	smul.u32 $0xF7A, s1;
	s8 =	simm.s32 @!p0 $0x1BF5;
	p2 =	por !p2, p0  }
0x20: {  	[sflag:s8] =	ssyncset.s32 @!p0 $0xFFFFF086;
	s6 =	sadd.s32 @!p0 s3, s7;
	s7 =	simm.s32 @!p0 $0x108  }
0x21: {  	s3 =	sadd.s32 s3, s9;
	s6 =	sadd.s32 @!p0 $0x88, s6;
	s7 =	simm.s32 @p2 $0x1082  }
0x22: {  	[simem:s7], [sflag:s8] =	dma.local @!p0 [hbm:s6], $0xF7A  }
0x23: {  	s9 =	sor.u32 $0xD0000000, s2;
	s6 =	simm.s32 $0x108;
	_ =	swait.ge @!p0 [sflag:s8], $0x0  }
0x24: {  	s3 =	sadd.s32 $0x88, s3;
	s6 =	simm.s32 @!p1 $0x1082;
	[sflag:s4] =	ssyncset.s32 $0xFFFFF086  }
0x25: {  	[simem:s6], [sflag:s4] =	dma.local [hbm:s3], $0xF7A  }
0x26: {  	[smem:$0x3FA0] =	sst s1;
	(tag) =	ssettag s2;
	_ =	strace s9  }
0x27: {  	s1 =	sld [smem:$0x3FB0]  }
0x28: {  	s2 =	sld [smem:$0x3FB1]  }
0x29: {  	s4 =	sld [smem:$0x3FB3]  }
0x2a: {  	p0 =	seq.s32 s5, $0x0;
	s5 =	sld [smem:$0x3FB4]  }
0x2b: {  	s6 =	sld [smem:$0x3FB5]  }
0x2c: {  	s7 =	sld [smem:$0x3FB6]  }
0x2d: {  	s3 =	simm.s32 $0x108;
	s8 =	sld [smem:$0x3FB7]  }
0x2e: {  	s3 =	simm.s32 @!p0 $0x1082;
	s9 =	sld [smem:$0x3FB8]  }
0x2f: {  	lr =	sadd.s32 s0, s3;
	s0 =	sld [smem:$0x3FAF]  }
0x30: {  	s3 =	sld [smem:$0x3FB2]  }
0x31: {  	[smem:$0x3FBB] =	sst s10  }
0x32: {  	s10 =	sld [smem:$0x3FB9];
	_ =	sdelay $0x3  }
0x33: {  	p0 =	seq.s32 s10, $0x1;
	s10 =	sld [smem:$0x3FBB];
	_ =	sdelay $0x3  }
0x34: {  	[smem:$0x3FBB] =	sst s10  }
0x35: {  	s10 =	sld [smem:$0x3FBA];
	_ =	sdelay $0x3  }
0x36: {  	p1 =	seq.s32 s10, $0x1;
	s10 =	sld [smem:$0x3FBB];
	_ =	sdelay $0x3  }
0x37: {  	[smem:$0x3FBB] =	sst s10  }
0x38: {  	s10 =	sld [smem:$0x3FBC]  }
0x39: {  	_ = 	snop;
	(pc) =	sbr.ind lr, $3  }
0x3a: {  	_ = 	snop  }
0x3b: {  	_ = 	snop  }
0x3c: {  	p2 =	seq.s32 s10, $0x1;
	s10 =	sld [smem:$0x3FBB]  }
0x3d: {  	_ =	shalt  }
0x3e: {  	_ =	shalt  }
0x3f: {  	_ =	shalt  }
0x40: {  	_ =	shalt  }
0x41: {  	_ =	shalt  }
0x42: {  	_ =	shalt  }
0x43: {  	_ =	shalt  }
0x44: {  	_ =	shalt  }
0x45: {  	_ =	shalt  }
0x46: {  	_ =	shalt  }
0x47: {  	_ =	shalt  }
0x48: {  	_ =	shalt  }
0x49: {  	_ =	shalt  }
0x4a: {  	_ =	shalt  }
0x4b: {  	_ =	shalt  }
0x4c: {  	_ =	shalt  }
0x4d: {  	_ =	shalt  }
0x4e: {  	_ =	shalt  }
0x4f: {  	_ =	shalt  }
0x50: {  	_ =	shalt  }
0x51: {  	_ =	shalt  }
0x52: {  	_ =	shalt  }
0x53: {  	_ =	shalt  }
0x54: {  	_ =	shalt  }
0x55: {  	_ =	shalt  }
0x56: {  	_ =	shalt  }
0x57: {  	_ =	shalt  }
0x58: {  	_ =	shalt  }
0x59: {  	_ =	shalt  }
0x5a: {  	_ =	shalt  }
0x5b: {  	_ =	shalt  }
0x5c: {  	_ =	shalt  }
0x5d: {  	_ =	shalt  }
0x5e: {  	_ =	shalt  }
0x5f: {  	_ =	shalt  }
0x60: {  	_ =	shalt  }
0x61: {  	_ =	shalt  }
0x62: {  	_ =	shalt  }
0x63: {  	_ =	shalt  }
0x64: {  	_ =	shalt  }
0x65: {  	_ =	shalt  }
0x66: {  	_ =	shalt  }
0x67: {  	_ =	shalt  }
0x68: {  	_ =	shalt  }
0x69: {  	_ =	shalt  }
0x6a: {  	_ =	shalt  }
0x6b: {  	_ =	shalt  }
0x6c: {  	_ =	shalt  }
0x6d: {  	_ =	shalt  }
0x6e: {  	_ =	shalt  }
0x6f: {  	_ =	shalt  }
0x70: {  	_ =	shalt  }
0x71: {  	_ =	shalt  }
0x72: {  	_ =	shalt  }
0x73: {  	_ =	shalt  }
0x74: {  	_ =	shalt  }
0x75: {  	_ =	shalt  }
0x76: {  	_ =	shalt  }
0x77: {  	_ =	shalt  }
0x78: {  	_ =	shalt  }
0x79: {  	_ =	shalt  }
0x7a: {  	_ =	shalt  }
0x7b: {  	_ =	shalt  }
0x7c: {  	_ =	shalt  }
0x7d: {  	_ =	shalt  }
0x7e: {  	_ =	shalt  }
0x7f: {  	_ =	shalt  }
0x80: {  	_ =	shalt  }
0x81: {  	_ =	shalt  }
0x82: {  	_ =	shalt  }
0x83: {  	_ =	shalt  }
0x84: {  	_ =	shalt  }
0x85: {  	_ =	shalt  }
0x86: {  	_ =	shalt  }
0x87: {  	_ =	shalt  }
.Lfunc_end0:
.L_simem_size_0:
called_computation.1_lowered:
.L_overlay_start_0:
0x88: {  	s2 =	sld [smem:$0x3FD9]  }
0x89: {  	s3 =	sld [smem:$0x3FFE];
	_ =	sdelay $0x1  }
0x8a: {  	s1 =	srdreg.scid  }
0x8b: {  	s0 =	sand.u32 $0x1, s1  }
0x8c: {  	s16 =	sshll.u32 s0, $0xA;
	s2 =	sadd.s32 s3, s2  }
0x8d: {  	s2 =	sadd.s32 s2, s16  }
0x8e: {  	[smem:$0x3FC7] =	sst s2  }
0x8f: {  	_ = 	snop  }
0x90: {  	(tm) =	ssettm $0x1  }
0x91: {  	s17 =	sld [smem:$0x3FFB];
	_ =	sdelay $0x3  }
0x92: {  	_ =	strace s17  }
0x93: {  	s2 =	sld [smem:$0x3FFC];
	_ =	sdelay $0x3  }
0x94: {  	_ =	strace s2  }
0x95: {  	s2 =	sld [smem:$0x3FFD];
	_ =	sdelay $0x3  }
0x96: {  	_ =	strace s2  }
0x97: {  	_ =	strace $0x8FFFFFFF  }
0x98: {  	s18 =	sld [smem:$0x3FDB];
	_ =	sdelay $0x1  }
0x99: {  	s19 =	simm.s32 $_scs_section_size  }
0x9a: {  	s4 =	simm.s32 $_size__tile_overlayer_lowered;
	s5 =	simm.s32 $_tile_overlayer_lowered  }
0x9b: {  	s22 =	simm.s32 $0x1BFF;
	s21 =	sshll.u32 s5, $0x1;
	s2 =	sadd.s32 s19, s18  }
0x9c: {  	s6 =	simm.s32 $0x0;
	s20 =	sshll.u32 s4, $0x1;
	s4 =	sadd.s32 s21, s2  }
0x9d: {  	[timem:s6], [sflag:s22] =	dma.local [hbm:s4], s20  }
0x9e: {  	_ =	swait.ge [sflag:s22], s20  }
0x9f: {  	s3 =	ssub.s32 $0x0, s20;
	[sflag:s22] =	ssyncset.done $0x0  }
0xa0: {  	[sflag:s22] =	ssyncadd.s32 s3;
	_ =	sdelay $0x1  }
0xa1: {  	s23 =	simm.s32 $0x1B8B  }
0xa2: {  	_ =	swait.ge [sflag:s23], $0x1  }
0xa3: {  	[sflag:s23] =	ssyncset.done $0x0  }
0xa4: {  	s25 =	simm.s32 $0x1B8E;
	s24 =	sld [smem:$0x3FFE];
	[sflag:s23] =	ssyncadd.s32 $0xFFFFFFFF  }
0xa5: {  	s26 =	simm.s32 $execute0_lowered;
	[smem:$0x3FD2] =	sst s25  }
0xa6: {  	s4 =	sshll.u32 s26, $0x1;
	_ =	strace $0x80000046;
	[dreg:$0x1] =	wrdreg $0xFFFFFFFF  }
0xa7: {  	s28 =	simm.s32 $_size_execute0_lowered;
	s2 =	sadd.s32 s2, s4;
	[dreg:$0x0] =	wrdreg $0x0  }
0xa8: {  	s4 =	sshll.u32 s28, $0x1;
	[dreg:$0x2] =	wrdreg s2  }
0xa9: {  	[dreg:$0x3] =	wrdreg s4  }
0xaa: {  	[dreg:$0x4] =	wrdreg $0xC0  }
0xab: {  	_ =	task [dreg:s6], $0x5FFFF  }
0xac: {  	[dreg:$0x1] =	wrdreg $0xFFFFFFFF  }
0xad: {  	[dreg:$0x0] =	wrdreg $0x60  }
0xae: {  	[dreg:$0x2] =	wrdreg s24  }
0xaf: {  	[dreg:$0x3] =	wrdreg $0x9  }
0xb0: {  	_ =	task.clear_ibuf [dreg:s6], $0x4FFFF;
	_ =	strace $0x90000046  }
0xb1: {  	s29 =	simm.s32 $0x9;
	_ =	strace $0x80000048  }
0xb2: {  	_ =	swait.ge [sflag:s29], $0x1  }
0xb3: {  	[sflag:s29] =	ssyncadd.s32 $0xFFFFFFFF  }
0xb4: {  	_ =	strace $0x90000048  }
0xb5: {  	_ =	sfence  }
0xb6: {  	s30 =	sld [smem:$0x0];
	_ =	sdelay $0x2  }
0xb7: {  	s31 =	sshll.u32 s1, $0xD;
	s1 =	sshrl.u32 s1, $0x2  }
0xb8: {  	s3 =	sand.u32 $0x4000, s31;
	s1 =	sadd.s32 s1, s30  }
0xb9: {  	s0 =	sor.u32 s3, s0;
	s1 =	sshll.u32 s1, $0x11  }
0xba: {  	s0 =	sor.u32 s1, s0  }
0xbb: {  	s0 =	sadd.s32 $0x8F2B, s0  }
0xbc: {  	[sflag:s0] =	ssyncadd.remote.s32 $0x1  }
0xbd: {  	_ =	sfence.sel $0xFFFF  }
0xbe: {  	[dreg:$0x0] =	wrdreg $0xFFFFFFFF;
	(pc) =	sbr.abs _section_cstart, $3  }
0xbf: {  	[dreg:$0x1] =	wrdreg $0xFFFFFFFF  }
0xc0: {  	_ =	task.clear_ibuf [dreg:s6], $0x2FFFF;
	_ =	strace $0x9FFFFFFF  }
0xc1: {  	(tm) =	ssettm $0x7FFFFFFF  }
tec
execute0_lowered:
.L_overlay_start_1:
0x0: {  	(tag) =	ssettag $0x1  }
0x1: {  	s0 =	stileid.u32  }
0x2: {  	s1 =	srdreg.scid;
	s10 =	sshrl.u32 s0, $0x1  }
0x3: {  	s12 =	sand.u32 $0x1, s1;
	s15 =	sshll.u32 s0, $0x1;
	s16 =	smul.u32 $0xC0000, s10  }
0x4: {  	s3 =	sor.u32 s12, s15;
	s10 =	smul.u32 $0x240000, s10  }
0x5: {  	s19 =	smul.u32 $0xC006, s3  }
0x6: {  	s22 =	smul.u32 $0x9, s3  }
0x7: {  	s23 =	smul.u32 $0x4005, s3;
	s5 =	sshrl.u32 s19, $0x10  }
0x8: {  	s7 =	sadd.s32 $0x1556, s19;
	s6 =	smul.u32 $0xAB, s5  }
0x9: {  	s13 =	sadd.s32 $0x2AAC, s19;
	s8 =	smul.u32 $0xC, s5;
	s7 =	sshrl.u32 s7, $0x10  }
0xa: {  	s4 =	rddreg [dreg:$0x0];
	s13 =	sshrl.u32 s13, $0x10;
	s9 =	smul.u32 $0xAB, s7  }
0xb: {  	s2 =	simm.s32 $0x0;
	s14 =	smul.u32 $0xAB, s13;
	s6 =	sshrl.u32 s6, $0x9  }
0xc: {  	[smem:$0x7FF] =	sst s2;
	s28 =	smul.u32 $0xC, s13;
	s6 =	sand.u32 $0x7F, s6  }
0xd: {  	s17 =	sadd.s32 $0x800, s4;
	s9 =	sshrl.u32 s9, $0x9;
	s6 =	smul.u32 $0x3, s6  }
0xe: {  	s21 =	sadd.s32 $0x71D, s23;
	s25 =	sshrl.u32 s14, $0x9;
	s18 =	smul.u32 $0x3, s9  }
0xf: {  	_ =	strace $0x80000047;
	s9 =	sshrl.u32 s21, $0x10;
	s26 =	smul.u32 $0x3, s25  }
0x10: {  	s15 =	sadd.s32 $0x240800, s4;
	s31 =	sadd.s32 $0xE3A, s23;
	s11 =	smul.u32 $0xC0000, s9  }
0x11: {  	s8 =	ssub.s32 s22, s8;
	s14 =	sshrl.u32 s31, $0x10;
	s9 =	smul.u32 $0x240000, s9  }
0x12: {  	s5 =	ssub.s32 s5, s6;
	s6 =	ssub.s32 s7, s18;
	s7 =	smul.u32 $0xC, s7  }
0x13: {  	s29 =	sadd.s32 $0x4002, s19;
	s8 =	sshll.u32 s8, $0x10;
	s18 =	smul.u32 $0xC0000, s14  }
0x14: {  	s4 =	sadd.s32 s16, s8;
	s14 =	smul.u32 $0x240000, s14;
	s5 =	sand.u32 $0xFF, s5  }
0x15: {  	s8 =	sadd.s32 s10, s8;
	s6 =	sand.u32 $0xFF, s6;
	s20 =	smul.u32 $0x600000, s5  }
0x16: {  	s10 =	ssub.s32 s22, s28;
	s25 =	sadd.s32 $0x5558, s19;
	s24 =	smul.u32 $0x600000, s6  }
0x17: {  	s0 =	sshll.u32 s10, $0x10;
	s7 =	ssub.s32 s22, s7;
	s5 =	smul.u32 $0xC0000, s5  }
0x18: {  	s6 =	smul.u32 $0xC0000, s6;
	s7 =	sshll.u32 s7, $0x10;
	s3 =	sadd.s32 s20, s4  }
0x19: {  	s7 =	sadd.s32 $0x10000, s7;
	s5 =	sadd.s32 s5, s8;
	s8 =	ssub.s32 s13, s26  }
0x1a: {  	s20 =	sadd.s32 $0x20000, s0;
	s26 =	sadd.s32 $0x1557, s23;
	s3 =	sshrl.u32 s3, $0x3  }
0x1b: {  	s11 =	sadd.s32 s11, s7;
	s5 =	sshrl.u32 s5, $0x3;
	s8 =	sand.u32 $0xFF, s8  }
0x1c: {  	s7 =	sadd.s32 s9, s7;
	s21 =	sshrl.u32 s26, $0x10;
	s30 =	smul.u32 $0x600000, s8  }
0x1d: {  	s9 =	sadd.s32 s6, s7;
	s7 =	sadd.s32 s18, s20;
	s18 =	smul.u32 $0xC0000, s8  }
0x1e: {  	s4 =	sadd.s32 s24, s11;
	s11 =	sshrl.u32 s29, $0x10;
	s24 =	smul.u32 $0xC0000, s21  }
0x1f: {  	s3 =	sadd.s32 s17, s3;
	s8 =	sshrl.u32 s25, $0x10;
	s16 =	smul.u32 $0xAB, s11  }
0x20: {  	[tilespmem:s2], [sflag:$0x1] =	stream.linear.gather [hbm4b:s3+s2], $0x10000, $0x38;
	v63 =	vld [tilespmem:$0x0]  }
0x21: {  	s14 =	sadd.s32 s14, s20;
	s28 =	smul.u32 $0xAB, s8;
	s1 =	sshrl.u32 s16, $0x9  }
0x22: {  	s5 =	sadd.s32 s15, s5;
	s4 =	sshrl.u32 s4, $0x3;
	s16 =	smul.u32 $0x3, s1  }
0x23: {  	s6 =	simm.s32 $0x10000;
	s4 =	sadd.s32 s17, s4;
	s10 =	sadd.s32 s30, s7  }
0x24: {  	s30 =	sshrl.u32 s28, $0x9;
	s7 =	ssub.s32 s11, s16;
	s11 =	smul.u32 $0xC, s11  }
0x25: {  	[tilespmem:s6], [sflag:$0x2] =	stream.linear.gather [hbm4b:s4+s2], $0x10000, $0x38;
	v63 =	vld [tilespmem:$0x0]  }
0x26: {  	s25 =	sadd.s32 $0x1C74, s23;
	s31 =	smul.u32 $0x3, s30;
	s11 =	ssub.s32 s22, s11  }
0x27: {  	s1 =	smul.u32 $0x240000, s21;
	s7 =	sand.u32 $0xFF, s7;
	s11 =	sshll.u32 s11, $0x10  }
0x28: {  	s9 =	sshrl.u32 s9, $0x3;
	s29 =	smul.u32 $0x600000, s7;
	s11 =	sadd.s32 $0x30000, s11  }
0x29: {  	s21 =	smul.u32 $0xC0000, s7;
	s0 =	sadd.s32 s24, s11;
	s24 =	ssub.s32 s8, s31  }
0x2a: {  	s30 =	sadd.s32 $0x6AAE, s19;
	s8 =	smul.u32 $0xC, s8;
	s7 =	sand.u32 $0xFF, s24  }
0x2b: {  	s16 =	sadd.s32 s29, s0;
	s29 =	sshrl.u32 s25, $0x10;
	s26 =	smul.u32 $0x600000, s7  }
0x2c: {  	s13 =	sadd.s32 s18, s14;
	s25 =	sshrl.u32 s30, $0x10;
	s31 =	smul.u32 $0xC0000, s29  }
0x2d: {  	s9 =	sadd.s32 s15, s9;
	s13 =	sshrl.u32 s13, $0x3;
	s0 =	smul.u32 $0xAB, s25  }
0x2e: {  	s13 =	sadd.s32 s15, s13;
	s11 =	sadd.s32 s1, s11;
	s1 =	smul.u32 $0x240000, s29  }
0x2f: {  	s18 =	sadd.s32 s21, s11;
	s8 =	ssub.s32 s22, s8;
	s29 =	smul.u32 $0xC0000, s7  }
0x30: {  	s7 =	simm.s32 $0x1;
	s16 =	sshrl.u32 s16, $0x3;
	s18 =	sshrl.u32 s18, $0x3  }
0x31: {  	s8 =	sshll.u32 s8, $0x10;
	_ =	swait.ge [sflag:s7], $0x10000;
	s16 =	sadd.s32 s17, s16  }
0x32: {  	s18 =	sadd.s32 s15, s18;
	s8 =	sadd.s32 $0x40000, s8;
	s30 =	sshrl.u32 s0, $0x9  }
0x33: {  	s0 =	sadd.s32 $0x2391, s23;
	[sflag:s7] =	ssyncset.done $0x0;
	s28 =	sadd.s32 s31, s8  }
0x34: {  	s14 =	smul.u32 $0x3, s30;
	[sflag:s7] =	ssyncadd.s32 $0xFFFF0000;
	s8 =	sadd.s32 s1, s8  }
0x35: {  	[hbm4b:s5+s2] =	stream.linear.scatter [tilespmem:s2], [sflag:$0x3], $0x10000, $0x38;
	v63 =	vld [tilespmem:$0x0]  }
0x36: {  	s31 =	smul.u32 $0xC, s25;
	s20 =	sadd.s32 s26, s28;
	s24 =	sadd.s32 s29, s8  }
0x37: {  	s8 =	simm.s32 $0x2;
	s29 =	sadd.s32 $0x8004, s19;
	s19 =	sadd.s32 $0x955A, s19  }
0x38: {  	s14 =	ssub.s32 s25, s14;
	s25 =	sshrl.u32 s0, $0x10;
	s21 =	ssub.s32 s22, s31  }
0x39: {  	_ =	swait.ge [sflag:s8], $0x10000;
	s31 =	sadd.s32 $0x2AAE, s23;
	s24 =	sshrl.u32 s24, $0x3  }
0x3a: {  	s23 =	sadd.s32 $0x31CB, s23;
	s21 =	sshll.u32 s21, $0x10;
	s26 =	smul.u32 $0xC0000, s25  }
0x3b: {  	s14 =	sand.u32 $0xFF, s14;
	[sflag:s8] =	ssyncset.done $0x0;
	s1 =	sadd.s32 $0x50000, s21  }
0x3c: {  	s28 =	smul.u32 $0x600000, s14;
	[sflag:s8] =	ssyncadd.s32 $0xFFFF0000;
	s26 =	sadd.s32 s26, s1  }
0x3d: {  	[hbm4b:s9+s2] =	stream.linear.scatter [tilespmem:s6], [sflag:$0x4], $0x10000, $0x38;
	v63 =	vld [tilespmem:$0x0]  }
0x3e: {  	s25 =	smul.u32 $0x240000, s25;
	s21 =	sadd.s32 s28, s26;
	s26 =	sshrl.u32 s29, $0x10  }
0x3f: {  	s28 =	sshrl.u32 s10, $0x3;
	s10 =	simm.s32 $0x3;
	s29 =	smul.u32 $0xAB, s26  }
0x40: {  	s23 =	sshrl.u32 s23, $0x10;
	s25 =	sadd.s32 s25, s1;
	_ =	swait.ge [sflag:s10], $0x10000  }
0x41: {  	s11 =	sadd.s32 s17, s28;
	[sflag:s10] =	ssyncset.done $0x0;
	s30 =	sshrl.u32 s29, $0x9  }
0x42: {  	s21 =	sshrl.u32 s21, $0x3;
	[sflag:s10] =	ssyncadd.s32 $0xFFFF0000;
	s28 =	smul.u32 $0x3, s30  }
0x43: {  	[tilespmem:s2], [sflag:$0x1] =	stream.linear.gather [hbm4b:s11+s2], $0x10000, $0x38;
	v63 =	vld [tilespmem:$0x0]  }
0x44: {  	_ =	swait.ge [sflag:s7], $0x10000;
	s28 =	ssub.s32 s26, s28;
	s26 =	smul.u32 $0xC, s26  }
0x45: {  	s21 =	sadd.s32 s17, s21;
	s29 =	smul.u32 $0xC0000, s14;
	[sflag:s7] =	ssyncset.done $0x0  }
0x46: {  	s30 =	sshrl.u32 s31, $0x10;
	[sflag:s7] =	ssyncadd.s32 $0xFFFF0000;
	s0 =	ssub.s32 s22, s26  }
0x47: {  	[hbm4b:s13+s2] =	stream.linear.scatter [tilespmem:s2], [sflag:$0x3], $0x10000, $0x38;
	v63 =	vld [tilespmem:$0x0]  }
0x48: {  	s1 =	smul.u32 $0xC0000, s30;
	s25 =	sadd.s32 s29, s25;
	s14 =	sshll.u32 s0, $0x10  }
0x49: {  	s29 =	smul.u32 $0x240000, s30;
	s31 =	sadd.s32 $0x60000, s14;
	s14 =	simm.s32 $0x4  }
0x4a: {  	s30 =	sshrl.u32 s19, $0x10;
	s26 =	sand.u32 $0xFF, s28;
	_ =	swait.ge [sflag:s14], $0x10000  }
0x4b: {  	s25 =	sshrl.u32 s25, $0x3;
	s0 =	smul.u32 $0x600000, s26;
	[sflag:s14] =	ssyncset.done $0x0  }
0x4c: {  	s26 =	smul.u32 $0xC0000, s26;
	s28 =	sadd.s32 s1, s31;
	[sflag:s14] =	ssyncadd.s32 $0xFFFF0000  }
0x4d: {  	[tilespmem:s6], [sflag:$0x2] =	stream.linear.gather [hbm4b:s16+s2], $0x10000, $0x38;
	v63 =	vld [tilespmem:$0x0]  }
0x4e: {  	s1 =	sadd.s32 s0, s28;
	s0 =	smul.u32 $0xAB, s30;
	_ =	swait.ge [sflag:s8], $0x10000  }
0x4f: {  	s28 =	sadd.s32 s29, s31;
	s31 =	sshrl.u32 s20, $0x3;
	[sflag:s8] =	ssyncset.done $0x0  }
0x50: {  	s26 =	sadd.s32 s26, s28;
	s28 =	sshrl.u32 s0, $0x9;
	[sflag:s8] =	ssyncadd.s32 $0xFFFF0000  }
0x51: {  	[hbm4b:s18+s2] =	stream.linear.scatter [tilespmem:s6], [sflag:$0x4], $0x10000, $0x38;
	v63 =	vld [tilespmem:$0x0]  }
0x52: {  	s20 =	sadd.s32 s15, s24;
	s24 =	smul.u32 $0x3, s28;
	_ =	swait.ge [sflag:s10], $0x10000  }
0x53: {  	s19 =	sadd.s32 s17, s31;
	s31 =	smul.u32 $0xC0000, s23;
	[sflag:s10] =	ssyncset.done $0x0  }
0x54: {  	s24 =	ssub.s32 s30, s24;
	s30 =	smul.u32 $0xC, s30;
	[sflag:s10] =	ssyncadd.s32 $0xFFFF0000  }
0x55: {  	[tilespmem:s2], [sflag:$0x1] =	stream.linear.gather [hbm4b:s19+s2], $0x10000, $0x38;
	v63 =	vld [tilespmem:$0x0]  }
0x56: {  	s23 =	smul.u32 $0x240000, s23;
	s1 =	sshrl.u32 s1, $0x3;
	_ =	swait.ge [sflag:s7], $0x10000  }
0x57: {  	s0 =	sand.u32 $0xFF, s24;
	s28 =	ssub.s32 s22, s30;
	[sflag:s7] =	ssyncset.done $0x0  }
0x58: {  	s30 =	sadd.s32 $0x8, s22;
	s28 =	sshll.u32 s28, $0x10;
	[sflag:s7] =	ssyncadd.s32 $0xFFFF0000  }
0x59: {  	[hbm4b:s20+s2] =	stream.linear.scatter [tilespmem:s2], [sflag:$0x3], $0x10000, $0x38;
	v63 =	vld [tilespmem:$0x0]  }
0x5a: {  	s24 =	smul.u32 $0x600000, s0;
	s28 =	sadd.s32 $0x70000, s28;
	_ =	swait.ge [sflag:s14], $0x10000  }
0x5b: {  	s29 =	sadd.s32 s31, s28;
	s28 =	sadd.s32 s23, s28;
	[sflag:s14] =	ssyncset.done $0x0  }
0x5c: {  	s23 =	sadd.s32 s15, s25;
	s25 =	smul.u32 $0x1556, s30;
	[sflag:s14] =	ssyncadd.s32 $0xFFFF0000  }
0x5d: {  	[tilespmem:s6], [sflag:$0x2] =	stream.linear.gather [hbm4b:s21+s2], $0x10000, $0x38;
	v63 =	vld [tilespmem:$0x0]  }
0x5e: {  	s22 =	sadd.s32 s17, s1;
	_ =	swait.ge [sflag:s8], $0x10000  }
0x5f: {  	s29 =	sadd.s32 s24, s29;
	s31 =	sshrl.u32 s25, $0x10;
	[sflag:s8] =	ssyncset.done $0x0  }
0x60: {  	s25 =	smul.u32 $0xC0000, s0;
	s1 =	sshrl.u32 s29, $0x3;
	[sflag:s8] =	ssyncadd.s32 $0xFFFF0000  }
0x61: {  	[hbm4b:s23+s2] =	stream.linear.scatter [tilespmem:s6], [sflag:$0x4], $0x10000, $0x38;
	v63 =	vld [tilespmem:$0x0]  }
0x62: {  	s29 =	smul.u32 $0x71D, s30;
	s0 =	sand.u32 $0xFF, s31;
	_ =	swait.ge [sflag:s10], $0x10000  }
0x63: {  	s26 =	sshrl.u32 s26, $0x3;
	s0 =	smul.u32 $0xAB, s0;
	[sflag:s10] =	ssyncset.done $0x0  }
0x64: {  	s28 =	sadd.s32 s25, s28;
	s25 =	sadd.s32 s17, s1;
	[sflag:s10] =	ssyncadd.s32 $0xFFFF0000  }
0x65: {  	[tilespmem:s2], [sflag:$0x1] =	stream.linear.gather [hbm4b:s22+s2], $0x10000, $0x38;
	v63 =	vld [tilespmem:$0x0]  }
0x66: {  	s1 =	sshrl.u32 s29, $0x10;
	s29 =	smul.u32 $0xC, s31;
	_ =	swait.ge [sflag:s7], $0x10000  }
0x67: {  	s24 =	sadd.s32 s15, s26;
	s0 =	sshrl.u32 s0, $0x9;
	[sflag:s7] =	ssyncset.done $0x0  }
0x68: {  	s26 =	ssub.s32 s30, s29;
	s29 =	smul.u32 $0xC0000, s1;
	[sflag:s7] =	ssyncadd.s32 $0xFFFF0000  }
0x69: {  	[hbm4b:s24+s2] =	stream.linear.scatter [tilespmem:s2], [sflag:$0x3], $0x10000, $0x38;
	v63 =	vld [tilespmem:$0x0]  }
0x6a: {  	s28 =	sshrl.u32 s28, $0x3;
	s0 =	smul.u32 $0x3, s0;
	_ =	swait.ge [sflag:s14], $0x10000  }
0x6b: {  	s1 =	smul.u32 $0x240000, s1;
	s30 =	sshll.u32 s26, $0x10;
	[sflag:s14] =	ssyncset.done $0x0  }
0x6c: {  	s26 =	sadd.s32 s15, s28;
	s0 =	ssub.s32 s31, s0;
	[sflag:s14] =	ssyncadd.s32 $0xFFFF0000  }
0x6d: {  	[tilespmem:s6], [sflag:$0x2] =	stream.linear.gather [hbm4b:s25+s2], $0x10000, $0x38;
	v63 =	vld [tilespmem:$0x0]  }
0x6e: {  	s29 =	sadd.s32 s29, s30;
	s0 =	sand.u32 $0xFF, s0;
	_ =	swait.ge [sflag:s8], $0x10000  }
0x6f: {  	s1 =	sadd.s32 s1, s30;
	s31 =	smul.u32 $0x600000, s0;
	[sflag:s8] =	ssyncset.done $0x0  }
0x70: {  	s30 =	ssub.s32 $0x2, s12;
	s0 =	smul.u32 $0xC0000, s0;
	[sflag:s8] =	ssyncadd.s32 $0xFFFF0000  }
0x71: {  	[hbm4b:s26+s2] =	stream.linear.scatter [tilespmem:s6], [sflag:$0x4], $0x10000, $0x38;
	v63 =	vld [tilespmem:$0x0]  }
0x72: {  	s29 =	sadd.s32 s31, s29;
	s0 =	sadd.s32 s0, s1;
	_ =	swait.ge [sflag:s10], $0x10000  }
0x73: {  	s31 =	sshrl.u32 s30, $0x1;
	s29 =	sshrl.u32 s29, $0x3;
	[sflag:s10] =	ssyncset.done $0x0  }
0x74: {  	s0 =	sshrl.u32 s0, $0x3;
	s17 =	sadd.s32 s17, s29;
	[sflag:s10] =	ssyncadd.s32 $0xFFFF0000  }
0x75: {  	[tilespmem:s2], [sflag:$0x1] =	stream.linear.gather [hbm4b:s17+s2], $0x10000, $0x38;
	v63 =	vld [tilespmem:$0x0]  }
0x76: {  	s15 =	sadd.s32 s15, s0;
	s0 =	ssub.s32 s30, s31;
	_ =	swait.ge [sflag:s7], $0x10000  }
0x77: {  	s0 =	smax.u32 s0, $0x1;
	[sflag:s7] =	ssyncset.done $0x0  }
0x78: {  	p0 =	sne.s32 s0, $0x1;
	[sflag:s7] =	ssyncadd.s32 $0xFFFF0000  }
0x79: {  	[hbm4b:s15+s2] =	stream.linear.scatter [tilespmem:s2], [sflag:$0x3], $0x10000, $0x38;
	v63 =	vld [tilespmem:$0x0]  }
.Ltmp0:
0x7a: {  	_ =	swait.ge [sflag:s14], $0x10000;
	(pc) =	sbr.rel @!p0 .LBB2_2-.Ltmp0, $4  }
0x7b: {  	[sflag:s14] =	ssyncset.done $0x0  }
0x7c: {  	[sflag:s14] =	ssyncadd.s32 $0xFFFF0000  }
0x7d: {  	_ =	swait.ge [sflag:s10], $0x10000  }
0x7e: {  	s12 =	sadd.s32 $0xFFFFFFFF, s0;
	[sflag:s10] =	ssyncset.done $0x0  }
.LBB2_1:
0x7f: {  	p0 =	sne.s32 s12, $0x1;
	s12 =	sadd.s32 $0xFFFFFFFF, s12;
	[sflag:s10] =	ssyncadd.s32 $0xFFFF0000  }
0x80: {  	[tilespmem:s2], [sflag:$0x1] =	stream.linear.gather [hbm4b:s3+s2], $0x10000, $0x38;
	v63 =	vld [tilespmem:$0x0]  }
0x81: {  	_ = 	snop  }
0x82: {  	[tilespmem:s6], [sflag:$0x2] =	stream.linear.gather [hbm4b:s4+s2], $0x10000, $0x38;
	v63 =	vld [tilespmem:$0x0]  }
0x83: {  	_ =	swait.ge [sflag:s7], $0x10000  }
0x84: {  	[sflag:s7] =	ssyncset.done $0x0  }
0x85: {  	[sflag:s7] =	ssyncadd.s32 $0xFFFF0000  }
0x86: {  	[hbm4b:s5+s2] =	stream.linear.scatter [tilespmem:s2], [sflag:$0x3], $0x10000, $0x38;
	v63 =	vld [tilespmem:$0x0]  }
0x87: {  	_ =	swait.ge [sflag:s8], $0x10000  }
0x88: {  	[sflag:s8] =	ssyncset.done $0x0  }
0x89: {  	[sflag:s8] =	ssyncadd.s32 $0xFFFF0000  }
0x8a: {  	[hbm4b:s9+s2] =	stream.linear.scatter [tilespmem:s6], [sflag:$0x4], $0x10000, $0x38;
	v63 =	vld [tilespmem:$0x0]  }
0x8b: {  	_ =	swait.ge [sflag:s10], $0x10000  }
0x8c: {  	[sflag:s10] =	ssyncset.done $0x0  }
0x8d: {  	[sflag:s10] =	ssyncadd.s32 $0xFFFF0000  }
0x8e: {  	[tilespmem:s2], [sflag:$0x1] =	stream.linear.gather [hbm4b:s11+s2], $0x10000, $0x38;
	v63 =	vld [tilespmem:$0x0]  }
0x8f: {  	_ =	swait.ge [sflag:s7], $0x10000  }
0x90: {  	[sflag:s7] =	ssyncset.done $0x0  }
0x91: {  	[sflag:s7] =	ssyncadd.s32 $0xFFFF0000  }
0x92: {  	[hbm4b:s13+s2] =	stream.linear.scatter [tilespmem:s2], [sflag:$0x3], $0x10000, $0x38;
	v63 =	vld [tilespmem:$0x0]  }
0x93: {  	_ =	swait.ge [sflag:s14], $0x10000  }
0x94: {  	[sflag:s14] =	ssyncset.done $0x0  }
0x95: {  	[sflag:s14] =	ssyncadd.s32 $0xFFFF0000  }
0x96: {  	[tilespmem:s6], [sflag:$0x2] =	stream.linear.gather [hbm4b:s16+s2], $0x10000, $0x38;
	v63 =	vld [tilespmem:$0x0]  }
0x97: {  	_ =	swait.ge [sflag:s8], $0x10000  }
0x98: {  	[sflag:s8] =	ssyncset.done $0x0  }
0x99: {  	[sflag:s8] =	ssyncadd.s32 $0xFFFF0000  }
0x9a: {  	[hbm4b:s18+s2] =	stream.linear.scatter [tilespmem:s6], [sflag:$0x4], $0x10000, $0x38;
	v63 =	vld [tilespmem:$0x0]  }
0x9b: {  	_ =	swait.ge [sflag:s10], $0x10000  }
0x9c: {  	[sflag:s10] =	ssyncset.done $0x0  }
0x9d: {  	[sflag:s10] =	ssyncadd.s32 $0xFFFF0000  }
0x9e: {  	[tilespmem:s2], [sflag:$0x1] =	stream.linear.gather [hbm4b:s19+s2], $0x10000, $0x38;
	v63 =	vld [tilespmem:$0x0]  }
0x9f: {  	_ =	swait.ge [sflag:s7], $0x10000  }
0xa0: {  	[sflag:s7] =	ssyncset.done $0x0  }
0xa1: {  	[sflag:s7] =	ssyncadd.s32 $0xFFFF0000  }
0xa2: {  	[hbm4b:s20+s2] =	stream.linear.scatter [tilespmem:s2], [sflag:$0x3], $0x10000, $0x38;
	v63 =	vld [tilespmem:$0x0]  }
0xa3: {  	_ =	swait.ge [sflag:s14], $0x10000  }
0xa4: {  	[sflag:s14] =	ssyncset.done $0x0  }
0xa5: {  	[sflag:s14] =	ssyncadd.s32 $0xFFFF0000  }
0xa6: {  	[tilespmem:s6], [sflag:$0x2] =	stream.linear.gather [hbm4b:s21+s2], $0x10000, $0x38;
	v63 =	vld [tilespmem:$0x0]  }
0xa7: {  	_ =	swait.ge [sflag:s8], $0x10000  }
0xa8: {  	[sflag:s8] =	ssyncset.done $0x0  }
0xa9: {  	[sflag:s8] =	ssyncadd.s32 $0xFFFF0000  }
0xaa: {  	[hbm4b:s23+s2] =	stream.linear.scatter [tilespmem:s6], [sflag:$0x4], $0x10000, $0x38;
	v63 =	vld [tilespmem:$0x0]  }
0xab: {  	_ =	swait.ge [sflag:s10], $0x10000  }
0xac: {  	[sflag:s10] =	ssyncset.done $0x0  }
0xad: {  	[sflag:s10] =	ssyncadd.s32 $0xFFFF0000  }
0xae: {  	[tilespmem:s2], [sflag:$0x1] =	stream.linear.gather [hbm4b:s22+s2], $0x10000, $0x38;
	v63 =	vld [tilespmem:$0x0]  }
0xaf: {  	_ =	swait.ge [sflag:s7], $0x10000  }
0xb0: {  	[sflag:s7] =	ssyncset.done $0x0  }
0xb1: {  	[sflag:s7] =	ssyncadd.s32 $0xFFFF0000  }
0xb2: {  	[hbm4b:s24+s2] =	stream.linear.scatter [tilespmem:s2], [sflag:$0x3], $0x10000, $0x38;
	v63 =	vld [tilespmem:$0x0]  }
0xb3: {  	_ =	swait.ge [sflag:s14], $0x10000  }
0xb4: {  	[sflag:s14] =	ssyncset.done $0x0  }
0xb5: {  	[sflag:s14] =	ssyncadd.s32 $0xFFFF0000  }
0xb6: {  	[tilespmem:s6], [sflag:$0x2] =	stream.linear.gather [hbm4b:s25+s2], $0x10000, $0x38;
	v63 =	vld [tilespmem:$0x0]  }
0xb7: {  	_ =	swait.ge [sflag:s8], $0x10000  }
0xb8: {  	[sflag:s8] =	ssyncset.done $0x0  }
0xb9: {  	[sflag:s8] =	ssyncadd.s32 $0xFFFF0000  }
0xba: {  	[hbm4b:s26+s2] =	stream.linear.scatter [tilespmem:s6], [sflag:$0x4], $0x10000, $0x38;
	v63 =	vld [tilespmem:$0x0]  }
0xbb: {  	_ =	swait.ge [sflag:s10], $0x10000  }
0xbc: {  	[sflag:s10] =	ssyncset.done $0x0  }
0xbd: {  	[sflag:s10] =	ssyncadd.s32 $0xFFFF0000  }
0xbe: {  	[tilespmem:s2], [sflag:$0x1] =	stream.linear.gather [hbm4b:s17+s2], $0x10000, $0x38;
	v63 =	vld [tilespmem:$0x0]  }
0xbf: {  	_ =	swait.ge [sflag:s7], $0x10000  }
0xc0: {  	[sflag:s7] =	ssyncset.done $0x0  }
0xc1: {  	[sflag:s7] =	ssyncadd.s32 $0xFFFF0000  }
0xc2: {  	[hbm4b:s15+s2] =	stream.linear.scatter [tilespmem:s2], [sflag:$0x3], $0x10000, $0x38;
	v63 =	vld [tilespmem:$0x0]  }
.Ltmp1:
0xc3: {  	_ =	swait.ge [sflag:s14], $0x10000;
	(pc) =	sbr.rel @p0 .LBB2_1-.Ltmp1, $4  }
0xc4: {  	[sflag:s14] =	ssyncset.done $0x0  }
0xc5: {  	[sflag:s14] =	ssyncadd.s32 $0xFFFF0000  }
0xc6: {  	_ =	swait.ge [sflag:s10], $0x10000  }
0xc7: {  	[sflag:s10] =	ssyncset.done $0x0  }
.LBB2_2:
0xc8: {  	[sflag:s10] =	ssyncadd.s32 $0xFFFF0000  }
0xc9: {  	_ =	sfence.sel $0x180000  }
0xca: {  	[bflag:$0x0] =	sbarrier.arrive $0xFFFF  }
0xcb: {  	_ =	strace $0x90000047  }
0xcc: {  	s0 =	stileid.u32;
	[bflag:$0x2] =	sbarrier.arrive $0xFFFF  }
0xcd: {  	p0 =	sne.s32 s0, $0x0;
	s0 =	rddreg [dreg:$0x1]  }
0xce: {  	s0 =	sadd.s32 @!p0 $0x100000, s0  }
0xcf: {  	[sflag:s0] =	ssyncadd.tile.s32 @!p0 $0x1;
	_ =	shalt  }
.Lfunc_end2:
_tile_overlayer_lowered:
.L_overlay_start_2:
0xd0: {  	(tag) =	ssettag $0x2  }
0xd1: {  	s0 =	rddreg [dreg:$0x0];
	s2 =	stileid.u32  }
0xd2: {  	s1 =	rddreg [dreg:$0x1];
	p0 =	sne.s32 s2, $0x0  }
0xd3: {  	s3 =	rddreg [dreg:$0x2];
	[bflag:$0x3] =	sbarrier.arrive $0xFFFF;
	s2 =	simm.s32 @!p0 $0x1C05  }
0xd4: {  	[timem:s3], [sflag:s2] =	dma.local @!p0 [hbm:s0], s1  }
0xd5: {  	s0 =	simm.s32 @!p0 $0x5  }
0xd6: {  	_ =	swait.ge @!p0 [sflag:s0], s1  }
0xd7: {  	s1 =	ssub.s32 @!p0 $0x0, s1;
	[sflag:s0] =	ssyncset.done @!p0 $0x0  }
0xd8: {  	[sflag:s0] =	ssyncadd.s32 @!p0 s1  }
0xd9: {  	[bflag:$0x3] =	sbarrier.arrive $0xFFFF  }
0xda: {  	_ =	shalt  }

// kernel: sparse-core-data-format-call.cloned.1.call-start
scs
called_computation_lowered:
.L_overlay_start_0:
0x0: {  	s2 =	sld [smem:$0x3FD9]  }
0x1: {  	s3 =	sld [smem:$0x3FFE];
	_ =	sdelay $0x1  }
0x2: {  	s1 =	srdreg.scid  }
0x3: {  	s0 =	sand.u32 $0x1, s1  }
0x4: {  	s18 =	sshll.u32 s0, $0xA;
	s2 =	sadd.s32 s3, s2  }
0x5: {  	s2 =	sadd.s32 s2, s18  }
0x6: {  	[smem:$0x3FC7] =	sst s2  }
0x7: {  	_ = 	snop  }
0x8: {  	s2 =	sld [smem:$0x3FD0];
	(tm) =	ssettm $0x1  }
0x9: {  	s19 =	sld [smem:$0x3FFB];
	_ =	sdelay $0x3  }
0xa: {  	_ =	strace s19  }
0xb: {  	s3 =	sld [smem:$0x3FFC];
	_ =	sdelay $0x3  }
0xc: {  	_ =	strace s3  }
0xd: {  	s3 =	sld [smem:$0x3FFD];
	_ =	sdelay $0x3  }
0xe: {  	_ =	strace s3  }
0xf: {  	_ =	strace $0x8FFFFFFF  }
0x10: {  	s20 =	sld [smem:$0x3FDB];
	_ =	sdelay $0x1  }
0x11: {  	s4 =	simm.s32 $_scs_section_size  }
0x12: {  	s5 =	simm.s32 $_size__tile_overlayer_lowered;
	s6 =	simm.s32 $_tile_overlayer_lowered  }
0x13: {  	s23 =	simm.s32 $0x1BFF;
	s22 =	sshll.u32 s6, $0x1;
	s3 =	sadd.s32 s4, s20  }
0x14: {  	s7 =	simm.s32 $0x0;
	s21 =	sshll.u32 s5, $0x1;
	s5 =	sadd.s32 s22, s3  }
0x15: {  	[timem:s7], [sflag:s23] =	dma.local [hbm:s5], s21  }
0x16: {  	_ =	swait.ge [sflag:s23], s21  }
0x17: {  	s4 =	ssub.s32 $0x0, s21;
	[sflag:s23] =	ssyncset.done $0x0  }
0x18: {  	[sflag:s23] =	ssyncadd.s32 s4;
	_ =	sdelay $0x1  }
0x19: {  	s24 =	simm.s32 $0x1B8B  }
0x1a: {  	_ =	swait.ge [sflag:s24], $0x1  }
0x1b: {  	[sflag:s24] =	ssyncset.done $0x0  }
0x1c: {  	s26 =	simm.s32 $0x1B8E;
	s25 =	sld [smem:$0x3FFE];
	[sflag:s24] =	ssyncadd.s32 $0xFFFFFFFF  }
0x1d: {  	s27 =	simm.s32 $execute0_lowered;
	[smem:$0x3FD2] =	sst s26  }
0x1e: {  	s5 =	sshll.u32 s27, $0x1;
	_ =	strace $0x80000049;
	[dreg:$0x1] =	wrdreg $0xFFFFFFFF  }
0x1f: {  	s28 =	simm.s32 $_size_execute0_lowered;
	s3 =	sadd.s32 s3, s5;
	[dreg:$0x0] =	wrdreg $0x0  }
0x20: {  	s5 =	sshll.u32 s28, $0x1;
	[dreg:$0x2] =	wrdreg s3  }
0x21: {  	[dreg:$0x3] =	wrdreg s5  }
0x22: {  	[dreg:$0x4] =	wrdreg $0xC0  }
0x23: {  	_ =	task [dreg:s7], $0x5FFFF  }
0x24: {  	[dreg:$0x1] =	wrdreg $0xFFFFFFFF  }
0x25: {  	[dreg:$0x0] =	wrdreg $0x60  }
0x26: {  	[dreg:$0x2] =	wrdreg s25  }
0x27: {  	[dreg:$0x3] =	wrdreg s2  }
0x28: {  	[dreg:$0x4] =	wrdreg $0x9  }
0x29: {  	_ =	task.clear_ibuf [dreg:s7], $0x5FFFF;
	_ =	strace $0x90000049  }
0x2a: {  	s29 =	simm.s32 $0x9;
	_ =	strace $0x8000004B  }
0x2b: {  	_ =	swait.ge [sflag:s29], $0x1  }
0x2c: {  	[sflag:s29] =	ssyncadd.s32 $0xFFFFFFFF  }
0x2d: {  	_ =	strace $0x9000004B  }
0x2e: {  	_ =	sfence  }
0x2f: {  	s30 =	sld [smem:$0x0];
	_ =	sdelay $0x2  }
0x30: {  	s31 =	sshll.u32 s1, $0xD;
	s1 =	sshrl.u32 s1, $0x2  }
0x31: {  	s3 =	sand.u32 $0x4000, s31;
	s1 =	sadd.s32 s1, s30  }
0x32: {  	s0 =	sor.u32 s3, s0;
	s1 =	sshll.u32 s1, $0x11  }
0x33: {  	s0 =	sor.u32 s1, s0  }
0x34: {  	s0 =	sadd.s32 $0x8F2B, s0  }
0x35: {  	[sflag:s0] =	ssyncadd.remote.s32 $0x1  }
0x36: {  	_ =	sfence.sel $0xFFFF  }
0x37: {  	[dreg:$0x0] =	wrdreg $0xFFFFFFFF;
	(pc) =	sbr.abs _section_cstart, $3  }
0x38: {  	[dreg:$0x1] =	wrdreg $0xFFFFFFFF  }
0x39: {  	_ =	task.clear_ibuf [dreg:s7], $0x2FFFF;
	_ =	strace $0x9FFFFFFF  }
0x3a: {  	(tm) =	ssettm $0x7FFFFFFF  }
0x3b: {  	_ =	shalt  }
tec
execute0_lowered:
.L_overlay_start_1:
0x0: {  	(tag) =	ssettag $0x1  }
0x1: {  	s8 =	rddreg [dreg:$0x0]  }
0x2: {  	s0 =	stileid.u32;
	s1 =	srdreg.scid  }
0x3: {  	s2 =	rddreg [dreg:$0x1];
	s31 =	simm.s32 $0x2;
	s15 =	simm.s32 $0x0  }
0x4: {  	s14 =	simm.s32 $0x0;
	s13 =	simm.s32 $0x0;
	s3 =	sshll.u32 s0, $0x1  }
0x5: {  	s4 =	sshll.u32 s0, $0x5;
	s1 =	sshll.u32 s1, $0x9;
	s3 =	sand.u32 $0x6, s3  }
0x6: {  	s4 =	sor.u32 s4, s1;
	s1 =	rddreg [dreg:$0x2];
	_ =	strace $0x8000004A  }
0x7: {  	s4 =	sand.u32 $0x380, s4;
	s5 =	ssub.s32 $0x8, s3;
	s12 =	smov.u32 s3  }
0x8: {  	s6 =	sand.u32 $0x6, s5;
	s7 =	ssub.s32 $0x4800, s4;
	s10 =	sshrl.u32 s5, $0x3  }
0x9: {  	p0 =	sne.s32 s6, $0x0;
	s6 =	simm.s32 $0x1;
	s9 =	sand.u32 $0x380, s7  }
0xa: {  	s6 =	simm.s32 @!p0 $0x0;
	p0 =	sne.s32 s9, $0x0;
	s9 =	simm.s32 $0x1  }
.Ltmp0:
0xb: {  	s7 =	sshrl.u32 s7, $0xA;
	s9 =	simm.s32 @!p0 $0x0;
	(pc) =	sbr.rel .LBB1_1-.Ltmp0, $4  }
0xc: {  	s5 =	simm.s32 $0x1;
	s6 =	sadd.s32 s6, s10;
	s7 =	sadd.s32 s9, s7  }
0xd: {  	s11 =	smov.u32 s4;
	[sflag:s5] =	ssyncpa.u1 $0x0;
	s6 =	smul.u32 s6, s7  }
0xe: {  	[sflag:s31] =	ssyncpa.u1 $0x0;
	p0 =	por $0x0, $0x0;
	s10 =	simm.s32 $0x24000  }
0xf: {  	s7 =	sadd.s32 $0x240800, s8;
	s8 =	sadd.s32 $0x288800, s8;
	s9 =	sadd.s32 $0x1, s6  }
.LBB1_7:
0x10: {  	s16 =	sadd.s32 $0x400, s11  }
0x11: {  	s14 =	sadd.s32 $0x8, s12;
	s18 =	smov.u32 s12;
	p2 =	sgt.s32 s16, $0x47FF  }
0x12: {  	s18 =	smov.u32 @p2 s14  }
0x13: {  	s16 =	smov.u32 @p2 s4;
	p2 =	sgt.s32 s18, $0x7  }
0x14: {  	s18 =	smov.u32 @p2 s3;
	p2 =	sne.s32 s13, s9  }
.Ltmp1:
0x15: {  	p1 =	slt.u32 s13, $0x2;
	(pc) =	sbr.rel @!p2 .LBB1_8-.Ltmp1, $4  }
0x16: {  	s17 =	simm.s32 @!p1 $0x2  }
0x17: {  	s15 =	smov.u32 s11;
	p0 =	por !p0, !p0;
	_ =	swait.ge @!p1 [sflag:s17], $0x4000  }
0x18: {  	s14 =	smov.u32 s12;
	[sflag:s17] =	ssyncset.done @!p1 $0x0;
	s11 =	smov.u32 s16  }
0x19: {  	s13 =	sadd.s32 $0x1, s13;
	[sflag:s17] =	ssyncadd.s32 @!p1 $0xFFFFC000;
	s12 =	smov.u32 s18  }
.LBB1_1:
0x1a: {  	p1 =	sge.u32 s13, s6  }
0x1b: {  	s16 =	sand.u32 @!p1 $0x1FFFFFF, s11  }
0x1c: {  	s17 =	smulhi.u32 @!p1 $0xE38E39, s16;
	_ =	sdelay $0x1  }
0x1d: {  	s17 =	sshrl.u32 @!p1 s17, $0x6  }
0x1e: {  	s17 =	smul.u32 @!p1 $0x4800, s17  }
0x1f: {  	s18 =	sxor.u32 @!p1 $0xFFFFFFFF, s13;
	s19 =	smul.u32 @!p1 $0x48000, s12  }
0x20: {  	s18 =	sshll.u32 @!p1 s18, $0xE;
	s16 =	ssub.s32 @!p1 s16, s17  }
0x21: {  	s17 =	sand.u32 @!p1 $0x4000, s18;
	s18 =	sadd.s32 @!p1 s7, s19;
	s16 =	sshll.u32 @!p1 s16, $0x4  }
0x22: {  	s20 =	simm.s32 @!p1 $0x40;
	s21 =	simm.s32 @!p1 $0x80;
	s18 =	sadd.s32 @!p1 s16, s18  }
0x23: {  	[tilespmem:s17], [sflag:$0x1] =	stream.strided.gather @!p1 [hbm4b:s18+s20], $0x2000, s21, s20, $0x38;
	[tilespmem:$0x10100] =	vst v63  }
0x24: {  	s18 =	sadd.s32 @!p1 s19, s8  }
0x25: {  	s31 =	sadd.s32 $0xFFFFFFFF, s13;
	s17 =	sor.u32 @!p1 $0x2000, s17;
	s16 =	sadd.s32 @!p1 s16, s18  }
0x26: {  	[tilespmem:s17], [sflag:$0x1] =	stream.strided.gather @!p1 [hbm4b:s16+s20], $0x2000, s21, s20, $0x38;
	[tilespmem:$0x10100] =	vst v63  }
0x27: {  	p1 =	sge.u32 s31, s6  }
.Ltmp2:
0x28: {  	_ = 	snop;
	(pc) =	sbr.rel @p1 .LBB1_7-.Ltmp2, $1  }
0x29: {  	_ =	sdelay $0x3  }
0x2a: {  	s16 =	simm.s32 $0x1;
	s18 =	sand.u32 $0x1, s13  }
0x2b: {  	_ =	swait.ge [sflag:s5], $0x4000;
	s16 =	simm.s32 @!p0 $0x0;
	s18 =	smul.u32 $0x10200, s18  }
0x2c: {  	p2 =	por $0x1, $0x1;
	[sflag:s5] =	ssyncset.done $0x0;
	s17 =	smul.u32 $0x10200, s16  }
0x2d: {  	s19 =	sshll.u32 s16, $0x10;
	[sflag:s5] =	ssyncadd.s32 $0xFFFFC000;
	s30 =	sshrl.u32 s18, $0x2  }
0x2e: {  	s31 =	sshrl.u32 s19, $0x2;
	s19 =	simm.s32 $0x0;
	s17 =	sshrl.u32 s17, $0x2  }
0x2f: {  	s16 =	sor.u32 $0x8000, s30;
	s18 =	sadd.s32 $0x20, s31;
	s17 =	sor.u32 $0x8000, s17  }
.LBB1_3:
0x30: {  	s20 =	sshll.u32 s19, $0xD  }
0x31: {  	s20 =	sand.u32 $0x3FFFE000, s20  }
0x32: {  	s22 =	sadd.s32 s20, s18  }
0x33: {  	s31 =	smul.u32 $0x8100, s19;
	v3 =	vld [tilespmem:s22+$0x10]  }
0x34: {  	v1 =	vld [tilespmem:s22+$0xFFFFFFF0]  }
0x35: {  	s19 =	sshra.s32 s31, $0x2;
	v0 =	vld [tilespmem:s22+$0x0]  }
0x36: {  	s19 =	sadd.s32 s19, s17;
	v2 =	vld [tilespmem:s22+$0xFFFFFFE0]  }
0x37: {  	s20 =	sadd.s32 $0x0, s19  }
0x38: {  	p1 =	por p2, p2;
	s21 =	simm.s32 $0x4;
	s22 =	sadd.s32 $0x40, s22;
	[tilespmem:s20+$0x1830 ss:$0x81] =	vst.msk $0xffff, v3  }
.LBB1_4:
0x39: {  	v3 =	vld [tilespmem:s22+$0x10];
	p2 =	sne.s32 s21, $0x1FC;
	[tilespmem:s20+$0x810 ss:$0x81] =	vst.msk $0xffff, v1;
	s23 =	smov.u32 s21;
	s21 =	sadd.s32 $0x4, s21  }
.Ltmp3:
0x3a: {  	v1 =	vld [tilespmem:s22+$0xFFFFFFF0];
	[tilespmem:s20+$0x1020 ss:$0x81] =	vst.msk $0xffff, v0;
	(pc) =	sbr.rel @p2 .LBB1_4-.Ltmp3, $4  }
0x3b: {  	v0 =	vld [tilespmem:s22+$0x0];
	[tilespmem:s20+$0x0 ss:$0x81] =	vst.msk $0xffff, v2  }
0x3c: {  	s20 =	sshra.s32 s23, $0x2;
	v2 =	vld [tilespmem:s22+$0xFFFFFFE0]  }
0x3d: {  	s20 =	sadd.s32 s20, s19  }
0x3e: {  	s22 =	sadd.s32 $0x40, s22;
	[tilespmem:s20+$0x1830 ss:$0x81] =	vst.msk $0xffff, v3  }
.Ltmp4:
0x3f: {  	(pc) =	sbr.rel @p1 .LBB1_3-.Ltmp4, $4  }
0x40: {  	_ = 	snop  }
0x41: {  	[tilespmem:s20+$0x810 ss:$0x81] =	vst.msk $0xffff, v1  }
0x42: {  	[tilespmem:s20+$0x1020 ss:$0x81] =	vst.msk $0xffff, v0  }
0x43: {  	s19 =	simm.s32 $0x1;
	p2 =	por $0x0, $0x0;
	[tilespmem:s20+$0x0 ss:$0x81] =	vst.msk $0xffff, v2  }
0x44: {  	s17 =	sshll.u32 s15, $0x3  }
0x45: {  	s29 =	sand.u32 $0x7F, s15;
	s18 =	sand.u32 $0xFFFFFC00, s17  }
0x46: {  	s17 =	smulhi.u32 $0x38E38E39, s17;
	s15 =	sor.u32 s29, s18  }
0x47: {  	s18 =	smulhi.u32 $0x38E38E39, s15;
	_ =	sdelay $0x1  }
0x48: {  	s14 =	smul.u32 $0x24000, s14;
	s17 =	sshrl.u32 s17, $0xC;
	s18 =	sshrl.u32 s18, $0xC  }
0x49: {  	s17 =	sand.u32 $0x3F, s17;
	s18 =	smul.u32 $0x4800, s18  }
0x4a: {  	s17 =	smul.u32 $0x900, s17  }
.Ltmp5:
0x4b: {  	s15 =	ssub.s32 s15, s18;
	(pc) =	sbr.rel .LBB1_7-.Ltmp5, $4  }
0x4c: {  	s14 =	sadd.s32 s2, s14;
	s18 =	sand.u32 $0x7, s15  }
0x4d: {  	s14 =	sadd.s32 s17, s14;
	s15 =	sshrl.u32 s15, $0x3;
	s30 =	sshll.u32 s18, $0x12  }
0x4e: {  	s14 =	sadd.s32 s15, s14;
	s31 =	sor.u32 $0x400, s30  }
0x4f: {  	[hbm4b:s14+s31] =	stream.strided.scatter [tilespmem:s16], [sflag:$0x2], $0x4000, s10, s31, $0x20;
	[tilespmem:$0x10100] =	vst v63  }
.LBB1_8:
0x50: {  	_ =	sfence.sel $0x180000  }
0x51: {  	s2 =	simm.s32 $0x1;
	[bflag:$0x0] =	sbarrier.arrive $0xFFFF  }
0x52: {  	s31 =	simm.s32 $0x2;
	[sflag:s2] =	ssyncpa.u1 $0x1  }
0x53: {  	[sflag:s31] =	ssyncpa.u1 $0x1  }
0x54: {  	p0 =	sne.s32 s0, $0x0;
	_ =	strace $0x9000004A  }
0x55: {  	s0 =	sadd.s32 @!p0 $0x100000, s1;
	[bflag:$0x2] =	sbarrier.arrive $0xFFFF  }
0x56: {  	[sflag:s0] =	ssyncadd.tile.s32 @!p0 $0x1;
	_ =	shalt  }
.Lfunc_end1:
_tile_overlayer_lowered:
.L_overlay_start_2:
0x57: {  	(tag) =	ssettag $0x2  }
0x58: {  	s0 =	rddreg [dreg:$0x0];
	s2 =	stileid.u32  }
0x59: {  	s1 =	rddreg [dreg:$0x1];
	p0 =	sne.s32 s2, $0x0  }
0x5a: {  	s3 =	rddreg [dreg:$0x2];
	[bflag:$0x3] =	sbarrier.arrive $0xFFFF;
	s2 =	simm.s32 @!p0 $0x1C01  }
0x5b: {  	[timem:s3], [sflag:s2] =	dma.local @!p0 [hbm:s0], s1  }
0x5c: {  	s0 =	simm.s32 @!p0 $0x1  }
0x5d: {  	_ =	swait.ge @!p0 [sflag:s0], s1  }
0x5e: {  	s1 =	ssub.s32 @!p0 $0x0, s1;
	[sflag:s0] =	ssyncset.done @!p0 $0x0  }
0x5f: {  	[sflag:s0] =	ssyncadd.s32 @!p0 s1  }
0x60: {  	[bflag:$0x3] =	sbarrier.arrive $0xFFFF  }
0x61: {  	_ =	shalt  }

</sc_bundles>
